<compile_context>
chip_gen: v7x
topology: tpu7x:2x2x1
jax: 0.10.2.dev20260603
libtpu: 0.0.44.dev20260713+nightly
codegen_flags: <defaults>
</compile_context>

<pallas_src>
import functools
import math

import jax
import jax.numpy as jnp
from jax import lax
from jax.experimental import pallas as pl
from jax.experimental.pallas import tpu as pltpu
from jax.experimental.pallas import tpu_sc as plsc

VOCAB = 1000000
D = 64
SCALE = math.sqrt(D)
NC, NS = 2, 16
NW = NC * NS
CH = 200


def _emb_body(B, BPW, NCHUNK,
              x_hbm, table_hbm, out_hbm,
              idx_all, n0, n1, n2, w0, w1,
              g0, g1, g2, o0, o1):
    nar = (n0, n1, n2)
    wide = (w0, w1)
    gsem = (g0, g1, g2)
    osem = (o0, o1)
    wid = lax.axis_index("s") * NC + lax.axis_index("c")
    base = wid * BPW
    x1base = wid * NCHUNK

    pltpu.sync_copy(x_hbm.at[pl.ds(base, BPW)], idx_all)

    def start_gather(c, b):
        pltpu.async_copy(table_hbm.at[idx_all.at[pl.ds(c * CH, CH)]],
                         nar[b], gsem[b])

    def wait_gather(c, b):
        pltpu.make_async_copy(table_hbm.at[idx_all.at[pl.ds(c * CH, CH)]],
                              nar[b], gsem[b]).wait()

    def scale(b, v):
        src, dst = nar[b], wide[v]

        @plsc.parallel_loop(0, CH, unroll=4)
        def _(i):
            for col in range(D // 16):
                sl = pl.ds(col * 16, 16)
                dst[i, sl] = src[i, sl]

    def start_out(c, v):
        pltpu.async_copy(wide[v], out_hbm.at[x1base + c], osem[v])

    def wait_out(c, v):
        pltpu.make_async_copy(wide[v], out_hbm.at[x1base + c],
                              osem[v]).wait()

    def body(c, head, tail, b, v):
        wait_gather(c, b)
        if not head:
            wait_out(c - 2, v)
        scale(b, v)
        start_out(c, v)
        if not tail:
            start_gather(c + 3, b)

    start_gather(0, 0)
    start_gather(1, 1)
    start_gather(2, 2)
    body(0, True, False, 0, 0)
    body(1, True, False, 1, 1)
    lo = 2
    hi = NCHUNK - 3
    n6, rem = divmod(hi - lo, 6)

    if n6 > 0:
        def outer(t, _):
            c0 = lo + t * 6
            for j in range(6):
                body(c0 + j, False, False, (lo + j) % 3, (lo + j) % 2)
            return 0
        lax.fori_loop(0, n6, outer, 0)
    for c in range(lo + n6 * 6, hi):
        body(c, False, False, c % 3, c % 2)
    for c in range(hi, NCHUNK):
        body(c, False, True, c % 3, c % 2)
    wait_out(NCHUNK - 2, (NCHUNK - 2) % 2)
    wait_out(NCHUNK - 1, (NCHUNK - 1) % 2)


@functools.partial(jax.jit, static_argnames=("B", "R"))
def _emb(xf, table, B, R):
    BPW = B // NW
    NCHUNK = BPW // CH
    body = functools.partial(_emb_body, B, BPW, NCHUNK)
    run = pl.kernel(
        body,
        out_type=jax.ShapeDtypeStruct((R, CH, 2 * D), jnp.float32),
        mesh=plsc.VectorSubcoreMesh(core_axis_name="c", subcore_axis_name="s",
                                    num_cores=NC, num_subcores=NS),
        compiler_params=pltpu.CompilerParams(use_tc_tiling_on_sc=False),
        scratch_types=[
            pltpu.VMEM((BPW,), jnp.int32),
            pltpu.VMEM((CH, D), jnp.float32),
            pltpu.VMEM((CH, D), jnp.float32),
            pltpu.VMEM((CH, D), jnp.float32),
            pltpu.VMEM((CH, 2 * D), jnp.float32),
            pltpu.VMEM((CH, 2 * D), jnp.float32),
            pltpu.SemaphoreType.DMA,
            pltpu.SemaphoreType.DMA,
            pltpu.SemaphoreType.DMA,
            pltpu.SemaphoreType.DMA,
            pltpu.SemaphoreType.DMA,
        ],
    )
    return run(xf, table)


def kernel(x, table):
    R, C = x.shape
    assert C == CH and table.shape == (VOCAB, D)
    B = R * C
    xf = x.reshape(B).astype(jnp.int32)
    out = _emb(xf, table * SCALE, B, R)
    return out[:, :, :D]

# --- scband reference (transcript-rebuilt; emitter-appended) ---
"""Pipeline reference for scband-embeddings-32865089749369 (READ-ONLY COPY).

The authoritative reference and input builder live on the scoring server;
editing this copy changes nothing except your own understanding.
"""

import math
import jax, jax.numpy as jnp
import numpy as np

VOCAB = 1000000
EMB_DIM = 64
PADDING_IDX = 0


def setup_inputs(seed: int = 0) -> dict:
    key = jax.random.key(seed)
    k1, k2 = jax.random.split(key)
    x = jax.random.randint(k1, (4096, 200), 0, VOCAB, dtype=jnp.int64 if jax.config.jax_enable_x64 else jnp.int32)
    table = jax.random.normal(k2, (VOCAB, EMB_DIM), dtype=jnp.float32)
    # nn.Embedding with padding_idx zeroes that row
    table = table.at[PADDING_IDX].set(0.0)
    return {"x": x, "table": table}


def reference(x, table):
    # Embeddings.forward: self.lut(x) * math.sqrt(self.d_model)
    emb = jnp.take(table, x, axis=0)
    return emb * math.sqrt(EMB_DIM)

if __name__ == "__main__":
    import jax
    _d = setup_inputs()
    print(jax.jit(kernel)(*tuple(_d.values())))

</pallas_src>

<mosaic_0001>
#map = affine_map<(d0, d1) -> (0)>
#map1 = affine_map<(d0, d1) -> (0, 0)>
#map2 = affine_map<(d0, d1) -> (0, 0, 0)>
module attributes {stable_mosaic.version = 14 : i64} {
  func.func @_emb_body(%arg0: i32, %arg1: i32, %arg2: memref<819200xi32, #tpu.memory_space<hbm>>, %arg3: memref<1000000x64xf32, #tpu.memory_space<hbm>>, %arg4: memref<4096x200x128xf32, #tpu.memory_space<hbm>>, %arg5: memref<25600xi32, #tpu.memory_space<vmem>>, %arg6: memref<200x64xf32, #tpu.memory_space<vmem>>, %arg7: memref<200x64xf32, #tpu.memory_space<vmem>>, %arg8: memref<200x64xf32, #tpu.memory_space<vmem>>, %arg9: memref<200x128xf32, #tpu.memory_space<vmem>>, %arg10: memref<200x128xf32, #tpu.memory_space<vmem>>, %arg11: memref<!tpu.dma_semaphore, #tpu.memory_space<semaphore_mem>>, %arg12: memref<!tpu.dma_semaphore, #tpu.memory_space<semaphore_mem>>, %arg13: memref<!tpu.dma_semaphore, #tpu.memory_space<semaphore_mem>>, %arg14: memref<!tpu.dma_semaphore, #tpu.memory_space<semaphore_mem>>, %arg15: memref<!tpu.dma_semaphore, #tpu.memory_space<semaphore_mem>>) attributes {dimension_semantics = [#tpu.dimension_semantics<core_parallel>, #tpu.dimension_semantics<subcore_parallel>], iteration_bounds = array<i64: 2, 16>, scalar_prefetch = 0 : i64, scratch_operands = 11 : i64, tpu.core_type = #tpu.core_type<sc_vector_subcore>, window_params = [{transform_indices = #map}, {transform_indices = #map1}, {transform_indices = #map2}]} {
    %mul3A = arith.constant 2 : i32
    %mul3A_0 = arith.muli %arg1, %mul3A : i32
    %add3A = arith.addi %mul3A_0, %arg0 : i32
    %mul3A_1 = arith.constant 25600 : i32
    %mul3A_2 = arith.muli %add3A, %mul3A_1 : i32
    %mul3A_3 = arith.constant 128 : i32
    %mul3A_4 = arith.muli %add3A, %mul3A_3 : i32
    "tpu.region"() ({
      %run_scoped3A = tpu.sem_alloc : memref<!tpu.dma_semaphore, #tpu.memory_space<semaphore_mem>>
      %dma_start3A_272 = tpu.memref_slice %arg2[%mul3A_2] : memref<819200xi32, #tpu.memory_space<hbm>> -> memref<25600xi32, #tpu.memory_space<hbm>>
      %dma_start3A_273 = tpu.memref_slice %arg2[%mul3A_2] : memref<819200xi32, #tpu.memory_space<hbm>> -> memref<25600xi32, #tpu.memory_space<hbm>>
      tpu.enqueue_dma source(%dma_start3A_273 : memref<25600xi32, #tpu.memory_space<hbm>>) target(%arg5 : memref<25600xi32, #tpu.memory_space<vmem>>) target_semaphore(%run_scoped3A : memref<!tpu.dma_semaphore, #tpu.memory_space<semaphore_mem>>)
      %dma_wait3A_274 = tpu.memref_slice %arg2[%mul3A_2] : memref<819200xi32, #tpu.memory_space<hbm>> -> memref<25600xi32, #tpu.memory_space<hbm>>
      %dma_wait3A_275 = tpu.memref_slice %arg2[%mul3A_2] : memref<819200xi32, #tpu.memory_space<hbm>> -> memref<25600xi32, #tpu.memory_space<hbm>>
      tpu.wait_dma2 semaphore(%run_scoped3A : memref<!tpu.dma_semaphore, #tpu.memory_space<semaphore_mem>>) src(%dma_wait3A_275 : memref<25600xi32, #tpu.memory_space<hbm>>) dst(%arg5 : memref<25600xi32, #tpu.memory_space<vmem>>)
      tpu.yield
    }) : () -> ()
    %dma_start3A = arith.constant 0 : i32
    %dma_start3A_5 = tpu.memref_slice %arg5[%dma_start3A] : memref<25600xi32, #tpu.memory_space<vmem>> -> memref<200xi32, #tpu.memory_space<vmem>>
    %dma_start3A_6 = arith.constant 0 : i32
    %dma_start3A_7 = arith.constant 0 : i32
    %dma_start3A_8 = tpu.memref_slice %arg3[%dma_start3A_6, %dma_start3A_7] : memref<1000000x64xf32, #tpu.memory_space<hbm>> -> memref<1000000x64xf32, #tpu.memory_space<hbm>>
    tpu.enqueue_indirect_dma source(%dma_start3A_8 : memref<1000000x64xf32, #tpu.memory_space<hbm>>) target(%arg6 : memref<200x64xf32, #tpu.memory_space<vmem>>) offsets(%dma_start3A_5 : memref<200xi32, #tpu.memory_space<vmem>>) semaphore(%arg11 : memref<!tpu.dma_semaphore, #tpu.memory_space<semaphore_mem>>)
    %dma_start3A_9 = arith.constant 200 : i32
    %dma_start3A_10 = tpu.memref_slice %arg5[%dma_start3A_9] : memref<25600xi32, #tpu.memory_space<vmem>> -> memref<200xi32, #tpu.memory_space<vmem>>
    %dma_start3A_11 = arith.constant 0 : i32
    %dma_start3A_12 = arith.constant 0 : i32
    %dma_start3A_13 = tpu.memref_slice %arg3[%dma_start3A_11, %dma_start3A_12] : memref<1000000x64xf32, #tpu.memory_space<hbm>> -> memref<1000000x64xf32, #tpu.memory_space<hbm>>
    tpu.enqueue_indirect_dma source(%dma_start3A_13 : memref<1000000x64xf32, #tpu.memory_space<hbm>>) target(%arg7 : memref<200x64xf32, #tpu.memory_space<vmem>>) offsets(%dma_start3A_10 : memref<200xi32, #tpu.memory_space<vmem>>) semaphore(%arg12 : memref<!tpu.dma_semaphore, #tpu.memory_space<semaphore_mem>>)
    %dma_start3A_14 = arith.constant 400 : i32
    %dma_start3A_15 = tpu.memref_slice %arg5[%dma_start3A_14] : memref<25600xi32, #tpu.memory_space<vmem>> -> memref<200xi32, #tpu.memory_space<vmem>>
    %dma_start3A_16 = arith.constant 0 : i32
    %dma_start3A_17 = arith.constant 0 : i32
    %dma_start3A_18 = tpu.memref_slice %arg3[%dma_start3A_16, %dma_start3A_17] : memref<1000000x64xf32, #tpu.memory_space<hbm>> -> memref<1000000x64xf32, #tpu.memory_space<hbm>>
    tpu.enqueue_indirect_dma source(%dma_start3A_18 : memref<1000000x64xf32, #tpu.memory_space<hbm>>) target(%arg8 : memref<200x64xf32, #tpu.memory_space<vmem>>) offsets(%dma_start3A_15 : memref<200xi32, #tpu.memory_space<vmem>>) semaphore(%arg13 : memref<!tpu.dma_semaphore, #tpu.memory_space<semaphore_mem>>)
    %dma_wait3A = arith.constant 0 : i32
    %dma_wait3A_19 = tpu.memref_slice %arg5[%dma_wait3A] : memref<25600xi32, #tpu.memory_space<vmem>> -> memref<200xi32, #tpu.memory_space<vmem>>
    %dma_wait3A_20 = arith.constant 0 : i32
    %dma_wait3A_21 = arith.constant 0 : i32
    %dma_wait3A_22 = tpu.memref_slice %arg3[%dma_wait3A_20, %dma_wait3A_21] : memref<1000000x64xf32, #tpu.memory_space<hbm>> -> memref<1000000x64xf32, #tpu.memory_space<hbm>>
    tpu.wait_indirect_dma semaphore(%arg11 : memref<!tpu.dma_semaphore, #tpu.memory_space<semaphore_mem>>) src(%dma_wait3A_22 : memref<1000000x64xf32, #tpu.memory_space<hbm>>) dst(%arg6 : memref<200x64xf32, #tpu.memory_space<vmem>>)
    %parallel_loop3A = arith.constant 0 : i32
    %parallel_loop3A_23 = arith.constant 200 : i32
    %parallel_loop3A_24 = arith.constant 1 : i32
    scf.for %parallel_loop3A_272 = %parallel_loop3A to %parallel_loop3A_23 step %parallel_loop3A_24  : i32 {
      %parallel_loop3A_273 = arith.index_cast %parallel_loop3A_272 : i32 to index
      %parallel_loop3A_274 = arith.constant 0 : index
      %parallel_loop3A_275 = tpu.vector_load %arg6[%parallel_loop3A_273, %parallel_loop3A_274] {strides = array<i32>} : memref<200x64xf32, #tpu.memory_space<vmem>>, vector<1x16xf32>,
      %parallel_loop3A_276 = vector.shape_cast %parallel_loop3A_275 : vector<1x16xf32> to vector<16xf32>
      %parallel_loop3A_277 = arith.index_cast %parallel_loop3A_272 : i32 to index
      %parallel_loop3A_278 = arith.constant 0 : index
      %parallel_loop3A_279 = tpu.vector_load %arg9[%parallel_loop3A_277, %parallel_loop3A_278] {strides = array<i32>} : memref<200x128xf32, #tpu.memory_space<vmem>>, vector<1x16xf32>,
      %parallel_loop3A_280 = vector.shape_cast %parallel_loop3A_279 : vector<1x16xf32> to vector<16xf32>
      %parallel_loop3A_281 = vector.shape_cast %parallel_loop3A_276 : vector<16xf32> to vector<1x16xf32>
      tpu.vector_store %arg9[%parallel_loop3A_277, %parallel_loop3A_278], %parallel_loop3A_281 {strides = array<i32>} : memref<200x128xf32, #tpu.memory_space<vmem>>, vector<1x16xf32>,
      %parallel_loop3A_282 = arith.index_cast %parallel_loop3A_272 : i32 to index
      %parallel_loop3A_283 = arith.constant 16 : index
      %parallel_loop3A_284 = tpu.vector_load %arg6[%parallel_loop3A_282, %parallel_loop3A_283] {strides = array<i32>} : memref<200x64xf32, #tpu.memory_space<vmem>>, vector<1x16xf32>,
      %parallel_loop3A_285 = vector.shape_cast %parallel_loop3A_284 : vector<1x16xf32> to vector<16xf32>
      %parallel_loop3A_286 = arith.index_cast %parallel_loop3A_272 : i32 to index
      %parallel_loop3A_287 = arith.constant 16 : index
      %parallel_loop3A_288 = tpu.vector_load %arg9[%parallel_loop3A_286, %parallel_loop3A_287] {strides = array<i32>} : memref<200x128xf32, #tpu.memory_space<vmem>>, vector<1x16xf32>,
      %parallel_loop3A_289 = vector.shape_cast %parallel_loop3A_288 : vector<1x16xf32> to vector<16xf32>
      %parallel_loop3A_290 = vector.shape_cast %parallel_loop3A_285 : vector<16xf32> to vector<1x16xf32>
      tpu.vector_store %arg9[%parallel_loop3A_286, %parallel_loop3A_287], %parallel_loop3A_290 {strides = array<i32>} : memref<200x128xf32, #tpu.memory_space<vmem>>, vector<1x16xf32>,
      %parallel_loop3A_291 = arith.index_cast %parallel_loop3A_272 : i32 to index
      %parallel_loop3A_292 = arith.constant 32 : index
      %parallel_loop3A_293 = tpu.vector_load %arg6[%parallel_loop3A_291, %parallel_loop3A_292] {strides = array<i32>} : memref<200x64xf32, #tpu.memory_space<vmem>>, vector<1x16xf32>,
      %parallel_loop3A_294 = vector.shape_cast %parallel_loop3A_293 : vector<1x16xf32> to vector<16xf32>
      %parallel_loop3A_295 = arith.index_cast %parallel_loop3A_272 : i32 to index
      %parallel_loop3A_296 = arith.constant 32 : index
      %parallel_loop3A_297 = tpu.vector_load %arg9[%parallel_loop3A_295, %parallel_loop3A_296] {strides = array<i32>} : memref<200x128xf32, #tpu.memory_space<vmem>>, vector<1x16xf32>,
      %parallel_loop3A_298 = vector.shape_cast %parallel_loop3A_297 : vector<1x16xf32> to vector<16xf32>
      %parallel_loop3A_299 = vector.shape_cast %parallel_loop3A_294 : vector<16xf32> to vector<1x16xf32>
      tpu.vector_store %arg9[%parallel_loop3A_295, %parallel_loop3A_296], %parallel_loop3A_299 {strides = array<i32>} : memref<200x128xf32, #tpu.memory_space<vmem>>, vector<1x16xf32>,
      %parallel_loop3A_300 = arith.index_cast %parallel_loop3A_272 : i32 to index
      %parallel_loop3A_301 = arith.constant 48 : index
      %parallel_loop3A_302 = tpu.vector_load %arg6[%parallel_loop3A_300, %parallel_loop3A_301] {strides = array<i32>} : memref<200x64xf32, #tpu.memory_space<vmem>>, vector<1x16xf32>,
      %parallel_loop3A_303 = vector.shape_cast %parallel_loop3A_302 : vector<1x16xf32> to vector<16xf32>
      %parallel_loop3A_304 = arith.index_cast %parallel_loop3A_272 : i32 to index
      %parallel_loop3A_305 = arith.constant 48 : index
      %parallel_loop3A_306 = tpu.vector_load %arg9[%parallel_loop3A_304, %parallel_loop3A_305] {strides = array<i32>} : memref<200x128xf32, #tpu.memory_space<vmem>>, vector<1x16xf32>,
      %parallel_loop3A_307 = vector.shape_cast %parallel_loop3A_306 : vector<1x16xf32> to vector<16xf32>
      %parallel_loop3A_308 = vector.shape_cast %parallel_loop3A_303 : vector<16xf32> to vector<1x16xf32>
      tpu.vector_store %arg9[%parallel_loop3A_304, %parallel_loop3A_305], %parallel_loop3A_308 {strides = array<i32>} : memref<200x128xf32, #tpu.memory_space<vmem>>, vector<1x16xf32>,
    } {sc.loop_unroll_factor = 4 : i64, sc.parallel_access}
    %add3A_25 = arith.constant 0 : i32
    %add3A_26 = arith.addi %mul3A_4, %add3A_25 : i32
    %dma_start3A_27 = arith.constant 0 : i32
    %dma_start3A_28 = arith.constant 0 : i32
    %dma_start3A_29 = tpu.memref_slice %arg4[%add3A_26, %dma_start3A_27, %dma_start3A_28] : memref<4096x200x128xf32, #tpu.memory_space<hbm>> -> memref<1x200x128xf32, #tpu.memory_space<hbm>>
    %dma_start3A_30 = tpu.memref_squeeze %dma_start3A_29 : memref<1x200x128xf32, #tpu.memory_space<hbm>> -> memref<200x128xf32, #tpu.memory_space<hbm>>
    %dma_start3A_31 = arith.constant 0 : i32
    %dma_start3A_32 = arith.constant 0 : i32
    %dma_start3A_33 = tpu.memref_slice %arg4[%add3A_26, %dma_start3A_31, %dma_start3A_32] : memref<4096x200x128xf32, #tpu.memory_space<hbm>> -> memref<1x200x128xf32, #tpu.memory_space<hbm>>
    %dma_start3A_34 = tpu.memref_squeeze %dma_start3A_33 : memref<1x200x128xf32, #tpu.memory_space<hbm>> -> memref<200x128xf32, #tpu.memory_space<hbm>>
    tpu.enqueue_dma source(%arg9 : memref<200x128xf32, #tpu.memory_space<vmem>>) target(%dma_start3A_34 : memref<200x128xf32, #tpu.memory_space<hbm>>) target_semaphore(%arg14 : memref<!tpu.dma_semaphore, #tpu.memory_space<semaphore_mem>>)
    %dma_start3A_35 = arith.constant 600 : i32
    %dma_start3A_36 = tpu.memref_slice %arg5[%dma_start3A_35] : memref<25600xi32, #tpu.memory_space<vmem>> -> memref<200xi32, #tpu.memory_space<vmem>>
    %dma_start3A_37 = arith.constant 0 : i32
    %dma_start3A_38 = arith.constant 0 : i32
    %dma_start3A_39 = tpu.memref_slice %arg3[%dma_start3A_37, %dma_start3A_38] : memref<1000000x64xf32, #tpu.memory_space<hbm>> -> memref<1000000x64xf32, #tpu.memory_space<hbm>>
    tpu.enqueue_indirect_dma source(%dma_start3A_39 : memref<1000000x64xf32, #tpu.memory_space<hbm>>) target(%arg6 : memref<200x64xf32, #tpu.memory_space<vmem>>) offsets(%dma_start3A_36 : memref<200xi32, #tpu.memory_space<vmem>>) semaphore(%arg11 : memref<!tpu.dma_semaphore, #tpu.memory_space<semaphore_mem>>)
    %dma_wait3A_40 = arith.constant 200 : i32
    %dma_wait3A_41 = tpu.memref_slice %arg5[%dma_wait3A_40] : memref<25600xi32, #tpu.memory_space<vmem>> -> memref<200xi32, #tpu.memory_space<vmem>>
    %dma_wait3A_42 = arith.constant 0 : i32
    %dma_wait3A_43 = arith.constant 0 : i32
    %dma_wait3A_44 = tpu.memref_slice %arg3[%dma_wait3A_42, %dma_wait3A_43] : memref<1000000x64xf32, #tpu.memory_space<hbm>> -> memref<1000000x64xf32, #tpu.memory_space<hbm>>
    tpu.wait_indirect_dma semaphore(%arg12 : memref<!tpu.dma_semaphore, #tpu.memory_space<semaphore_mem>>) src(%dma_wait3A_44 : memref<1000000x64xf32, #tpu.memory_space<hbm>>) dst(%arg7 : memref<200x64xf32, #tpu.memory_space<vmem>>)
    %parallel_loop3A_45 = arith.constant 0 : i32
    %parallel_loop3A_46 = arith.constant 200 : i32
    %parallel_loop3A_47 = arith.constant 1 : i32
    scf.for %parallel_loop3A_272 = %parallel_loop3A_45 to %parallel_loop3A_46 step %parallel_loop3A_47  : i32 {
      %parallel_loop3A_273 = arith.index_cast %parallel_loop3A_272 : i32 to index
      %parallel_loop3A_274 = arith.constant 0 : index
      %parallel_loop3A_275 = tpu.vector_load %arg7[%parallel_loop3A_273, %parallel_loop3A_274] {strides = array<i32>} : memref<200x64xf32, #tpu.memory_space<vmem>>, vector<1x16xf32>,
      %parallel_loop3A_276 = vector.shape_cast %parallel_loop3A_275 : vector<1x16xf32> to vector<16xf32>
      %parallel_loop3A_277 = arith.index_cast %parallel_loop3A_272 : i32 to index
      %parallel_loop3A_278 = arith.constant 0 : index
      %parallel_loop3A_279 = tpu.vector_load %arg10[%parallel_loop3A_277, %parallel_loop3A_278] {strides = array<i32>} : memref<200x128xf32, #tpu.memory_space<vmem>>, vector<1x16xf32>,
      %parallel_loop3A_280 = vector.shape_cast %parallel_loop3A_279 : vector<1x16xf32> to vector<16xf32>
      %parallel_loop3A_281 = vector.shape_cast %parallel_loop3A_276 : vector<16xf32> to vector<1x16xf32>
      tpu.vector_store %arg10[%parallel_loop3A_277, %parallel_loop3A_278], %parallel_loop3A_281 {strides = array<i32>} : memref<200x128xf32, #tpu.memory_space<vmem>>, vector<1x16xf32>,
      %parallel_loop3A_282 = arith.index_cast %parallel_loop3A_272 : i32 to index
      %parallel_loop3A_283 = arith.constant 16 : index
      %parallel_loop3A_284 = tpu.vector_load %arg7[%parallel_loop3A_282, %parallel_loop3A_283] {strides = array<i32>} : memref<200x64xf32, #tpu.memory_space<vmem>>, vector<1x16xf32>,
      %parallel_loop3A_285 = vector.shape_cast %parallel_loop3A_284 : vector<1x16xf32> to vector<16xf32>
      %parallel_loop3A_286 = arith.index_cast %parallel_loop3A_272 : i32 to index
      %parallel_loop3A_287 = arith.constant 16 : index
      %parallel_loop3A_288 = tpu.vector_load %arg10[%parallel_loop3A_286, %parallel_loop3A_287] {strides = array<i32>} : memref<200x128xf32, #tpu.memory_space<vmem>>, vector<1x16xf32>,
      %parallel_loop3A_289 = vector.shape_cast %parallel_loop3A_288 : vector<1x16xf32> to vector<16xf32>
      %parallel_loop3A_290 = vector.shape_cast %parallel_loop3A_285 : vector<16xf32> to vector<1x16xf32>
      tpu.vector_store %arg10[%parallel_loop3A_286, %parallel_loop3A_287], %parallel_loop3A_290 {strides = array<i32>} : memref<200x128xf32, #tpu.memory_space<vmem>>, vector<1x16xf32>,
      %parallel_loop3A_291 = arith.index_cast %parallel_loop3A_272 : i32 to index
      %parallel_loop3A_292 = arith.constant 32 : index
      %parallel_loop3A_293 = tpu.vector_load %arg7[%parallel_loop3A_291, %parallel_loop3A_292] {strides = array<i32>} : memref<200x64xf32, #tpu.memory_space<vmem>>, vector<1x16xf32>,
      %parallel_loop3A_294 = vector.shape_cast %parallel_loop3A_293 : vector<1x16xf32> to vector<16xf32>
      %parallel_loop3A_295 = arith.index_cast %parallel_loop3A_272 : i32 to index
      %parallel_loop3A_296 = arith.constant 32 : index
      %parallel_loop3A_297 = tpu.vector_load %arg10[%parallel_loop3A_295, %parallel_loop3A_296] {strides = array<i32>} : memref<200x128xf32, #tpu.memory_space<vmem>>, vector<1x16xf32>,
      %parallel_loop3A_298 = vector.shape_cast %parallel_loop3A_297 : vector<1x16xf32> to vector<16xf32>
      %parallel_loop3A_299 = vector.shape_cast %parallel_loop3A_294 : vector<16xf32> to vector<1x16xf32>
      tpu.vector_store %arg10[%parallel_loop3A_295, %parallel_loop3A_296], %parallel_loop3A_299 {strides = array<i32>} : memref<200x128xf32, #tpu.memory_space<vmem>>, vector<1x16xf32>,
      %parallel_loop3A_300 = arith.index_cast %parallel_loop3A_272 : i32 to index
      %parallel_loop3A_301 = arith.constant 48 : index
      %parallel_loop3A_302 = tpu.vector_load %arg7[%parallel_loop3A_300, %parallel_loop3A_301] {strides = array<i32>} : memref<200x64xf32, #tpu.memory_space<vmem>>, vector<1x16xf32>,
      %parallel_loop3A_303 = vector.shape_cast %parallel_loop3A_302 : vector<1x16xf32> to vector<16xf32>
      %parallel_loop3A_304 = arith.index_cast %parallel_loop3A_272 : i32 to index
      %parallel_loop3A_305 = arith.constant 48 : index
      %parallel_loop3A_306 = tpu.vector_load %arg10[%parallel_loop3A_304, %parallel_loop3A_305] {strides = array<i32>} : memref<200x128xf32, #tpu.memory_space<vmem>>, vector<1x16xf32>,
      %parallel_loop3A_307 = vector.shape_cast %parallel_loop3A_306 : vector<1x16xf32> to vector<16xf32>
      %parallel_loop3A_308 = vector.shape_cast %parallel_loop3A_303 : vector<16xf32> to vector<1x16xf32>
      tpu.vector_store %arg10[%parallel_loop3A_304, %parallel_loop3A_305], %parallel_loop3A_308 {strides = array<i32>} : memref<200x128xf32, #tpu.memory_space<vmem>>, vector<1x16xf32>,
    } {sc.loop_unroll_factor = 4 : i64, sc.parallel_access}
    %add3A_48 = arith.constant 1 : i32
    %add3A_49 = arith.addi %mul3A_4, %add3A_48 : i32
    %dma_start3A_50 = arith.constant 0 : i32
    %dma_start3A_51 = arith.constant 0 : i32
    %dma_start3A_52 = tpu.memref_slice %arg4[%add3A_49, %dma_start3A_50, %dma_start3A_51] : memref<4096x200x128xf32, #tpu.memory_space<hbm>> -> memref<1x200x128xf32, #tpu.memory_space<hbm>>
    %dma_start3A_53 = tpu.memref_squeeze %dma_start3A_52 : memref<1x200x128xf32, #tpu.memory_space<hbm>> -> memref<200x128xf32, #tpu.memory_space<hbm>>
    %dma_start3A_54 = arith.constant 0 : i32
    %dma_start3A_55 = arith.constant 0 : i32
    %dma_start3A_56 = tpu.memref_slice %arg4[%add3A_49, %dma_start3A_54, %dma_start3A_55] : memref<4096x200x128xf32, #tpu.memory_space<hbm>> -> memref<1x200x128xf32, #tpu.memory_space<hbm>>
    %dma_start3A_57 = tpu.memref_squeeze %dma_start3A_56 : memref<1x200x128xf32, #tpu.memory_space<hbm>> -> memref<200x128xf32, #tpu.memory_space<hbm>>
    tpu.enqueue_dma source(%arg10 : memref<200x128xf32, #tpu.memory_space<vmem>>) target(%dma_start3A_57 : memref<200x128xf32, #tpu.memory_space<hbm>>) target_semaphore(%arg15 : memref<!tpu.dma_semaphore, #tpu.memory_space<semaphore_mem>>)
    %dma_start3A_58 = arith.constant 800 : i32
    %dma_start3A_59 = tpu.memref_slice %arg5[%dma_start3A_58] : memref<25600xi32, #tpu.memory_space<vmem>> -> memref<200xi32, #tpu.memory_space<vmem>>
    %dma_start3A_60 = arith.constant 0 : i32
    %dma_start3A_61 = arith.constant 0 : i32
    %dma_start3A_62 = tpu.memref_slice %arg3[%dma_start3A_60, %dma_start3A_61] : memref<1000000x64xf32, #tpu.memory_space<hbm>> -> memref<1000000x64xf32, #tpu.memory_space<hbm>>
    tpu.enqueue_indirect_dma source(%dma_start3A_62 : memref<1000000x64xf32, #tpu.memory_space<hbm>>) target(%arg7 : memref<200x64xf32, #tpu.memory_space<vmem>>) offsets(%dma_start3A_59 : memref<200xi32, #tpu.memory_space<vmem>>) semaphore(%arg12 : memref<!tpu.dma_semaphore, #tpu.memory_space<semaphore_mem>>)
    %scan3A = arith.constant 0 : i32
    %scan3A_63 = arith.constant 0 : i32
    %scan3A_64 = arith.constant 20 : i32
    %scan3A_65 = arith.addi %scan3A_63, %scan3A_64 : i32
    %scan3A_66 = arith.constant 1 : i32
    %scan3A_67 = scf.for %scan3A_272 = %scan3A_63 to %scan3A_65 step %scan3A_66 iter_args(%scan3A_273 = %scan3A) -> (i32)  : i32 {
      %mul3A_274 = arith.constant 6 : i32
      %mul3A_275 = arith.muli %scan3A_272, %mul3A_274 : i32
      %add3A_276 = arith.constant 2 : i32
      %add3A_277 = arith.addi %add3A_276, %mul3A_275 : i32
      %add3A_278 = arith.constant 0 : i32
      %add3A_279 = arith.addi %add3A_277, %add3A_278 : i32
      %mul3A_280 = arith.constant 200 : i32
      %mul3A_281 = arith.muli %add3A_279, %mul3A_280 : i32
      %dma_wait3A_282 = tpu.memref_slice %arg5[%mul3A_281] : memref<25600xi32, #tpu.memory_space<vmem>> -> memref<200xi32, #tpu.memory_space<vmem>>
      %dma_wait3A_283 = arith.constant 0 : i32
      %dma_wait3A_284 = arith.constant 0 : i32
      %dma_wait3A_285 = tpu.memref_slice %arg3[%dma_wait3A_283, %dma_wait3A_284] : memref<1000000x64xf32, #tpu.memory_space<hbm>> -> memref<1000000x64xf32, #tpu.memory_space<hbm>>
      tpu.wait_indirect_dma semaphore(%arg13 : memref<!tpu.dma_semaphore, #tpu.memory_space<semaphore_mem>>) src(%dma_wait3A_285 : memref<1000000x64xf32, #tpu.memory_space<hbm>>) dst(%arg8 : memref<200x64xf32, #tpu.memory_space<vmem>>)
      %sub3A = arith.constant 2 : i32
      %sub3A_286 = arith.subi %add3A_279, %sub3A : i32
      %add3A_287 = arith.addi %mul3A_4, %sub3A_286 : i32
      %dma_wait3A_288 = arith.constant 0 : i32
      %dma_wait3A_289 = arith.constant 0 : i32
      %dma_wait3A_290 = tpu.memref_slice %arg4[%add3A_287, %dma_wait3A_288, %dma_wait3A_289] : memref<4096x200x128xf32, #tpu.memory_space<hbm>> -> memref<1x200x128xf32, #tpu.memory_space<hbm>>
      %dma_wait3A_291 = tpu.memref_squeeze %dma_wait3A_290 : memref<1x200x128xf32, #tpu.memory_space<hbm>> -> memref<200x128xf32, #tpu.memory_space<hbm>>
      %dma_wait3A_292 = arith.constant 0 : i32
      %dma_wait3A_293 = arith.constant 0 : i32
      %dma_wait3A_294 = tpu.memref_slice %arg4[%add3A_287, %dma_wait3A_292, %dma_wait3A_293] : memref<4096x200x128xf32, #tpu.memory_space<hbm>> -> memref<1x200x128xf32, #tpu.memory_space<hbm>>
      %dma_wait3A_295 = tpu.memref_squeeze %dma_wait3A_294 : memref<1x200x128xf32, #tpu.memory_space<hbm>> -> memref<200x128xf32, #tpu.memory_space<hbm>>
      tpu.wait_dma2 semaphore(%arg14 : memref<!tpu.dma_semaphore, #tpu.memory_space<semaphore_mem>>) src(%arg9 : memref<200x128xf32, #tpu.memory_space<vmem>>) dst(%dma_wait3A_295 : memref<200x128xf32, #tpu.memory_space<hbm>>)
      %parallel_loop3A_296 = arith.constant 0 : i32
      %parallel_loop3A_297 = arith.constant 200 : i32
      %parallel_loop3A_298 = arith.constant 1 : i32
      scf.for %parallel_loop3A_512 = %parallel_loop3A_296 to %parallel_loop3A_297 step %parallel_loop3A_298  : i32 {
        %parallel_loop3A_513 = arith.index_cast %parallel_loop3A_512 : i32 to index
        %parallel_loop3A_514 = arith.constant 0 : index
        %parallel_loop3A_515 = tpu.vector_load %arg8[%parallel_loop3A_513, %parallel_loop3A_514] {strides = array<i32>} : memref<200x64xf32, #tpu.memory_space<vmem>>, vector<1x16xf32>,
        %parallel_loop3A_516 = vector.shape_cast %parallel_loop3A_515 : vector<1x16xf32> to vector<16xf32>
        %parallel_loop3A_517 = arith.index_cast %parallel_loop3A_512 : i32 to index
        %parallel_loop3A_518 = arith.constant 0 : index
        %parallel_loop3A_519 = tpu.vector_load %arg9[%parallel_loop3A_517, %parallel_loop3A_518] {strides = array<i32>} : memref<200x128xf32, #tpu.memory_space<vmem>>, vector<1x16xf32>,
        %parallel_loop3A_520 = vector.shape_cast %parallel_loop3A_519 : vector<1x16xf32> to vector<16xf32>
        %parallel_loop3A_521 = vector.shape_cast %parallel_loop3A_516 : vector<16xf32> to vector<1x16xf32>
        tpu.vector_store %arg9[%parallel_loop3A_517, %parallel_loop3A_518], %parallel_loop3A_521 {strides = array<i32>} : memref<200x128xf32, #tpu.memory_space<vmem>>, vector<1x16xf32>,
        %parallel_loop3A_522 = arith.index_cast %parallel_loop3A_512 : i32 to index
        %parallel_loop3A_523 = arith.constant 16 : index
        %parallel_loop3A_524 = tpu.vector_load %arg8[%parallel_loop3A_522, %parallel_loop3A_523] {strides = array<i32>} : memref<200x64xf32, #tpu.memory_space<vmem>>, vector<1x16xf32>,
        %parallel_loop3A_525 = vector.shape_cast %parallel_loop3A_524 : vector<1x16xf32> to vector<16xf32>
        %parallel_loop3A_526 = arith.index_cast %parallel_loop3A_512 : i32 to index
        %parallel_loop3A_527 = arith.constant 16 : index
        %parallel_loop3A_528 = tpu.vector_load %arg9[%parallel_loop3A_526, %parallel_loop3A_527] {strides = array<i32>} : memref<200x128xf32, #tpu.memory_space<vmem>>, vector<1x16xf32>,
        %parallel_loop3A_529 = vector.shape_cast %parallel_loop3A_528 : vector<1x16xf32> to vector<16xf32>
        %parallel_loop3A_530 = vector.shape_cast %parallel_loop3A_525 : vector<16xf32> to vector<1x16xf32>
        tpu.vector_store %arg9[%parallel_loop3A_526, %parallel_loop3A_527], %parallel_loop3A_530 {strides = array<i32>} : memref<200x128xf32, #tpu.memory_space<vmem>>, vector<1x16xf32>,
        %parallel_loop3A_531 = arith.index_cast %parallel_loop3A_512 : i32 to index
        %parallel_loop3A_532 = arith.constant 32 : index
        %parallel_loop3A_533 = tpu.vector_load %arg8[%parallel_loop3A_531, %parallel_loop3A_532] {strides = array<i32>} : memref<200x64xf32, #tpu.memory_space<vmem>>, vector<1x16xf32>,
        %parallel_loop3A_534 = vector.shape_cast %parallel_loop3A_533 : vector<1x16xf32> to vector<16xf32>
        %parallel_loop3A_535 = arith.index_cast %parallel_loop3A_512 : i32 to index
        %parallel_loop3A_536 = arith.constant 32 : index
        %parallel_loop3A_537 = tpu.vector_load %arg9[%parallel_loop3A_535, %parallel_loop3A_536] {strides = array<i32>} : memref<200x128xf32, #tpu.memory_space<vmem>>, vector<1x16xf32>,
        %parallel_loop3A_538 = vector.shape_cast %parallel_loop3A_537 : vector<1x16xf32> to vector<16xf32>
        %parallel_loop3A_539 = vector.shape_cast %parallel_loop3A_534 : vector<16xf32> to vector<1x16xf32>
        tpu.vector_store %arg9[%parallel_loop3A_535, %parallel_loop3A_536], %parallel_loop3A_539 {strides = array<i32>} : memref<200x128xf32, #tpu.memory_space<vmem>>, vector<1x16xf32>,
        %parallel_loop3A_540 = arith.index_cast %parallel_loop3A_512 : i32 to index
        %parallel_loop3A_541 = arith.constant 48 : index
        %parallel_loop3A_542 = tpu.vector_load %arg8[%parallel_loop3A_540, %parallel_loop3A_541] {strides = array<i32>} : memref<200x64xf32, #tpu.memory_space<vmem>>, vector<1x16xf32>,
        %parallel_loop3A_543 = vector.shape_cast %parallel_loop3A_542 : vector<1x16xf32> to vector<16xf32>
        %parallel_loop3A_544 = arith.index_cast %parallel_loop3A_512 : i32 to index
        %parallel_loop3A_545 = arith.constant 48 : index
        %parallel_loop3A_546 = tpu.vector_load %arg9[%parallel_loop3A_544, %parallel_loop3A_545] {strides = array<i32>} : memref<200x128xf32, #tpu.memory_space<vmem>>, vector<1x16xf32>,
        %parallel_loop3A_547 = vector.shape_cast %parallel_loop3A_546 : vector<1x16xf32> to vector<16xf32>
        %parallel_loop3A_548 = vector.shape_cast %parallel_loop3A_543 : vector<16xf32> to vector<1x16xf32>
        tpu.vector_store %arg9[%parallel_loop3A_544, %parallel_loop3A_545], %parallel_loop3A_548 {strides = array<i32>} : memref<200x128xf32, #tpu.memory_space<vmem>>, vector<1x16xf32>,
      } {sc.loop_unroll_factor = 4 : i64, sc.parallel_access}
      %add3A_299 = arith.addi %mul3A_4, %add3A_279 : i32
      %dma_start3A_300 = arith.constant 0 : i32
      %dma_start3A_301 = arith.constant 0 : i32
      %dma_start3A_302 = tpu.memref_slice %arg4[%add3A_299, %dma_start3A_300, %dma_start3A_301] : memref<4096x200x128xf32, #tpu.memory_space<hbm>> -> memref<1x200x128xf32, #tpu.memory_space<hbm>>
      %dma_start3A_303 = tpu.memref_squeeze %dma_start3A_302 : memref<1x200x128xf32, #tpu.memory_space<hbm>> -> memref<200x128xf32, #tpu.memory_space<hbm>>
      %dma_start3A_304 = arith.constant 0 : i32
      %dma_start3A_305 = arith.constant 0 : i32
      %dma_start3A_306 = tpu.memref_slice %arg4[%add3A_299, %dma_start3A_304, %dma_start3A_305] : memref<4096x200x128xf32, #tpu.memory_space<hbm>> -> memref<1x200x128xf32, #tpu.memory_space<hbm>>
      %dma_start3A_307 = tpu.memref_squeeze %dma_start3A_306 : memref<1x200x128xf32, #tpu.memory_space<hbm>> -> memref<200x128xf32, #tpu.memory_space<hbm>>
      tpu.enqueue_dma source(%arg9 : memref<200x128xf32, #tpu.memory_space<vmem>>) target(%dma_start3A_307 : memref<200x128xf32, #tpu.memory_space<hbm>>) target_semaphore(%arg14 : memref<!tpu.dma_semaphore, #tpu.memory_space<semaphore_mem>>)
      %add3A_308 = arith.constant 3 : i32
      %add3A_309 = arith.addi %add3A_279, %add3A_308 : i32
      %mul3A_310 = arith.constant 200 : i32
      %mul3A_311 = arith.muli %add3A_309, %mul3A_310 : i32
      %dma_start3A_312 = tpu.memref_slice %arg5[%mul3A_311] : memref<25600xi32, #tpu.memory_space<vmem>> -> memref<200xi32, #tpu.memory_space<vmem>>
      %dma_start3A_313 = arith.constant 0 : i32
      %dma_start3A_314 = arith.constant 0 : i32
      %dma_start3A_315 = tpu.memref_slice %arg3[%dma_start3A_313, %dma_start3A_314] : memref<1000000x64xf32, #tpu.memory_space<hbm>> -> memref<1000000x64xf32, #tpu.memory_space<hbm>>
      tpu.enqueue_indirect_dma source(%dma_start3A_315 : memref<1000000x64xf32, #tpu.memory_space<hbm>>) target(%arg8 : memref<200x64xf32, #tpu.memory_space<vmem>>) offsets(%dma_start3A_312 : memref<200xi32, #tpu.memory_space<vmem>>) semaphore(%arg13 : memref<!tpu.dma_semaphore, #tpu.memory_space<semaphore_mem>>)
      %add3A_316 = arith.constant 1 : i32
      %add3A_317 = arith.addi %add3A_277, %add3A_316 : i32
      %mul3A_318 = arith.constant 200 : i32
      %mul3A_319 = arith.muli %add3A_317, %mul3A_318 : i32
      %dma_wait3A_320 = tpu.memref_slice %arg5[%mul3A_319] : memref<25600xi32, #tpu.memory_space<vmem>> -> memref<200xi32, #tpu.memory_space<vmem>>
      %dma_wait3A_321 = arith.constant 0 : i32
      %dma_wait3A_322 = arith.constant 0 : i32
      %dma_wait3A_323 = tpu.memref_slice %arg3[%dma_wait3A_321, %dma_wait3A_322] : memref<1000000x64xf32, #tpu.memory_space<hbm>> -> memref<1000000x64xf32, #tpu.memory_space<hbm>>
      tpu.wait_indirect_dma semaphore(%arg11 : memref<!tpu.dma_semaphore, #tpu.memory_space<semaphore_mem>>) src(%dma_wait3A_323 : memref<1000000x64xf32, #tpu.memory_space<hbm>>) dst(%arg6 : memref<200x64xf32, #tpu.memory_space<vmem>>)
      %sub3A_324 = arith.constant 2 : i32
      %sub3A_325 = arith.subi %add3A_317, %sub3A_324 : i32
      %add3A_326 = arith.addi %mul3A_4, %sub3A_325 : i32
      %dma_wait3A_327 = arith.constant 0 : i32
      %dma_wait3A_328 = arith.constant 0 : i32
      %dma_wait3A_329 = tpu.memref_slice %arg4[%add3A_326, %dma_wait3A_327, %dma_wait3A_328] : memref<4096x200x128xf32, #tpu.memory_space<hbm>> -> memref<1x200x128xf32, #tpu.memory_space<hbm>>
      %dma_wait3A_330 = tpu.memref_squeeze %dma_wait3A_329 : memref<1x200x128xf32, #tpu.memory_space<hbm>> -> memref<200x128xf32, #tpu.memory_space<hbm>>
      %dma_wait3A_331 = arith.constant 0 : i32
      %dma_wait3A_332 = arith.constant 0 : i32
      %dma_wait3A_333 = tpu.memref_slice %arg4[%add3A_326, %dma_wait3A_331, %dma_wait3A_332] : memref<4096x200x128xf32, #tpu.memory_space<hbm>> -> memref<1x200x128xf32, #tpu.memory_space<hbm>>
      %dma_wait3A_334 = tpu.memref_squeeze %dma_wait3A_333 : memref<1x200x128xf32, #tpu.memory_space<hbm>> -> memref<200x128xf32, #tpu.memory_space<hbm>>
      tpu.wait_dma2 semaphore(%arg15 : memref<!tpu.dma_semaphore, #tpu.memory_space<semaphore_mem>>) src(%arg10 : memref<200x128xf32, #tpu.memory_space<vmem>>) dst(%dma_wait3A_334 : memref<200x128xf32, #tpu.memory_space<hbm>>)
      %parallel_loop3A_335 = arith.constant 0 : i32
      %parallel_loop3A_336 = arith.constant 200 : i32
      %parallel_loop3A_337 = arith.constant 1 : i32
      scf.for %parallel_loop3A_512 = %parallel_loop3A_335 to %parallel_loop3A_336 step %parallel_loop3A_337  : i32 {
        %parallel_loop3A_513 = arith.index_cast %parallel_loop3A_512 : i32 to index
        %parallel_loop3A_514 = arith.constant 0 : index
        %parallel_loop3A_515 = tpu.vector_load %arg6[%parallel_loop3A_513, %parallel_loop3A_514] {strides = array<i32>} : memref<200x64xf32, #tpu.memory_space<vmem>>, vector<1x16xf32>,
        %parallel_loop3A_516 = vector.shape_cast %parallel_loop3A_515 : vector<1x16xf32> to vector<16xf32>
        %parallel_loop3A_517 = arith.index_cast %parallel_loop3A_512 : i32 to index
        %parallel_loop3A_518 = arith.constant 0 : index
        %parallel_loop3A_519 = tpu.vector_load %arg10[%parallel_loop3A_517, %parallel_loop3A_518] {strides = array<i32>} : memref<200x128xf32, #tpu.memory_space<vmem>>, vector<1x16xf32>,
        %parallel_loop3A_520 = vector.shape_cast %parallel_loop3A_519 : vector<1x16xf32> to vector<16xf32>
        %parallel_loop3A_521 = vector.shape_cast %parallel_loop3A_516 : vector<16xf32> to vector<1x16xf32>
        tpu.vector_store %arg10[%parallel_loop3A_517, %parallel_loop3A_518], %parallel_loop3A_521 {strides = array<i32>} : memref<200x128xf32, #tpu.memory_space<vmem>>, vector<1x16xf32>,
        %parallel_loop3A_522 = arith.index_cast %parallel_loop3A_512 : i32 to index
        %parallel_loop3A_523 = arith.constant 16 : index
        %parallel_loop3A_524 = tpu.vector_load %arg6[%parallel_loop3A_522, %parallel_loop3A_523] {strides = array<i32>} : memref<200x64xf32, #tpu.memory_space<vmem>>, vector<1x16xf32>,
        %parallel_loop3A_525 = vector.shape_cast %parallel_loop3A_524 : vector<1x16xf32> to vector<16xf32>
        %parallel_loop3A_526 = arith.index_cast %parallel_loop3A_512 : i32 to index
        %parallel_loop3A_527 = arith.constant 16 : index
        %parallel_loop3A_528 = tpu.vector_load %arg10[%parallel_loop3A_526, %parallel_loop3A_527] {strides = array<i32>} : memref<200x128xf32, #tpu.memory_space<vmem>>, vector<1x16xf32>,
        %parallel_loop3A_529 = vector.shape_cast %parallel_loop3A_528 : vector<1x16xf32> to vector<16xf32>
        %parallel_loop3A_530 = vector.shape_cast %parallel_loop3A_525 : vector<16xf32> to vector<1x16xf32>
        tpu.vector_store %arg10[%parallel_loop3A_526, %parallel_loop3A_527], %parallel_loop3A_530 {strides = array<i32>} : memref<200x128xf32, #tpu.memory_space<vmem>>, vector<1x16xf32>,
        %parallel_loop3A_531 = arith.index_cast %parallel_loop3A_512 : i32 to index
        %parallel_loop3A_532 = arith.constant 32 : index
        %parallel_loop3A_533 = tpu.vector_load %arg6[%parallel_loop3A_531, %parallel_loop3A_532] {strides = array<i32>} : memref<200x64xf32, #tpu.memory_space<vmem>>, vector<1x16xf32>,
        %parallel_loop3A_534 = vector.shape_cast %parallel_loop3A_533 : vector<1x16xf32> to vector<16xf32>
        %parallel_loop3A_535 = arith.index_cast %parallel_loop3A_512 : i32 to index
        %parallel_loop3A_536 = arith.constant 32 : index
        %parallel_loop3A_537 = tpu.vector_load %arg10[%parallel_loop3A_535, %parallel_loop3A_536] {strides = array<i32>} : memref<200x128xf32, #tpu.memory_space<vmem>>, vector<1x16xf32>,
        %parallel_loop3A_538 = vector.shape_cast %parallel_loop3A_537 : vector<1x16xf32> to vector<16xf32>
        %parallel_loop3A_539 = vector.shape_cast %parallel_loop3A_534 : vector<16xf32> to vector<1x16xf32>
        tpu.vector_store %arg10[%parallel_loop3A_535, %parallel_loop3A_536], %parallel_loop3A_539 {strides = array<i32>} : memref<200x128xf32, #tpu.memory_space<vmem>>, vector<1x16xf32>,
        %parallel_loop3A_540 = arith.index_cast %parallel_loop3A_512 : i32 to index
        %parallel_loop3A_541 = arith.constant 48 : index
        %parallel_loop3A_542 = tpu.vector_load %arg6[%parallel_loop3A_540, %parallel_loop3A_541] {strides = array<i32>} : memref<200x64xf32, #tpu.memory_space<vmem>>, vector<1x16xf32>,
        %parallel_loop3A_543 = vector.shape_cast %parallel_loop3A_542 : vector<1x16xf32> to vector<16xf32>
        %parallel_loop3A_544 = arith.index_cast %parallel_loop3A_512 : i32 to index
        %parallel_loop3A_545 = arith.constant 48 : index
        %parallel_loop3A_546 = tpu.vector_load %arg10[%parallel_loop3A_544, %parallel_loop3A_545] {strides = array<i32>} : memref<200x128xf32, #tpu.memory_space<vmem>>, vector<1x16xf32>,
        %parallel_loop3A_547 = vector.shape_cast %parallel_loop3A_546 : vector<1x16xf32> to vector<16xf32>
        %parallel_loop3A_548 = vector.shape_cast %parallel_loop3A_543 : vector<16xf32> to vector<1x16xf32>
        tpu.vector_store %arg10[%parallel_loop3A_544, %parallel_loop3A_545], %parallel_loop3A_548 {strides = array<i32>} : memref<200x128xf32, #tpu.memory_space<vmem>>, vector<1x16xf32>,
      } {sc.loop_unroll_factor = 4 : i64, sc.parallel_access}
      %add3A_338 = arith.addi %mul3A_4, %add3A_317 : i32
      %dma_start3A_339 = arith.constant 0 : i32
      %dma_start3A_340 = arith.constant 0 : i32
      %dma_start3A_341 = tpu.memref_slice %arg4[%add3A_338, %dma_start3A_339, %dma_start3A_340] : memref<4096x200x128xf32, #tpu.memory_space<hbm>> -> memref<1x200x128xf32, #tpu.memory_space<hbm>>
      %dma_start3A_342 = tpu.memref_squeeze %dma_start3A_341 : memref<1x200x128xf32, #tpu.memory_space<hbm>> -> memref<200x128xf32, #tpu.memory_space<hbm>>
      %dma_start3A_343 = arith.constant 0 : i32
      %dma_start3A_344 = arith.constant 0 : i32
      %dma_start3A_345 = tpu.memref_slice %arg4[%add3A_338, %dma_start3A_343, %dma_start3A_344] : memref<4096x200x128xf32, #tpu.memory_space<hbm>> -> memref<1x200x128xf32, #tpu.memory_space<hbm>>
      %dma_start3A_346 = tpu.memref_squeeze %dma_start3A_345 : memref<1x200x128xf32, #tpu.memory_space<hbm>> -> memref<200x128xf32, #tpu.memory_space<hbm>>
      tpu.enqueue_dma source(%arg10 : memref<200x128xf32, #tpu.memory_space<vmem>>) target(%dma_start3A_346 : memref<200x128xf32, #tpu.memory_space<hbm>>) target_semaphore(%arg15 : memref<!tpu.dma_semaphore, #tpu.memory_space<semaphore_mem>>)
      %add3A_347 = arith.constant 3 : i32
      %add3A_348 = arith.addi %add3A_317, %add3A_347 : i32
      %mul3A_349 = arith.constant 200 : i32
      %mul3A_350 = arith.muli %add3A_348, %mul3A_349 : i32
      %dma_start3A_351 = tpu.memref_slice %arg5[%mul3A_350] : memref<25600xi32, #tpu.memory_space<vmem>> -> memref<200xi32, #tpu.memory_space<vmem>>
      %dma_start3A_352 = arith.constant 0 : i32
      %dma_start3A_353 = arith.constant 0 : i32
      %dma_start3A_354 = tpu.memref_slice %arg3[%dma_start3A_352, %dma_start3A_353] : memref<1000000x64xf32, #tpu.memory_space<hbm>> -> memref<1000000x64xf32, #tpu.memory_space<hbm>>
      tpu.enqueue_indirect_dma source(%dma_start3A_354 : memref<1000000x64xf32, #tpu.memory_space<hbm>>) target(%arg6 : memref<200x64xf32, #tpu.memory_space<vmem>>) offsets(%dma_start3A_351 : memref<200xi32, #tpu.memory_space<vmem>>) semaphore(%arg11 : memref<!tpu.dma_semaphore, #tpu.memory_space<semaphore_mem>>)
      %add3A_355 = arith.constant 2 : i32
      %add3A_356 = arith.addi %add3A_277, %add3A_355 : i32
      %mul3A_357 = arith.constant 200 : i32
      %mul3A_358 = arith.muli %add3A_356, %mul3A_357 : i32
      %dma_wait3A_359 = tpu.memref_slice %arg5[%mul3A_358] : memref<25600xi32, #tpu.memory_space<vmem>> -> memref<200xi32, #tpu.memory_space<vmem>>
      %dma_wait3A_360 = arith.constant 0 : i32
      %dma_wait3A_361 = arith.constant 0 : i32
      %dma_wait3A_362 = tpu.memref_slice %arg3[%dma_wait3A_360, %dma_wait3A_361] : memref<1000000x64xf32, #tpu.memory_space<hbm>> -> memref<1000000x64xf32, #tpu.memory_space<hbm>>
      tpu.wait_indirect_dma semaphore(%arg12 : memref<!tpu.dma_semaphore, #tpu.memory_space<semaphore_mem>>) src(%dma_wait3A_362 : memref<1000000x64xf32, #tpu.memory_space<hbm>>) dst(%arg7 : memref<200x64xf32, #tpu.memory_space<vmem>>)
      %sub3A_363 = arith.constant 2 : i32
      %sub3A_364 = arith.subi %add3A_356, %sub3A_363 : i32
      %add3A_365 = arith.addi %mul3A_4, %sub3A_364 : i32
      %dma_wait3A_366 = arith.constant 0 : i32
      %dma_wait3A_367 = arith.constant 0 : i32
      %dma_wait3A_368 = tpu.memref_slice %arg4[%add3A_365, %dma_wait3A_366, %dma_wait3A_367] : memref<4096x200x128xf32, #tpu.memory_space<hbm>> -> memref<1x200x128xf32, #tpu.memory_space<hbm>>
      %dma_wait3A_369 = tpu.memref_squeeze %dma_wait3A_368 : memref<1x200x128xf32, #tpu.memory_space<hbm>> -> memref<200x128xf32, #tpu.memory_space<hbm>>
      %dma_wait3A_370 = arith.constant 0 : i32
      %dma_wait3A_371 = arith.constant 0 : i32
      %dma_wait3A_372 = tpu.memref_slice %arg4[%add3A_365, %dma_wait3A_370, %dma_wait3A_371] : memref<4096x200x128xf32, #tpu.memory_space<hbm>> -> memref<1x200x128xf32, #tpu.memory_space<hbm>>
      %dma_wait3A_373 = tpu.memref_squeeze %dma_wait3A_372 : memref<1x200x128xf32, #tpu.memory_space<hbm>> -> memref<200x128xf32, #tpu.memory_space<hbm>>
      tpu.wait_dma2 semaphore(%arg14 : memref<!tpu.dma_semaphore, #tpu.memory_space<semaphore_mem>>) src(%arg9 : memref<200x128xf32, #tpu.memory_space<vmem>>) dst(%dma_wait3A_373 : memref<200x128xf32, #tpu.memory_space<hbm>>)
      %parallel_loop3A_374 = arith.constant 0 : i32
      %parallel_loop3A_375 = arith.constant 200 : i32
      %parallel_loop3A_376 = arith.constant 1 : i32
      scf.for %parallel_loop3A_512 = %parallel_loop3A_374 to %parallel_loop3A_375 step %parallel_loop3A_376  : i32 {
        %parallel_loop3A_513 = arith.index_cast %parallel_loop3A_512 : i32 to index
        %parallel_loop3A_514 = arith.constant 0 : index
        %parallel_loop3A_515 = tpu.vector_load %arg7[%parallel_loop3A_513, %parallel_loop3A_514] {strides = array<i32>} : memref<200x64xf32, #tpu.memory_space<vmem>>, vector<1x16xf32>,
        %parallel_loop3A_516 = vector.shape_cast %parallel_loop3A_515 : vector<1x16xf32> to vector<16xf32>
        %parallel_loop3A_517 = arith.index_cast %parallel_loop3A_512 : i32 to index
        %parallel_loop3A_518 = arith.constant 0 : index
        %parallel_loop3A_519 = tpu.vector_load %arg9[%parallel_loop3A_517, %parallel_loop3A_518] {strides = array<i32>} : memref<200x128xf32, #tpu.memory_space<vmem>>, vector<1x16xf32>,
        %parallel_loop3A_520 = vector.shape_cast %parallel_loop3A_519 : vector<1x16xf32> to vector<16xf32>
        %parallel_loop3A_521 = vector.shape_cast %parallel_loop3A_516 : vector<16xf32> to vector<1x16xf32>
        tpu.vector_store %arg9[%parallel_loop3A_517, %parallel_loop3A_518], %parallel_loop3A_521 {strides = array<i32>} : memref<200x128xf32, #tpu.memory_space<vmem>>, vector<1x16xf32>,
        %parallel_loop3A_522 = arith.index_cast %parallel_loop3A_512 : i32 to index
        %parallel_loop3A_523 = arith.constant 16 : index
        %parallel_loop3A_524 = tpu.vector_load %arg7[%parallel_loop3A_522, %parallel_loop3A_523] {strides = array<i32>} : memref<200x64xf32, #tpu.memory_space<vmem>>, vector<1x16xf32>,
        %parallel_loop3A_525 = vector.shape_cast %parallel_loop3A_524 : vector<1x16xf32> to vector<16xf32>
        %parallel_loop3A_526 = arith.index_cast %parallel_loop3A_512 : i32 to index
        %parallel_loop3A_527 = arith.constant 16 : index
        %parallel_loop3A_528 = tpu.vector_load %arg9[%parallel_loop3A_526, %parallel_loop3A_527] {strides = array<i32>} : memref<200x128xf32, #tpu.memory_space<vmem>>, vector<1x16xf32>,
        %parallel_loop3A_529 = vector.shape_cast %parallel_loop3A_528 : vector<1x16xf32> to vector<16xf32>
        %parallel_loop3A_530 = vector.shape_cast %parallel_loop3A_525 : vector<16xf32> to vector<1x16xf32>
        tpu.vector_store %arg9[%parallel_loop3A_526, %parallel_loop3A_527], %parallel_loop3A_530 {strides = array<i32>} : memref<200x128xf32, #tpu.memory_space<vmem>>, vector<1x16xf32>,
        %parallel_loop3A_531 = arith.index_cast %parallel_loop3A_512 : i32 to index
        %parallel_loop3A_532 = arith.constant 32 : index
        %parallel_loop3A_533 = tpu.vector_load %arg7[%parallel_loop3A_531, %parallel_loop3A_532] {strides = array<i32>} : memref<200x64xf32, #tpu.memory_space<vmem>>, vector<1x16xf32>,
        %parallel_loop3A_534 = vector.shape_cast %parallel_loop3A_533 : vector<1x16xf32> to vector<16xf32>
        %parallel_loop3A_535 = arith.index_cast %parallel_loop3A_512 : i32 to index
        %parallel_loop3A_536 = arith.constant 32 : index
        %parallel_loop3A_537 = tpu.vector_load %arg9[%parallel_loop3A_535, %parallel_loop3A_536] {strides = array<i32>} : memref<200x128xf32, #tpu.memory_space<vmem>>, vector<1x16xf32>,
        %parallel_loop3A_538 = vector.shape_cast %parallel_loop3A_537 : vector<1x16xf32> to vector<16xf32>
        %parallel_loop3A_539 = vector.shape_cast %parallel_loop3A_534 : vector<16xf32> to vector<1x16xf32>
        tpu.vector_store %arg9[%parallel_loop3A_535, %parallel_loop3A_536], %parallel_loop3A_539 {strides = array<i32>} : memref<200x128xf32, #tpu.memory_space<vmem>>, vector<1x16xf32>,
        %parallel_loop3A_540 = arith.index_cast %parallel_loop3A_512 : i32 to index
        %parallel_loop3A_541 = arith.constant 48 : index
        %parallel_loop3A_542 = tpu.vector_load %arg7[%parallel_loop3A_540, %parallel_loop3A_541] {strides = array<i32>} : memref<200x64xf32, #tpu.memory_space<vmem>>, vector<1x16xf32>,
        %parallel_loop3A_543 = vector.shape_cast %parallel_loop3A_542 : vector<1x16xf32> to vector<16xf32>
        %parallel_loop3A_544 = arith.index_cast %parallel_loop3A_512 : i32 to index
        %parallel_loop3A_545 = arith.constant 48 : index
        %parallel_loop3A_546 = tpu.vector_load %arg9[%parallel_loop3A_544, %parallel_loop3A_545] {strides = array<i32>} : memref<200x128xf32, #tpu.memory_space<vmem>>, vector<1x16xf32>,
        %parallel_loop3A_547 = vector.shape_cast %parallel_loop3A_546 : vector<1x16xf32> to vector<16xf32>
        %parallel_loop3A_548 = vector.shape_cast %parallel_loop3A_543 : vector<16xf32> to vector<1x16xf32>
        tpu.vector_store %arg9[%parallel_loop3A_544, %parallel_loop3A_545], %parallel_loop3A_548 {strides = array<i32>} : memref<200x128xf32, #tpu.memory_space<vmem>>, vector<1x16xf32>,
      } {sc.loop_unroll_factor = 4 : i64, sc.parallel_access}
      %add3A_377 = arith.addi %mul3A_4, %add3A_356 : i32
      %dma_start3A_378 = arith.constant 0 : i32
      %dma_start3A_379 = arith.constant 0 : i32
      %dma_start3A_380 = tpu.memref_slice %arg4[%add3A_377, %dma_start3A_378, %dma_start3A_379] : memref<4096x200x128xf32, #tpu.memory_space<hbm>> -> memref<1x200x128xf32, #tpu.memory_space<hbm>>
      %dma_start3A_381 = tpu.memref_squeeze %dma_start3A_380 : memref<1x200x128xf32, #tpu.memory_space<hbm>> -> memref<200x128xf32, #tpu.memory_space<hbm>>
      %dma_start3A_382 = arith.constant 0 : i32
      %dma_start3A_383 = arith.constant 0 : i32
      %dma_start3A_384 = tpu.memref_slice %arg4[%add3A_377, %dma_start3A_382, %dma_start3A_383] : memref<4096x200x128xf32, #tpu.memory_space<hbm>> -> memref<1x200x128xf32, #tpu.memory_space<hbm>>
      %dma_start3A_385 = tpu.memref_squeeze %dma_start3A_384 : memref<1x200x128xf32, #tpu.memory_space<hbm>> -> memref<200x128xf32, #tpu.memory_space<hbm>>
      tpu.enqueue_dma source(%arg9 : memref<200x128xf32, #tpu.memory_space<vmem>>) target(%dma_start3A_385 : memref<200x128xf32, #tpu.memory_space<hbm>>) target_semaphore(%arg14 : memref<!tpu.dma_semaphore, #tpu.memory_space<semaphore_mem>>)
      %add3A_386 = arith.constant 3 : i32
      %add3A_387 = arith.addi %add3A_356, %add3A_386 : i32
      %mul3A_388 = arith.constant 200 : i32
      %mul3A_389 = arith.muli %add3A_387, %mul3A_388 : i32
      %dma_start3A_390 = tpu.memref_slice %arg5[%mul3A_389] : memref<25600xi32, #tpu.memory_space<vmem>> -> memref<200xi32, #tpu.memory_space<vmem>>
      %dma_start3A_391 = arith.constant 0 : i32
      %dma_start3A_392 = arith.constant 0 : i32
      %dma_start3A_393 = tpu.memref_slice %arg3[%dma_start3A_391, %dma_start3A_392] : memref<1000000x64xf32, #tpu.memory_space<hbm>> -> memref<1000000x64xf32, #tpu.memory_space<hbm>>
      tpu.enqueue_indirect_dma source(%dma_start3A_393 : memref<1000000x64xf32, #tpu.memory_space<hbm>>) target(%arg7 : memref<200x64xf32, #tpu.memory_space<vmem>>) offsets(%dma_start3A_390 : memref<200xi32, #tpu.memory_space<vmem>>) semaphore(%arg12 : memref<!tpu.dma_semaphore, #tpu.memory_space<semaphore_mem>>)
      %add3A_394 = arith.constant 3 : i32
      %add3A_395 = arith.addi %add3A_277, %add3A_394 : i32
      %mul3A_396 = arith.constant 200 : i32
      %mul3A_397 = arith.muli %add3A_395, %mul3A_396 : i32
      %dma_wait3A_398 = tpu.memref_slice %arg5[%mul3A_397] : memref<25600xi32, #tpu.memory_space<vmem>> -> memref<200xi32, #tpu.memory_space<vmem>>
      %dma_wait3A_399 = arith.constant 0 : i32
      %dma_wait3A_400 = arith.constant 0 : i32
      %dma_wait3A_401 = tpu.memref_slice %arg3[%dma_wait3A_399, %dma_wait3A_400] : memref<1000000x64xf32, #tpu.memory_space<hbm>> -> memref<1000000x64xf32, #tpu.memory_space<hbm>>
      tpu.wait_indirect_dma semaphore(%arg13 : memref<!tpu.dma_semaphore, #tpu.memory_space<semaphore_mem>>) src(%dma_wait3A_401 : memref<1000000x64xf32, #tpu.memory_space<hbm>>) dst(%arg8 : memref<200x64xf32, #tpu.memory_space<vmem>>)
      %sub3A_402 = arith.constant 2 : i32
      %sub3A_403 = arith.subi %add3A_395, %sub3A_402 : i32
      %add3A_404 = arith.addi %mul3A_4, %sub3A_403 : i32
      %dma_wait3A_405 = arith.constant 0 : i32
      %dma_wait3A_406 = arith.constant 0 : i32
      %dma_wait3A_407 = tpu.memref_slice %arg4[%add3A_404, %dma_wait3A_405, %dma_wait3A_406] : memref<4096x200x128xf32, #tpu.memory_space<hbm>> -> memref<1x200x128xf32, #tpu.memory_space<hbm>>
      %dma_wait3A_408 = tpu.memref_squeeze %dma_wait3A_407 : memref<1x200x128xf32, #tpu.memory_space<hbm>> -> memref<200x128xf32, #tpu.memory_space<hbm>>
      %dma_wait3A_409 = arith.constant 0 : i32
      %dma_wait3A_410 = arith.constant 0 : i32
      %dma_wait3A_411 = tpu.memref_slice %arg4[%add3A_404, %dma_wait3A_409, %dma_wait3A_410] : memref<4096x200x128xf32, #tpu.memory_space<hbm>> -> memref<1x200x128xf32, #tpu.memory_space<hbm>>
      %dma_wait3A_412 = tpu.memref_squeeze %dma_wait3A_411 : memref<1x200x128xf32, #tpu.memory_space<hbm>> -> memref<200x128xf32, #tpu.memory_space<hbm>>
      tpu.wait_dma2 semaphore(%arg15 : memref<!tpu.dma_semaphore, #tpu.memory_space<semaphore_mem>>) src(%arg10 : memref<200x128xf32, #tpu.memory_space<vmem>>) dst(%dma_wait3A_412 : memref<200x128xf32, #tpu.memory_space<hbm>>)
      %parallel_loop3A_413 = arith.constant 0 : i32
      %parallel_loop3A_414 = arith.constant 200 : i32
      %parallel_loop3A_415 = arith.constant 1 : i32
      scf.for %parallel_loop3A_512 = %parallel_loop3A_413 to %parallel_loop3A_414 step %parallel_loop3A_415  : i32 {
        %parallel_loop3A_513 = arith.index_cast %parallel_loop3A_512 : i32 to index
        %parallel_loop3A_514 = arith.constant 0 : index
        %parallel_loop3A_515 = tpu.vector_load %arg8[%parallel_loop3A_513, %parallel_loop3A_514] {strides = array<i32>} : memref<200x64xf32, #tpu.memory_space<vmem>>, vector<1x16xf32>,
        %parallel_loop3A_516 = vector.shape_cast %parallel_loop3A_515 : vector<1x16xf32> to vector<16xf32>
        %parallel_loop3A_517 = arith.index_cast %parallel_loop3A_512 : i32 to index
        %parallel_loop3A_518 = arith.constant 0 : index
        %parallel_loop3A_519 = tpu.vector_load %arg10[%parallel_loop3A_517, %parallel_loop3A_518] {strides = array<i32>} : memref<200x128xf32, #tpu.memory_space<vmem>>, vector<1x16xf32>,
        %parallel_loop3A_520 = vector.shape_cast %parallel_loop3A_519 : vector<1x16xf32> to vector<16xf32>
        %parallel_loop3A_521 = vector.shape_cast %parallel_loop3A_516 : vector<16xf32> to vector<1x16xf32>
        tpu.vector_store %arg10[%parallel_loop3A_517, %parallel_loop3A_518], %parallel_loop3A_521 {strides = array<i32>} : memref<200x128xf32, #tpu.memory_space<vmem>>, vector<1x16xf32>,
        %parallel_loop3A_522 = arith.index_cast %parallel_loop3A_512 : i32 to index
        %parallel_loop3A_523 = arith.constant 16 : index
        %parallel_loop3A_524 = tpu.vector_load %arg8[%parallel_loop3A_522, %parallel_loop3A_523] {strides = array<i32>} : memref<200x64xf32, #tpu.memory_space<vmem>>, vector<1x16xf32>,
        %parallel_loop3A_525 = vector.shape_cast %parallel_loop3A_524 : vector<1x16xf32> to vector<16xf32>
        %parallel_loop3A_526 = arith.index_cast %parallel_loop3A_512 : i32 to index
        %parallel_loop3A_527 = arith.constant 16 : index
        %parallel_loop3A_528 = tpu.vector_load %arg10[%parallel_loop3A_526, %parallel_loop3A_527] {strides = array<i32>} : memref<200x128xf32, #tpu.memory_space<vmem>>, vector<1x16xf32>,
        %parallel_loop3A_529 = vector.shape_cast %parallel_loop3A_528 : vector<1x16xf32> to vector<16xf32>
        %parallel_loop3A_530 = vector.shape_cast %parallel_loop3A_525 : vector<16xf32> to vector<1x16xf32>
        tpu.vector_store %arg10[%parallel_loop3A_526, %parallel_loop3A_527], %parallel_loop3A_530 {strides = array<i32>} : memref<200x128xf32, #tpu.memory_space<vmem>>, vector<1x16xf32>,
        %parallel_loop3A_531 = arith.index_cast %parallel_loop3A_512 : i32 to index
        %parallel_loop3A_532 = arith.constant 32 : index
        %parallel_loop3A_533 = tpu.vector_load %arg8[%parallel_loop3A_531, %parallel_loop3A_532] {strides = array<i32>} : memref<200x64xf32, #tpu.memory_space<vmem>>, vector<1x16xf32>,
        %parallel_loop3A_534 = vector.shape_cast %parallel_loop3A_533 : vector<1x16xf32> to vector<16xf32>
        %parallel_loop3A_535 = arith.index_cast %parallel_loop3A_512 : i32 to index
        %parallel_loop3A_536 = arith.constant 32 : index
        %parallel_loop3A_537 = tpu.vector_load %arg10[%parallel_loop3A_535, %parallel_loop3A_536] {strides = array<i32>} : memref<200x128xf32, #tpu.memory_space<vmem>>, vector<1x16xf32>,
        %parallel_loop3A_538 = vector.shape_cast %parallel_loop3A_537 : vector<1x16xf32> to vector<16xf32>
        %parallel_loop3A_539 = vector.shape_cast %parallel_loop3A_534 : vector<16xf32> to vector<1x16xf32>
        tpu.vector_store %arg10[%parallel_loop3A_535, %parallel_loop3A_536], %parallel_loop3A_539 {strides = array<i32>} : memref<200x128xf32, #tpu.memory_space<vmem>>, vector<1x16xf32>,
        %parallel_loop3A_540 = arith.index_cast %parallel_loop3A_512 : i32 to index
        %parallel_loop3A_541 = arith.constant 48 : index
        %parallel_loop3A_542 = tpu.vector_load %arg8[%parallel_loop3A_540, %parallel_loop3A_541] {strides = array<i32>} : memref<200x64xf32, #tpu.memory_space<vmem>>, vector<1x16xf32>,
        %parallel_loop3A_543 = vector.shape_cast %parallel_loop3A_542 : vector<1x16xf32> to vector<16xf32>
        %parallel_loop3A_544 = arith.index_cast %parallel_loop3A_512 : i32 to index
        %parallel_loop3A_545 = arith.constant 48 : index
        %parallel_loop3A_546 = tpu.vector_load %arg10[%parallel_loop3A_544, %parallel_loop3A_545] {strides = array<i32>} : memref<200x128xf32, #tpu.memory_space<vmem>>, vector<1x16xf32>,
        %parallel_loop3A_547 = vector.shape_cast %parallel_loop3A_546 : vector<1x16xf32> to vector<16xf32>
        %parallel_loop3A_548 = vector.shape_cast %parallel_loop3A_543 : vector<16xf32> to vector<1x16xf32>
        tpu.vector_store %arg10[%parallel_loop3A_544, %parallel_loop3A_545], %parallel_loop3A_548 {strides = array<i32>} : memref<200x128xf32, #tpu.memory_space<vmem>>, vector<1x16xf32>,
      } {sc.loop_unroll_factor = 4 : i64, sc.parallel_access}
      %add3A_416 = arith.addi %mul3A_4, %add3A_395 : i32
      %dma_start3A_417 = arith.constant 0 : i32
      %dma_start3A_418 = arith.constant 0 : i32
      %dma_start3A_419 = tpu.memref_slice %arg4[%add3A_416, %dma_start3A_417, %dma_start3A_418] : memref<4096x200x128xf32, #tpu.memory_space<hbm>> -> memref<1x200x128xf32, #tpu.memory_space<hbm>>
      %dma_start3A_420 = tpu.memref_squeeze %dma_start3A_419 : memref<1x200x128xf32, #tpu.memory_space<hbm>> -> memref<200x128xf32, #tpu.memory_space<hbm>>
      %dma_start3A_421 = arith.constant 0 : i32
      %dma_start3A_422 = arith.constant 0 : i32
      %dma_start3A_423 = tpu.memref_slice %arg4[%add3A_416, %dma_start3A_421, %dma_start3A_422] : memref<4096x200x128xf32, #tpu.memory_space<hbm>> -> memref<1x200x128xf32, #tpu.memory_space<hbm>>
      %dma_start3A_424 = tpu.memref_squeeze %dma_start3A_423 : memref<1x200x128xf32, #tpu.memory_space<hbm>> -> memref<200x128xf32, #tpu.memory_space<hbm>>
      tpu.enqueue_dma source(%arg10 : memref<200x128xf32, #tpu.memory_space<vmem>>) target(%dma_start3A_424 : memref<200x128xf32, #tpu.memory_space<hbm>>) target_semaphore(%arg15 : memref<!tpu.dma_semaphore, #tpu.memory_space<semaphore_mem>>)
      %add3A_425 = arith.constant 3 : i32
      %add3A_426 = arith.addi %add3A_395, %add3A_425 : i32
      %mul3A_427 = arith.constant 200 : i32
      %mul3A_428 = arith.muli %add3A_426, %mul3A_427 : i32
      %dma_start3A_429 = tpu.memref_slice %arg5[%mul3A_428] : memref<25600xi32, #tpu.memory_space<vmem>> -> memref<200xi32, #tpu.memory_space<vmem>>
      %dma_start3A_430 = arith.constant 0 : i32
      %dma_start3A_431 = arith.constant 0 : i32
      %dma_start3A_432 = tpu.memref_slice %arg3[%dma_start3A_430, %dma_start3A_431] : memref<1000000x64xf32, #tpu.memory_space<hbm>> -> memref<1000000x64xf32, #tpu.memory_space<hbm>>
      tpu.enqueue_indirect_dma source(%dma_start3A_432 : memref<1000000x64xf32, #tpu.memory_space<hbm>>) target(%arg8 : memref<200x64xf32, #tpu.memory_space<vmem>>) offsets(%dma_start3A_429 : memref<200xi32, #tpu.memory_space<vmem>>) semaphore(%arg13 : memref<!tpu.dma_semaphore, #tpu.memory_space<semaphore_mem>>)
      %add3A_433 = arith.constant 4 : i32
      %add3A_434 = arith.addi %add3A_277, %add3A_433 : i32
      %mul3A_435 = arith.constant 200 : i32
      %mul3A_436 = arith.muli %add3A_434, %mul3A_435 : i32
      %dma_wait3A_437 = tpu.memref_slice %arg5[%mul3A_436] : memref<25600xi32, #tpu.memory_space<vmem>> -> memref<200xi32, #tpu.memory_space<vmem>>
      %dma_wait3A_438 = arith.constant 0 : i32
      %dma_wait3A_439 = arith.constant 0 : i32
      %dma_wait3A_440 = tpu.memref_slice %arg3[%dma_wait3A_438, %dma_wait3A_439] : memref<1000000x64xf32, #tpu.memory_space<hbm>> -> memref<1000000x64xf32, #tpu.memory_space<hbm>>
      tpu.wait_indirect_dma semaphore(%arg11 : memref<!tpu.dma_semaphore, #tpu.memory_space<semaphore_mem>>) src(%dma_wait3A_440 : memref<1000000x64xf32, #tpu.memory_space<hbm>>) dst(%arg6 : memref<200x64xf32, #tpu.memory_space<vmem>>)
      %sub3A_441 = arith.constant 2 : i32
      %sub3A_442 = arith.subi %add3A_434, %sub3A_441 : i32
      %add3A_443 = arith.addi %mul3A_4, %sub3A_442 : i32
      %dma_wait3A_444 = arith.constant 0 : i32
      %dma_wait3A_445 = arith.constant 0 : i32
      %dma_wait3A_446 = tpu.memref_slice %arg4[%add3A_443, %dma_wait3A_444, %dma_wait3A_445] : memref<4096x200x128xf32, #tpu.memory_space<hbm>> -> memref<1x200x128xf32, #tpu.memory_space<hbm>>
      %dma_wait3A_447 = tpu.memref_squeeze %dma_wait3A_446 : memref<1x200x128xf32, #tpu.memory_space<hbm>> -> memref<200x128xf32, #tpu.memory_space<hbm>>
      %dma_wait3A_448 = arith.constant 0 : i32
      %dma_wait3A_449 = arith.constant 0 : i32
      %dma_wait3A_450 = tpu.memref_slice %arg4[%add3A_443, %dma_wait3A_448, %dma_wait3A_449] : memref<4096x200x128xf32, #tpu.memory_space<hbm>> -> memref<1x200x128xf32, #tpu.memory_space<hbm>>
      %dma_wait3A_451 = tpu.memref_squeeze %dma_wait3A_450 : memref<1x200x128xf32, #tpu.memory_space<hbm>> -> memref<200x128xf32, #tpu.memory_space<hbm>>
      tpu.wait_dma2 semaphore(%arg14 : memref<!tpu.dma_semaphore, #tpu.memory_space<semaphore_mem>>) src(%arg9 : memref<200x128xf32, #tpu.memory_space<vmem>>) dst(%dma_wait3A_451 : memref<200x128xf32, #tpu.memory_space<hbm>>)
      %parallel_loop3A_452 = arith.constant 0 : i32
      %parallel_loop3A_453 = arith.constant 200 : i32
      %parallel_loop3A_454 = arith.constant 1 : i32
      scf.for %parallel_loop3A_512 = %parallel_loop3A_452 to %parallel_loop3A_453 step %parallel_loop3A_454  : i32 {
        %parallel_loop3A_513 = arith.index_cast %parallel_loop3A_512 : i32 to index
        %parallel_loop3A_514 = arith.constant 0 : index
        %parallel_loop3A_515 = tpu.vector_load %arg6[%parallel_loop3A_513, %parallel_loop3A_514] {strides = array<i32>} : memref<200x64xf32, #tpu.memory_space<vmem>>, vector<1x16xf32>,
        %parallel_loop3A_516 = vector.shape_cast %parallel_loop3A_515 : vector<1x16xf32> to vector<16xf32>
        %parallel_loop3A_517 = arith.index_cast %parallel_loop3A_512 : i32 to index
        %parallel_loop3A_518 = arith.constant 0 : index
        %parallel_loop3A_519 = tpu.vector_load %arg9[%parallel_loop3A_517, %parallel_loop3A_518] {strides = array<i32>} : memref<200x128xf32, #tpu.memory_space<vmem>>, vector<1x16xf32>,
        %parallel_loop3A_520 = vector.shape_cast %parallel_loop3A_519 : vector<1x16xf32> to vector<16xf32>
        %parallel_loop3A_521 = vector.shape_cast %parallel_loop3A_516 : vector<16xf32> to vector<1x16xf32>
        tpu.vector_store %arg9[%parallel_loop3A_517, %parallel_loop3A_518], %parallel_loop3A_521 {strides = array<i32>} : memref<200x128xf32, #tpu.memory_space<vmem>>, vector<1x16xf32>,
        %parallel_loop3A_522 = arith.index_cast %parallel_loop3A_512 : i32 to index
        %parallel_loop3A_523 = arith.constant 16 : index
        %parallel_loop3A_524 = tpu.vector_load %arg6[%parallel_loop3A_522, %parallel_loop3A_523] {strides = array<i32>} : memref<200x64xf32, #tpu.memory_space<vmem>>, vector<1x16xf32>,
        %parallel_loop3A_525 = vector.shape_cast %parallel_loop3A_524 : vector<1x16xf32> to vector<16xf32>
        %parallel_loop3A_526 = arith.index_cast %parallel_loop3A_512 : i32 to index
        %parallel_loop3A_527 = arith.constant 16 : index
        %parallel_loop3A_528 = tpu.vector_load %arg9[%parallel_loop3A_526, %parallel_loop3A_527] {strides = array<i32>} : memref<200x128xf32, #tpu.memory_space<vmem>>, vector<1x16xf32>,
        %parallel_loop3A_529 = vector.shape_cast %parallel_loop3A_528 : vector<1x16xf32> to vector<16xf32>
        %parallel_loop3A_530 = vector.shape_cast %parallel_loop3A_525 : vector<16xf32> to vector<1x16xf32>
        tpu.vector_store %arg9[%parallel_loop3A_526, %parallel_loop3A_527], %parallel_loop3A_530 {strides = array<i32>} : memref<200x128xf32, #tpu.memory_space<vmem>>, vector<1x16xf32>,
        %parallel_loop3A_531 = arith.index_cast %parallel_loop3A_512 : i32 to index
        %parallel_loop3A_532 = arith.constant 32 : index
        %parallel_loop3A_533 = tpu.vector_load %arg6[%parallel_loop3A_531, %parallel_loop3A_532] {strides = array<i32>} : memref<200x64xf32, #tpu.memory_space<vmem>>, vector<1x16xf32>,
        %parallel_loop3A_534 = vector.shape_cast %parallel_loop3A_533 : vector<1x16xf32> to vector<16xf32>
        %parallel_loop3A_535 = arith.index_cast %parallel_loop3A_512 : i32 to index
        %parallel_loop3A_536 = arith.constant 32 : index
        %parallel_loop3A_537 = tpu.vector_load %arg9[%parallel_loop3A_535, %parallel_loop3A_536] {strides = array<i32>} : memref<200x128xf32, #tpu.memory_space<vmem>>, vector<1x16xf32>,
        %parallel_loop3A_538 = vector.shape_cast %parallel_loop3A_537 : vector<1x16xf32> to vector<16xf32>
        %parallel_loop3A_539 = vector.shape_cast %parallel_loop3A_534 : vector<16xf32> to vector<1x16xf32>
        tpu.vector_store %arg9[%parallel_loop3A_535, %parallel_loop3A_536], %parallel_loop3A_539 {strides = array<i32>} : memref<200x128xf32, #tpu.memory_space<vmem>>, vector<1x16xf32>,
        %parallel_loop3A_540 = arith.index_cast %parallel_loop3A_512 : i32 to index
        %parallel_loop3A_541 = arith.constant 48 : index
        %parallel_loop3A_542 = tpu.vector_load %arg6[%parallel_loop3A_540, %parallel_loop3A_541] {strides = array<i32>} : memref<200x64xf32, #tpu.memory_space<vmem>>, vector<1x16xf32>,
        %parallel_loop3A_543 = vector.shape_cast %parallel_loop3A_542 : vector<1x16xf32> to vector<16xf32>
        %parallel_loop3A_544 = arith.index_cast %parallel_loop3A_512 : i32 to index
        %parallel_loop3A_545 = arith.constant 48 : index
        %parallel_loop3A_546 = tpu.vector_load %arg9[%parallel_loop3A_544, %parallel_loop3A_545] {strides = array<i32>} : memref<200x128xf32, #tpu.memory_space<vmem>>, vector<1x16xf32>,
        %parallel_loop3A_547 = vector.shape_cast %parallel_loop3A_546 : vector<1x16xf32> to vector<16xf32>
        %parallel_loop3A_548 = vector.shape_cast %parallel_loop3A_543 : vector<16xf32> to vector<1x16xf32>
        tpu.vector_store %arg9[%parallel_loop3A_544, %parallel_loop3A_545], %parallel_loop3A_548 {strides = array<i32>} : memref<200x128xf32, #tpu.memory_space<vmem>>, vector<1x16xf32>,
      } {sc.loop_unroll_factor = 4 : i64, sc.parallel_access}
      %add3A_455 = arith.addi %mul3A_4, %add3A_434 : i32
      %dma_start3A_456 = arith.constant 0 : i32
      %dma_start3A_457 = arith.constant 0 : i32
      %dma_start3A_458 = tpu.memref_slice %arg4[%add3A_455, %dma_start3A_456, %dma_start3A_457] : memref<4096x200x128xf32, #tpu.memory_space<hbm>> -> memref<1x200x128xf32, #tpu.memory_space<hbm>>
      %dma_start3A_459 = tpu.memref_squeeze %dma_start3A_458 : memref<1x200x128xf32, #tpu.memory_space<hbm>> -> memref<200x128xf32, #tpu.memory_space<hbm>>
      %dma_start3A_460 = arith.constant 0 : i32
      %dma_start3A_461 = arith.constant 0 : i32
      %dma_start3A_462 = tpu.memref_slice %arg4[%add3A_455, %dma_start3A_460, %dma_start3A_461] : memref<4096x200x128xf32, #tpu.memory_space<hbm>> -> memref<1x200x128xf32, #tpu.memory_space<hbm>>
      %dma_start3A_463 = tpu.memref_squeeze %dma_start3A_462 : memref<1x200x128xf32, #tpu.memory_space<hbm>> -> memref<200x128xf32, #tpu.memory_space<hbm>>
      tpu.enqueue_dma source(%arg9 : memref<200x128xf32, #tpu.memory_space<vmem>>) target(%dma_start3A_463 : memref<200x128xf32, #tpu.memory_space<hbm>>) target_semaphore(%arg14 : memref<!tpu.dma_semaphore, #tpu.memory_space<semaphore_mem>>)
      %add3A_464 = arith.constant 3 : i32
      %add3A_465 = arith.addi %add3A_434, %add3A_464 : i32
      %mul3A_466 = arith.constant 200 : i32
      %mul3A_467 = arith.muli %add3A_465, %mul3A_466 : i32
      %dma_start3A_468 = tpu.memref_slice %arg5[%mul3A_467] : memref<25600xi32, #tpu.memory_space<vmem>> -> memref<200xi32, #tpu.memory_space<vmem>>
      %dma_start3A_469 = arith.constant 0 : i32
      %dma_start3A_470 = arith.constant 0 : i32
      %dma_start3A_471 = tpu.memref_slice %arg3[%dma_start3A_469, %dma_start3A_470] : memref<1000000x64xf32, #tpu.memory_space<hbm>> -> memref<1000000x64xf32, #tpu.memory_space<hbm>>
      tpu.enqueue_indirect_dma source(%dma_start3A_471 : memref<1000000x64xf32, #tpu.memory_space<hbm>>) target(%arg6 : memref<200x64xf32, #tpu.memory_space<vmem>>) offsets(%dma_start3A_468 : memref<200xi32, #tpu.memory_space<vmem>>) semaphore(%arg11 : memref<!tpu.dma_semaphore, #tpu.memory_space<semaphore_mem>>)
      %add3A_472 = arith.constant 5 : i32
      %add3A_473 = arith.addi %add3A_277, %add3A_472 : i32
      %mul3A_474 = arith.constant 200 : i32
      %mul3A_475 = arith.muli %add3A_473, %mul3A_474 : i32
      %dma_wait3A_476 = tpu.memref_slice %arg5[%mul3A_475] : memref<25600xi32, #tpu.memory_space<vmem>> -> memref<200xi32, #tpu.memory_space<vmem>>
      %dma_wait3A_477 = arith.constant 0 : i32
      %dma_wait3A_478 = arith.constant 0 : i32
      %dma_wait3A_479 = tpu.memref_slice %arg3[%dma_wait3A_477, %dma_wait3A_478] : memref<1000000x64xf32, #tpu.memory_space<hbm>> -> memref<1000000x64xf32, #tpu.memory_space<hbm>>
      tpu.wait_indirect_dma semaphore(%arg12 : memref<!tpu.dma_semaphore, #tpu.memory_space<semaphore_mem>>) src(%dma_wait3A_479 : memref<1000000x64xf32, #tpu.memory_space<hbm>>) dst(%arg7 : memref<200x64xf32, #tpu.memory_space<vmem>>)
      %sub3A_480 = arith.constant 2 : i32
      %sub3A_481 = arith.subi %add3A_473, %sub3A_480 : i32
      %add3A_482 = arith.addi %mul3A_4, %sub3A_481 : i32
      %dma_wait3A_483 = arith.constant 0 : i32
      %dma_wait3A_484 = arith.constant 0 : i32
      %dma_wait3A_485 = tpu.memref_slice %arg4[%add3A_482, %dma_wait3A_483, %dma_wait3A_484] : memref<4096x200x128xf32, #tpu.memory_space<hbm>> -> memref<1x200x128xf32, #tpu.memory_space<hbm>>
      %dma_wait3A_486 = tpu.memref_squeeze %dma_wait3A_485 : memref<1x200x128xf32, #tpu.memory_space<hbm>> -> memref<200x128xf32, #tpu.memory_space<hbm>>
      %dma_wait3A_487 = arith.constant 0 : i32
      %dma_wait3A_488 = arith.constant 0 : i32
      %dma_wait3A_489 = tpu.memref_slice %arg4[%add3A_482, %dma_wait3A_487, %dma_wait3A_488] : memref<4096x200x128xf32, #tpu.memory_space<hbm>> -> memref<1x200x128xf32, #tpu.memory_space<hbm>>
      %dma_wait3A_490 = tpu.memref_squeeze %dma_wait3A_489 : memref<1x200x128xf32, #tpu.memory_space<hbm>> -> memref<200x128xf32, #tpu.memory_space<hbm>>
      tpu.wait_dma2 semaphore(%arg15 : memref<!tpu.dma_semaphore, #tpu.memory_space<semaphore_mem>>) src(%arg10 : memref<200x128xf32, #tpu.memory_space<vmem>>) dst(%dma_wait3A_490 : memref<200x128xf32, #tpu.memory_space<hbm>>)
      %parallel_loop3A_491 = arith.constant 0 : i32
      %parallel_loop3A_492 = arith.constant 200 : i32
      %parallel_loop3A_493 = arith.constant 1 : i32
      scf.for %parallel_loop3A_512 = %parallel_loop3A_491 to %parallel_loop3A_492 step %parallel_loop3A_493  : i32 {
        %parallel_loop3A_513 = arith.index_cast %parallel_loop3A_512 : i32 to index
        %parallel_loop3A_514 = arith.constant 0 : index
        %parallel_loop3A_515 = tpu.vector_load %arg7[%parallel_loop3A_513, %parallel_loop3A_514] {strides = array<i32>} : memref<200x64xf32, #tpu.memory_space<vmem>>, vector<1x16xf32>,
        %parallel_loop3A_516 = vector.shape_cast %parallel_loop3A_515 : vector<1x16xf32> to vector<16xf32>
        %parallel_loop3A_517 = arith.index_cast %parallel_loop3A_512 : i32 to index
        %parallel_loop3A_518 = arith.constant 0 : index
        %parallel_loop3A_519 = tpu.vector_load %arg10[%parallel_loop3A_517, %parallel_loop3A_518] {strides = array<i32>} : memref<200x128xf32, #tpu.memory_space<vmem>>, vector<1x16xf32>,
        %parallel_loop3A_520 = vector.shape_cast %parallel_loop3A_519 : vector<1x16xf32> to vector<16xf32>
        %parallel_loop3A_521 = vector.shape_cast %parallel_loop3A_516 : vector<16xf32> to vector<1x16xf32>
        tpu.vector_store %arg10[%parallel_loop3A_517, %parallel_loop3A_518], %parallel_loop3A_521 {strides = array<i32>} : memref<200x128xf32, #tpu.memory_space<vmem>>, vector<1x16xf32>,
        %parallel_loop3A_522 = arith.index_cast %parallel_loop3A_512 : i32 to index
        %parallel_loop3A_523 = arith.constant 16 : index
        %parallel_loop3A_524 = tpu.vector_load %arg7[%parallel_loop3A_522, %parallel_loop3A_523] {strides = array<i32>} : memref<200x64xf32, #tpu.memory_space<vmem>>, vector<1x16xf32>,
        %parallel_loop3A_525 = vector.shape_cast %parallel_loop3A_524 : vector<1x16xf32> to vector<16xf32>
        %parallel_loop3A_526 = arith.index_cast %parallel_loop3A_512 : i32 to index
        %parallel_loop3A_527 = arith.constant 16 : index
        %parallel_loop3A_528 = tpu.vector_load %arg10[%parallel_loop3A_526, %parallel_loop3A_527] {strides = array<i32>} : memref<200x128xf32, #tpu.memory_space<vmem>>, vector<1x16xf32>,
        %parallel_loop3A_529 = vector.shape_cast %parallel_loop3A_528 : vector<1x16xf32> to vector<16xf32>
        %parallel_loop3A_530 = vector.shape_cast %parallel_loop3A_525 : vector<16xf32> to vector<1x16xf32>
        tpu.vector_store %arg10[%parallel_loop3A_526, %parallel_loop3A_527], %parallel_loop3A_530 {strides = array<i32>} : memref<200x128xf32, #tpu.memory_space<vmem>>, vector<1x16xf32>,
        %parallel_loop3A_531 = arith.index_cast %parallel_loop3A_512 : i32 to index
        %parallel_loop3A_532 = arith.constant 32 : index
        %parallel_loop3A_533 = tpu.vector_load %arg7[%parallel_loop3A_531, %parallel_loop3A_532] {strides = array<i32>} : memref<200x64xf32, #tpu.memory_space<vmem>>, vector<1x16xf32>,
        %parallel_loop3A_534 = vector.shape_cast %parallel_loop3A_533 : vector<1x16xf32> to vector<16xf32>
        %parallel_loop3A_535 = arith.index_cast %parallel_loop3A_512 : i32 to index
        %parallel_loop3A_536 = arith.constant 32 : index
        %parallel_loop3A_537 = tpu.vector_load %arg10[%parallel_loop3A_535, %parallel_loop3A_536] {strides = array<i32>} : memref<200x128xf32, #tpu.memory_space<vmem>>, vector<1x16xf32>,
        %parallel_loop3A_538 = vector.shape_cast %parallel_loop3A_537 : vector<1x16xf32> to vector<16xf32>
        %parallel_loop3A_539 = vector.shape_cast %parallel_loop3A_534 : vector<16xf32> to vector<1x16xf32>
        tpu.vector_store %arg10[%parallel_loop3A_535, %parallel_loop3A_536], %parallel_loop3A_539 {strides = array<i32>} : memref<200x128xf32, #tpu.memory_space<vmem>>, vector<1x16xf32>,
        %parallel_loop3A_540 = arith.index_cast %parallel_loop3A_512 : i32 to index
        %parallel_loop3A_541 = arith.constant 48 : index
        %parallel_loop3A_542 = tpu.vector_load %arg7[%parallel_loop3A_540, %parallel_loop3A_541] {strides = array<i32>} : memref<200x64xf32, #tpu.memory_space<vmem>>, vector<1x16xf32>,
        %parallel_loop3A_543 = vector.shape_cast %parallel_loop3A_542 : vector<1x16xf32> to vector<16xf32>
        %parallel_loop3A_544 = arith.index_cast %parallel_loop3A_512 : i32 to index
        %parallel_loop3A_545 = arith.constant 48 : index
        %parallel_loop3A_546 = tpu.vector_load %arg10[%parallel_loop3A_544, %parallel_loop3A_545] {strides = array<i32>} : memref<200x128xf32, #tpu.memory_space<vmem>>, vector<1x16xf32>,
        %parallel_loop3A_547 = vector.shape_cast %parallel_loop3A_546 : vector<1x16xf32> to vector<16xf32>
        %parallel_loop3A_548 = vector.shape_cast %parallel_loop3A_543 : vector<16xf32> to vector<1x16xf32>
        tpu.vector_store %arg10[%parallel_loop3A_544, %parallel_loop3A_545], %parallel_loop3A_548 {strides = array<i32>} : memref<200x128xf32, #tpu.memory_space<vmem>>, vector<1x16xf32>,
      } {sc.loop_unroll_factor = 4 : i64, sc.parallel_access}
      %add3A_494 = arith.addi %mul3A_4, %add3A_473 : i32
      %dma_start3A_495 = arith.constant 0 : i32
      %dma_start3A_496 = arith.constant 0 : i32
      %dma_start3A_497 = tpu.memref_slice %arg4[%add3A_494, %dma_start3A_495, %dma_start3A_496] : memref<4096x200x128xf32, #tpu.memory_space<hbm>> -> memref<1x200x128xf32, #tpu.memory_space<hbm>>
      %dma_start3A_498 = tpu.memref_squeeze %dma_start3A_497 : memref<1x200x128xf32, #tpu.memory_space<hbm>> -> memref<200x128xf32, #tpu.memory_space<hbm>>
      %dma_start3A_499 = arith.constant 0 : i32
      %dma_start3A_500 = arith.constant 0 : i32
      %dma_start3A_501 = tpu.memref_slice %arg4[%add3A_494, %dma_start3A_499, %dma_start3A_500] : memref<4096x200x128xf32, #tpu.memory_space<hbm>> -> memref<1x200x128xf32, #tpu.memory_space<hbm>>
      %dma_start3A_502 = tpu.memref_squeeze %dma_start3A_501 : memref<1x200x128xf32, #tpu.memory_space<hbm>> -> memref<200x128xf32, #tpu.memory_space<hbm>>
      tpu.enqueue_dma source(%arg10 : memref<200x128xf32, #tpu.memory_space<vmem>>) target(%dma_start3A_502 : memref<200x128xf32, #tpu.memory_space<hbm>>) target_semaphore(%arg15 : memref<!tpu.dma_semaphore, #tpu.memory_space<semaphore_mem>>)
      %add3A_503 = arith.constant 3 : i32
      %add3A_504 = arith.addi %add3A_473, %add3A_503 : i32
      %mul3A_505 = arith.constant 200 : i32
      %mul3A_506 = arith.muli %add3A_504, %mul3A_505 : i32
      %dma_start3A_507 = tpu.memref_slice %arg5[%mul3A_506] : memref<25600xi32, #tpu.memory_space<vmem>> -> memref<200xi32, #tpu.memory_space<vmem>>
      %dma_start3A_508 = arith.constant 0 : i32
      %dma_start3A_509 = arith.constant 0 : i32
      %dma_start3A_510 = tpu.memref_slice %arg3[%dma_start3A_508, %dma_start3A_509] : memref<1000000x64xf32, #tpu.memory_space<hbm>> -> memref<1000000x64xf32, #tpu.memory_space<hbm>>
      tpu.enqueue_indirect_dma source(%dma_start3A_510 : memref<1000000x64xf32, #tpu.memory_space<hbm>>) target(%arg7 : memref<200x64xf32, #tpu.memory_space<vmem>>) offsets(%dma_start3A_507 : memref<200xi32, #tpu.memory_space<vmem>>) semaphore(%arg12 : memref<!tpu.dma_semaphore, #tpu.memory_space<semaphore_mem>>)
      %scan3A_511 = arith.constant 0 : i32
      scf.yield %scan3A_511 : i32
    }
    %scan3A_68 = arith.constant 20 : i32
    %dma_wait3A_69 = arith.constant 24400 : i32
    %dma_wait3A_70 = tpu.memref_slice %arg5[%dma_wait3A_69] : memref<25600xi32, #tpu.memory_space<vmem>> -> memref<200xi32, #tpu.memory_space<vmem>>
    %dma_wait3A_71 = arith.constant 0 : i32
    %dma_wait3A_72 = arith.constant 0 : i32
    %dma_wait3A_73 = tpu.memref_slice %arg3[%dma_wait3A_71, %dma_wait3A_72] : memref<1000000x64xf32, #tpu.memory_space<hbm>> -> memref<1000000x64xf32, #tpu.memory_space<hbm>>
    tpu.wait_indirect_dma semaphore(%arg13 : memref<!tpu.dma_semaphore, #tpu.memory_space<semaphore_mem>>) src(%dma_wait3A_73 : memref<1000000x64xf32, #tpu.memory_space<hbm>>) dst(%arg8 : memref<200x64xf32, #tpu.memory_space<vmem>>)
    %add3A_74 = arith.constant 120 : i32
    %add3A_75 = arith.addi %mul3A_4, %add3A_74 : i32
    %dma_wait3A_76 = arith.constant 0 : i32
    %dma_wait3A_77 = arith.constant 0 : i32
    %dma_wait3A_78 = tpu.memref_slice %arg4[%add3A_75, %dma_wait3A_76, %dma_wait3A_77] : memref<4096x200x128xf32, #tpu.memory_space<hbm>> -> memref<1x200x128xf32, #tpu.memory_space<hbm>>
    %dma_wait3A_79 = tpu.memref_squeeze %dma_wait3A_78 : memref<1x200x128xf32, #tpu.memory_space<hbm>> -> memref<200x128xf32, #tpu.memory_space<hbm>>
    %dma_wait3A_80 = arith.constant 0 : i32
    %dma_wait3A_81 = arith.constant 0 : i32
    %dma_wait3A_82 = tpu.memref_slice %arg4[%add3A_75, %dma_wait3A_80, %dma_wait3A_81] : memref<4096x200x128xf32, #tpu.memory_space<hbm>> -> memref<1x200x128xf32, #tpu.memory_space<hbm>>
    %dma_wait3A_83 = tpu.memref_squeeze %dma_wait3A_82 : memref<1x200x128xf32, #tpu.memory_space<hbm>> -> memref<200x128xf32, #tpu.memory_space<hbm>>
    tpu.wait_dma2 semaphore(%arg14 : memref<!tpu.dma_semaphore, #tpu.memory_space<semaphore_mem>>) src(%arg9 : memref<200x128xf32, #tpu.memory_space<vmem>>) dst(%dma_wait3A_83 : memref<200x128xf32, #tpu.memory_space<hbm>>)
    %parallel_loop3A_84 = arith.constant 0 : i32
    %parallel_loop3A_85 = arith.constant 200 : i32
    %parallel_loop3A_86 = arith.constant 1 : i32
    scf.for %parallel_loop3A_272 = %parallel_loop3A_84 to %parallel_loop3A_85 step %parallel_loop3A_86  : i32 {
      %parallel_loop3A_273 = arith.index_cast %parallel_loop3A_272 : i32 to index
      %parallel_loop3A_274 = arith.constant 0 : index
      %parallel_loop3A_275 = tpu.vector_load %arg8[%parallel_loop3A_273, %parallel_loop3A_274] {strides = array<i32>} : memref<200x64xf32, #tpu.memory_space<vmem>>, vector<1x16xf32>,
      %parallel_loop3A_276 = vector.shape_cast %parallel_loop3A_275 : vector<1x16xf32> to vector<16xf32>
      %parallel_loop3A_277 = arith.index_cast %parallel_loop3A_272 : i32 to index
      %parallel_loop3A_278 = arith.constant 0 : index
      %parallel_loop3A_279 = tpu.vector_load %arg9[%parallel_loop3A_277, %parallel_loop3A_278] {strides = array<i32>} : memref<200x128xf32, #tpu.memory_space<vmem>>, vector<1x16xf32>,
      %parallel_loop3A_280 = vector.shape_cast %parallel_loop3A_279 : vector<1x16xf32> to vector<16xf32>
      %parallel_loop3A_281 = vector.shape_cast %parallel_loop3A_276 : vector<16xf32> to vector<1x16xf32>
      tpu.vector_store %arg9[%parallel_loop3A_277, %parallel_loop3A_278], %parallel_loop3A_281 {strides = array<i32>} : memref<200x128xf32, #tpu.memory_space<vmem>>, vector<1x16xf32>,
      %parallel_loop3A_282 = arith.index_cast %parallel_loop3A_272 : i32 to index
      %parallel_loop3A_283 = arith.constant 16 : index
      %parallel_loop3A_284 = tpu.vector_load %arg8[%parallel_loop3A_282, %parallel_loop3A_283] {strides = array<i32>} : memref<200x64xf32, #tpu.memory_space<vmem>>, vector<1x16xf32>,
      %parallel_loop3A_285 = vector.shape_cast %parallel_loop3A_284 : vector<1x16xf32> to vector<16xf32>
      %parallel_loop3A_286 = arith.index_cast %parallel_loop3A_272 : i32 to index
      %parallel_loop3A_287 = arith.constant 16 : index
      %parallel_loop3A_288 = tpu.vector_load %arg9[%parallel_loop3A_286, %parallel_loop3A_287] {strides = array<i32>} : memref<200x128xf32, #tpu.memory_space<vmem>>, vector<1x16xf32>,
      %parallel_loop3A_289 = vector.shape_cast %parallel_loop3A_288 : vector<1x16xf32> to vector<16xf32>
      %parallel_loop3A_290 = vector.shape_cast %parallel_loop3A_285 : vector<16xf32> to vector<1x16xf32>
      tpu.vector_store %arg9[%parallel_loop3A_286, %parallel_loop3A_287], %parallel_loop3A_290 {strides = array<i32>} : memref<200x128xf32, #tpu.memory_space<vmem>>, vector<1x16xf32>,
      %parallel_loop3A_291 = arith.index_cast %parallel_loop3A_272 : i32 to index
      %parallel_loop3A_292 = arith.constant 32 : index
      %parallel_loop3A_293 = tpu.vector_load %arg8[%parallel_loop3A_291, %parallel_loop3A_292] {strides = array<i32>} : memref<200x64xf32, #tpu.memory_space<vmem>>, vector<1x16xf32>,
      %parallel_loop3A_294 = vector.shape_cast %parallel_loop3A_293 : vector<1x16xf32> to vector<16xf32>
      %parallel_loop3A_295 = arith.index_cast %parallel_loop3A_272 : i32 to index
      %parallel_loop3A_296 = arith.constant 32 : index
      %parallel_loop3A_297 = tpu.vector_load %arg9[%parallel_loop3A_295, %parallel_loop3A_296] {strides = array<i32>} : memref<200x128xf32, #tpu.memory_space<vmem>>, vector<1x16xf32>,
      %parallel_loop3A_298 = vector.shape_cast %parallel_loop3A_297 : vector<1x16xf32> to vector<16xf32>
      %parallel_loop3A_299 = vector.shape_cast %parallel_loop3A_294 : vector<16xf32> to vector<1x16xf32>
      tpu.vector_store %arg9[%parallel_loop3A_295, %parallel_loop3A_296], %parallel_loop3A_299 {strides = array<i32>} : memref<200x128xf32, #tpu.memory_space<vmem>>, vector<1x16xf32>,
      %parallel_loop3A_300 = arith.index_cast %parallel_loop3A_272 : i32 to index
      %parallel_loop3A_301 = arith.constant 48 : index
      %parallel_loop3A_302 = tpu.vector_load %arg8[%parallel_loop3A_300, %parallel_loop3A_301] {strides = array<i32>} : memref<200x64xf32, #tpu.memory_space<vmem>>, vector<1x16xf32>,
      %parallel_loop3A_303 = vector.shape_cast %parallel_loop3A_302 : vector<1x16xf32> to vector<16xf32>
      %parallel_loop3A_304 = arith.index_cast %parallel_loop3A_272 : i32 to index
      %parallel_loop3A_305 = arith.constant 48 : index
      %parallel_loop3A_306 = tpu.vector_load %arg9[%parallel_loop3A_304, %parallel_loop3A_305] {strides = array<i32>} : memref<200x128xf32, #tpu.memory_space<vmem>>, vector<1x16xf32>,
      %parallel_loop3A_307 = vector.shape_cast %parallel_loop3A_306 : vector<1x16xf32> to vector<16xf32>
      %parallel_loop3A_308 = vector.shape_cast %parallel_loop3A_303 : vector<16xf32> to vector<1x16xf32>
      tpu.vector_store %arg9[%parallel_loop3A_304, %parallel_loop3A_305], %parallel_loop3A_308 {strides = array<i32>} : memref<200x128xf32, #tpu.memory_space<vmem>>, vector<1x16xf32>,
    } {sc.loop_unroll_factor = 4 : i64, sc.parallel_access}
    %add3A_87 = arith.constant 122 : i32
    %add3A_88 = arith.addi %mul3A_4, %add3A_87 : i32
    %dma_start3A_89 = arith.constant 0 : i32
    %dma_start3A_90 = arith.constant 0 : i32
    %dma_start3A_91 = tpu.memref_slice %arg4[%add3A_88, %dma_start3A_89, %dma_start3A_90] : memref<4096x200x128xf32, #tpu.memory_space<hbm>> -> memref<1x200x128xf32, #tpu.memory_space<hbm>>
    %dma_start3A_92 = tpu.memref_squeeze %dma_start3A_91 : memref<1x200x128xf32, #tpu.memory_space<hbm>> -> memref<200x128xf32, #tpu.memory_space<hbm>>
    %dma_start3A_93 = arith.constant 0 : i32
    %dma_start3A_94 = arith.constant 0 : i32
    %dma_start3A_95 = tpu.memref_slice %arg4[%add3A_88, %dma_start3A_93, %dma_start3A_94] : memref<4096x200x128xf32, #tpu.memory_space<hbm>> -> memref<1x200x128xf32, #tpu.memory_space<hbm>>
    %dma_start3A_96 = tpu.memref_squeeze %dma_start3A_95 : memref<1x200x128xf32, #tpu.memory_space<hbm>> -> memref<200x128xf32, #tpu.memory_space<hbm>>
    tpu.enqueue_dma source(%arg9 : memref<200x128xf32, #tpu.memory_space<vmem>>) target(%dma_start3A_96 : memref<200x128xf32, #tpu.memory_space<hbm>>) target_semaphore(%arg14 : memref<!tpu.dma_semaphore, #tpu.memory_space<semaphore_mem>>)
    %dma_start3A_97 = arith.constant 25000 : i32
    %dma_start3A_98 = tpu.memref_slice %arg5[%dma_start3A_97] : memref<25600xi32, #tpu.memory_space<vmem>> -> memref<200xi32, #tpu.memory_space<vmem>>
    %dma_start3A_99 = arith.constant 0 : i32
    %dma_start3A_100 = arith.constant 0 : i32
    %dma_start3A_101 = tpu.memref_slice %arg3[%dma_start3A_99, %dma_start3A_100] : memref<1000000x64xf32, #tpu.memory_space<hbm>> -> memref<1000000x64xf32, #tpu.memory_space<hbm>>
    tpu.enqueue_indirect_dma source(%dma_start3A_101 : memref<1000000x64xf32, #tpu.memory_space<hbm>>) target(%arg8 : memref<200x64xf32, #tpu.memory_space<vmem>>) offsets(%dma_start3A_98 : memref<200xi32, #tpu.memory_space<vmem>>) semaphore(%arg13 : memref<!tpu.dma_semaphore, #tpu.memory_space<semaphore_mem>>)
    %dma_wait3A_102 = arith.constant 24600 : i32
    %dma_wait3A_103 = tpu.memref_slice %arg5[%dma_wait3A_102] : memref<25600xi32, #tpu.memory_space<vmem>> -> memref<200xi32, #tpu.memory_space<vmem>>
    %dma_wait3A_104 = arith.constant 0 : i32
    %dma_wait3A_105 = arith.constant 0 : i32
    %dma_wait3A_106 = tpu.memref_slice %arg3[%dma_wait3A_104, %dma_wait3A_105] : memref<1000000x64xf32, #tpu.memory_space<hbm>> -> memref<1000000x64xf32, #tpu.memory_space<hbm>>
    tpu.wait_indirect_dma semaphore(%arg11 : memref<!tpu.dma_semaphore, #tpu.memory_space<semaphore_mem>>) src(%dma_wait3A_106 : memref<1000000x64xf32, #tpu.memory_space<hbm>>) dst(%arg6 : memref<200x64xf32, #tpu.memory_space<vmem>>)
    %add3A_107 = arith.constant 121 : i32
    %add3A_108 = arith.addi %mul3A_4, %add3A_107 : i32
    %dma_wait3A_109 = arith.constant 0 : i32
    %dma_wait3A_110 = arith.constant 0 : i32
    %dma_wait3A_111 = tpu.memref_slice %arg4[%add3A_108, %dma_wait3A_109, %dma_wait3A_110] : memref<4096x200x128xf32, #tpu.memory_space<hbm>> -> memref<1x200x128xf32, #tpu.memory_space<hbm>>
    %dma_wait3A_112 = tpu.memref_squeeze %dma_wait3A_111 : memref<1x200x128xf32, #tpu.memory_space<hbm>> -> memref<200x128xf32, #tpu.memory_space<hbm>>
    %dma_wait3A_113 = arith.constant 0 : i32
    %dma_wait3A_114 = arith.constant 0 : i32
    %dma_wait3A_115 = tpu.memref_slice %arg4[%add3A_108, %dma_wait3A_113, %dma_wait3A_114] : memref<4096x200x128xf32, #tpu.memory_space<hbm>> -> memref<1x200x128xf32, #tpu.memory_space<hbm>>
    %dma_wait3A_116 = tpu.memref_squeeze %dma_wait3A_115 : memref<1x200x128xf32, #tpu.memory_space<hbm>> -> memref<200x128xf32, #tpu.memory_space<hbm>>
    tpu.wait_dma2 semaphore(%arg15 : memref<!tpu.dma_semaphore, #tpu.memory_space<semaphore_mem>>) src(%arg10 : memref<200x128xf32, #tpu.memory_space<vmem>>) dst(%dma_wait3A_116 : memref<200x128xf32, #tpu.memory_space<hbm>>)
    %parallel_loop3A_117 = arith.constant 0 : i32
    %parallel_loop3A_118 = arith.constant 200 : i32
    %parallel_loop3A_119 = arith.constant 1 : i32
    scf.for %parallel_loop3A_272 = %parallel_loop3A_117 to %parallel_loop3A_118 step %parallel_loop3A_119  : i32 {
      %parallel_loop3A_273 = arith.index_cast %parallel_loop3A_272 : i32 to index
      %parallel_loop3A_274 = arith.constant 0 : index
      %parallel_loop3A_275 = tpu.vector_load %arg6[%parallel_loop3A_273, %parallel_loop3A_274] {strides = array<i32>} : memref<200x64xf32, #tpu.memory_space<vmem>>, vector<1x16xf32>,
      %parallel_loop3A_276 = vector.shape_cast %parallel_loop3A_275 : vector<1x16xf32> to vector<16xf32>
      %parallel_loop3A_277 = arith.index_cast %parallel_loop3A_272 : i32 to index
      %parallel_loop3A_278 = arith.constant 0 : index
      %parallel_loop3A_279 = tpu.vector_load %arg10[%parallel_loop3A_277, %parallel_loop3A_278] {strides = array<i32>} : memref<200x128xf32, #tpu.memory_space<vmem>>, vector<1x16xf32>,
      %parallel_loop3A_280 = vector.shape_cast %parallel_loop3A_279 : vector<1x16xf32> to vector<16xf32>
      %parallel_loop3A_281 = vector.shape_cast %parallel_loop3A_276 : vector<16xf32> to vector<1x16xf32>
      tpu.vector_store %arg10[%parallel_loop3A_277, %parallel_loop3A_278], %parallel_loop3A_281 {strides = array<i32>} : memref<200x128xf32, #tpu.memory_space<vmem>>, vector<1x16xf32>,
      %parallel_loop3A_282 = arith.index_cast %parallel_loop3A_272 : i32 to index
      %parallel_loop3A_283 = arith.constant 16 : index
      %parallel_loop3A_284 = tpu.vector_load %arg6[%parallel_loop3A_282, %parallel_loop3A_283] {strides = array<i32>} : memref<200x64xf32, #tpu.memory_space<vmem>>, vector<1x16xf32>,
      %parallel_loop3A_285 = vector.shape_cast %parallel_loop3A_284 : vector<1x16xf32> to vector<16xf32>
      %parallel_loop3A_286 = arith.index_cast %parallel_loop3A_272 : i32 to index
      %parallel_loop3A_287 = arith.constant 16 : index
      %parallel_loop3A_288 = tpu.vector_load %arg10[%parallel_loop3A_286, %parallel_loop3A_287] {strides = array<i32>} : memref<200x128xf32, #tpu.memory_space<vmem>>, vector<1x16xf32>,
      %parallel_loop3A_289 = vector.shape_cast %parallel_loop3A_288 : vector<1x16xf32> to vector<16xf32>
      %parallel_loop3A_290 = vector.shape_cast %parallel_loop3A_285 : vector<16xf32> to vector<1x16xf32>
      tpu.vector_store %arg10[%parallel_loop3A_286, %parallel_loop3A_287], %parallel_loop3A_290 {strides = array<i32>} : memref<200x128xf32, #tpu.memory_space<vmem>>, vector<1x16xf32>,
      %parallel_loop3A_291 = arith.index_cast %parallel_loop3A_272 : i32 to index
      %parallel_loop3A_292 = arith.constant 32 : index
      %parallel_loop3A_293 = tpu.vector_load %arg6[%parallel_loop3A_291, %parallel_loop3A_292] {strides = array<i32>} : memref<200x64xf32, #tpu.memory_space<vmem>>, vector<1x16xf32>,
      %parallel_loop3A_294 = vector.shape_cast %parallel_loop3A_293 : vector<1x16xf32> to vector<16xf32>
      %parallel_loop3A_295 = arith.index_cast %parallel_loop3A_272 : i32 to index
      %parallel_loop3A_296 = arith.constant 32 : index
      %parallel_loop3A_297 = tpu.vector_load %arg10[%parallel_loop3A_295, %parallel_loop3A_296] {strides = array<i32>} : memref<200x128xf32, #tpu.memory_space<vmem>>, vector<1x16xf32>,
      %parallel_loop3A_298 = vector.shape_cast %parallel_loop3A_297 : vector<1x16xf32> to vector<16xf32>
      %parallel_loop3A_299 = vector.shape_cast %parallel_loop3A_294 : vector<16xf32> to vector<1x16xf32>
      tpu.vector_store %arg10[%parallel_loop3A_295, %parallel_loop3A_296], %parallel_loop3A_299 {strides = array<i32>} : memref<200x128xf32, #tpu.memory_space<vmem>>, vector<1x16xf32>,
      %parallel_loop3A_300 = arith.index_cast %parallel_loop3A_272 : i32 to index
      %parallel_loop3A_301 = arith.constant 48 : index
      %parallel_loop3A_302 = tpu.vector_load %arg6[%parallel_loop3A_300, %parallel_loop3A_301] {strides = array<i32>} : memref<200x64xf32, #tpu.memory_space<vmem>>, vector<1x16xf32>,
      %parallel_loop3A_303 = vector.shape_cast %parallel_loop3A_302 : vector<1x16xf32> to vector<16xf32>
      %parallel_loop3A_304 = arith.index_cast %parallel_loop3A_272 : i32 to index
      %parallel_loop3A_305 = arith.constant 48 : index
      %parallel_loop3A_306 = tpu.vector_load %arg10[%parallel_loop3A_304, %parallel_loop3A_305] {strides = array<i32>} : memref<200x128xf32, #tpu.memory_space<vmem>>, vector<1x16xf32>,
      %parallel_loop3A_307 = vector.shape_cast %parallel_loop3A_306 : vector<1x16xf32> to vector<16xf32>
      %parallel_loop3A_308 = vector.shape_cast %parallel_loop3A_303 : vector<16xf32> to vector<1x16xf32>
      tpu.vector_store %arg10[%parallel_loop3A_304, %parallel_loop3A_305], %parallel_loop3A_308 {strides = array<i32>} : memref<200x128xf32, #tpu.memory_space<vmem>>, vector<1x16xf32>,
    } {sc.loop_unroll_factor = 4 : i64, sc.parallel_access}
    %add3A_120 = arith.constant 123 : i32
    %add3A_121 = arith.addi %mul3A_4, %add3A_120 : i32
    %dma_start3A_122 = arith.constant 0 : i32
    %dma_start3A_123 = arith.constant 0 : i32
    %dma_start3A_124 = tpu.memref_slice %arg4[%add3A_121, %dma_start3A_122, %dma_start3A_123] : memref<4096x200x128xf32, #tpu.memory_space<hbm>> -> memref<1x200x128xf32, #tpu.memory_space<hbm>>
    %dma_start3A_125 = tpu.memref_squeeze %dma_start3A_124 : memref<1x200x128xf32, #tpu.memory_space<hbm>> -> memref<200x128xf32, #tpu.memory_space<hbm>>
    %dma_start3A_126 = arith.constant 0 : i32
    %dma_start3A_127 = arith.constant 0 : i32
    %dma_start3A_128 = tpu.memref_slice %arg4[%add3A_121, %dma_start3A_126, %dma_start3A_127] : memref<4096x200x128xf32, #tpu.memory_space<hbm>> -> memref<1x200x128xf32, #tpu.memory_space<hbm>>
    %dma_start3A_129 = tpu.memref_squeeze %dma_start3A_128 : memref<1x200x128xf32, #tpu.memory_space<hbm>> -> memref<200x128xf32, #tpu.memory_space<hbm>>
    tpu.enqueue_dma source(%arg10 : memref<200x128xf32, #tpu.memory_space<vmem>>) target(%dma_start3A_129 : memref<200x128xf32, #tpu.memory_space<hbm>>) target_semaphore(%arg15 : memref<!tpu.dma_semaphore, #tpu.memory_space<semaphore_mem>>)
    %dma_start3A_130 = arith.constant 25200 : i32
    %dma_start3A_131 = tpu.memref_slice %arg5[%dma_start3A_130] : memref<25600xi32, #tpu.memory_space<vmem>> -> memref<200xi32, #tpu.memory_space<vmem>>
    %dma_start3A_132 = arith.constant 0 : i32
    %dma_start3A_133 = arith.constant 0 : i32
    %dma_start3A_134 = tpu.memref_slice %arg3[%dma_start3A_132, %dma_start3A_133] : memref<1000000x64xf32, #tpu.memory_space<hbm>> -> memref<1000000x64xf32, #tpu.memory_space<hbm>>
    tpu.enqueue_indirect_dma source(%dma_start3A_134 : memref<1000000x64xf32, #tpu.memory_space<hbm>>) target(%arg6 : memref<200x64xf32, #tpu.memory_space<vmem>>) offsets(%dma_start3A_131 : memref<200xi32, #tpu.memory_space<vmem>>) semaphore(%arg11 : memref<!tpu.dma_semaphore, #tpu.memory_space<semaphore_mem>>)
    %dma_wait3A_135 = arith.constant 24800 : i32
    %dma_wait3A_136 = tpu.memref_slice %arg5[%dma_wait3A_135] : memref<25600xi32, #tpu.memory_space<vmem>> -> memref<200xi32, #tpu.memory_space<vmem>>
    %dma_wait3A_137 = arith.constant 0 : i32
    %dma_wait3A_138 = arith.constant 0 : i32
    %dma_wait3A_139 = tpu.memref_slice %arg3[%dma_wait3A_137, %dma_wait3A_138] : memref<1000000x64xf32, #tpu.memory_space<hbm>> -> memref<1000000x64xf32, #tpu.memory_space<hbm>>
    tpu.wait_indirect_dma semaphore(%arg12 : memref<!tpu.dma_semaphore, #tpu.memory_space<semaphore_mem>>) src(%dma_wait3A_139 : memref<1000000x64xf32, #tpu.memory_space<hbm>>) dst(%arg7 : memref<200x64xf32, #tpu.memory_space<vmem>>)
    %add3A_140 = arith.constant 122 : i32
    %add3A_141 = arith.addi %mul3A_4, %add3A_140 : i32
    %dma_wait3A_142 = arith.constant 0 : i32
    %dma_wait3A_143 = arith.constant 0 : i32
    %dma_wait3A_144 = tpu.memref_slice %arg4[%add3A_141, %dma_wait3A_142, %dma_wait3A_143] : memref<4096x200x128xf32, #tpu.memory_space<hbm>> -> memref<1x200x128xf32, #tpu.memory_space<hbm>>
    %dma_wait3A_145 = tpu.memref_squeeze %dma_wait3A_144 : memref<1x200x128xf32, #tpu.memory_space<hbm>> -> memref<200x128xf32, #tpu.memory_space<hbm>>
    %dma_wait3A_146 = arith.constant 0 : i32
    %dma_wait3A_147 = arith.constant 0 : i32
    %dma_wait3A_148 = tpu.memref_slice %arg4[%add3A_141, %dma_wait3A_146, %dma_wait3A_147] : memref<4096x200x128xf32, #tpu.memory_space<hbm>> -> memref<1x200x128xf32, #tpu.memory_space<hbm>>
    %dma_wait3A_149 = tpu.memref_squeeze %dma_wait3A_148 : memref<1x200x128xf32, #tpu.memory_space<hbm>> -> memref<200x128xf32, #tpu.memory_space<hbm>>
    tpu.wait_dma2 semaphore(%arg14 : memref<!tpu.dma_semaphore, #tpu.memory_space<semaphore_mem>>) src(%arg9 : memref<200x128xf32, #tpu.memory_space<vmem>>) dst(%dma_wait3A_149 : memref<200x128xf32, #tpu.memory_space<hbm>>)
    %parallel_loop3A_150 = arith.constant 0 : i32
    %parallel_loop3A_151 = arith.constant 200 : i32
    %parallel_loop3A_152 = arith.constant 1 : i32
    scf.for %parallel_loop3A_272 = %parallel_loop3A_150 to %parallel_loop3A_151 step %parallel_loop3A_152  : i32 {
      %parallel_loop3A_273 = arith.index_cast %parallel_loop3A_272 : i32 to index
      %parallel_loop3A_274 = arith.constant 0 : index
      %parallel_loop3A_275 = tpu.vector_load %arg7[%parallel_loop3A_273, %parallel_loop3A_274] {strides = array<i32>} : memref<200x64xf32, #tpu.memory_space<vmem>>, vector<1x16xf32>,
      %parallel_loop3A_276 = vector.shape_cast %parallel_loop3A_275 : vector<1x16xf32> to vector<16xf32>
      %parallel_loop3A_277 = arith.index_cast %parallel_loop3A_272 : i32 to index
      %parallel_loop3A_278 = arith.constant 0 : index
      %parallel_loop3A_279 = tpu.vector_load %arg9[%parallel_loop3A_277, %parallel_loop3A_278] {strides = array<i32>} : memref<200x128xf32, #tpu.memory_space<vmem>>, vector<1x16xf32>,
      %parallel_loop3A_280 = vector.shape_cast %parallel_loop3A_279 : vector<1x16xf32> to vector<16xf32>
      %parallel_loop3A_281 = vector.shape_cast %parallel_loop3A_276 : vector<16xf32> to vector<1x16xf32>
      tpu.vector_store %arg9[%parallel_loop3A_277, %parallel_loop3A_278], %parallel_loop3A_281 {strides = array<i32>} : memref<200x128xf32, #tpu.memory_space<vmem>>, vector<1x16xf32>,
      %parallel_loop3A_282 = arith.index_cast %parallel_loop3A_272 : i32 to index
      %parallel_loop3A_283 = arith.constant 16 : index
      %parallel_loop3A_284 = tpu.vector_load %arg7[%parallel_loop3A_282, %parallel_loop3A_283] {strides = array<i32>} : memref<200x64xf32, #tpu.memory_space<vmem>>, vector<1x16xf32>,
      %parallel_loop3A_285 = vector.shape_cast %parallel_loop3A_284 : vector<1x16xf32> to vector<16xf32>
      %parallel_loop3A_286 = arith.index_cast %parallel_loop3A_272 : i32 to index
      %parallel_loop3A_287 = arith.constant 16 : index
      %parallel_loop3A_288 = tpu.vector_load %arg9[%parallel_loop3A_286, %parallel_loop3A_287] {strides = array<i32>} : memref<200x128xf32, #tpu.memory_space<vmem>>, vector<1x16xf32>,
      %parallel_loop3A_289 = vector.shape_cast %parallel_loop3A_288 : vector<1x16xf32> to vector<16xf32>
      %parallel_loop3A_290 = vector.shape_cast %parallel_loop3A_285 : vector<16xf32> to vector<1x16xf32>
      tpu.vector_store %arg9[%parallel_loop3A_286, %parallel_loop3A_287], %parallel_loop3A_290 {strides = array<i32>} : memref<200x128xf32, #tpu.memory_space<vmem>>, vector<1x16xf32>,
      %parallel_loop3A_291 = arith.index_cast %parallel_loop3A_272 : i32 to index
      %parallel_loop3A_292 = arith.constant 32 : index
      %parallel_loop3A_293 = tpu.vector_load %arg7[%parallel_loop3A_291, %parallel_loop3A_292] {strides = array<i32>} : memref<200x64xf32, #tpu.memory_space<vmem>>, vector<1x16xf32>,
      %parallel_loop3A_294 = vector.shape_cast %parallel_loop3A_293 : vector<1x16xf32> to vector<16xf32>
      %parallel_loop3A_295 = arith.index_cast %parallel_loop3A_272 : i32 to index
      %parallel_loop3A_296 = arith.constant 32 : index
      %parallel_loop3A_297 = tpu.vector_load %arg9[%parallel_loop3A_295, %parallel_loop3A_296] {strides = array<i32>} : memref<200x128xf32, #tpu.memory_space<vmem>>, vector<1x16xf32>,
      %parallel_loop3A_298 = vector.shape_cast %parallel_loop3A_297 : vector<1x16xf32> to vector<16xf32>
      %parallel_loop3A_299 = vector.shape_cast %parallel_loop3A_294 : vector<16xf32> to vector<1x16xf32>
      tpu.vector_store %arg9[%parallel_loop3A_295, %parallel_loop3A_296], %parallel_loop3A_299 {strides = array<i32>} : memref<200x128xf32, #tpu.memory_space<vmem>>, vector<1x16xf32>,
      %parallel_loop3A_300 = arith.index_cast %parallel_loop3A_272 : i32 to index
      %parallel_loop3A_301 = arith.constant 48 : index
      %parallel_loop3A_302 = tpu.vector_load %arg7[%parallel_loop3A_300, %parallel_loop3A_301] {strides = array<i32>} : memref<200x64xf32, #tpu.memory_space<vmem>>, vector<1x16xf32>,
      %parallel_loop3A_303 = vector.shape_cast %parallel_loop3A_302 : vector<1x16xf32> to vector<16xf32>
      %parallel_loop3A_304 = arith.index_cast %parallel_loop3A_272 : i32 to index
      %parallel_loop3A_305 = arith.constant 48 : index
      %parallel_loop3A_306 = tpu.vector_load %arg9[%parallel_loop3A_304, %parallel_loop3A_305] {strides = array<i32>} : memref<200x128xf32, #tpu.memory_space<vmem>>, vector<1x16xf32>,
      %parallel_loop3A_307 = vector.shape_cast %parallel_loop3A_306 : vector<1x16xf32> to vector<16xf32>
      %parallel_loop3A_308 = vector.shape_cast %parallel_loop3A_303 : vector<16xf32> to vector<1x16xf32>
      tpu.vector_store %arg9[%parallel_loop3A_304, %parallel_loop3A_305], %parallel_loop3A_308 {strides = array<i32>} : memref<200x128xf32, #tpu.memory_space<vmem>>, vector<1x16xf32>,
    } {sc.loop_unroll_factor = 4 : i64, sc.parallel_access}
    %add3A_153 = arith.constant 124 : i32
    %add3A_154 = arith.addi %mul3A_4, %add3A_153 : i32
    %dma_start3A_155 = arith.constant 0 : i32
    %dma_start3A_156 = arith.constant 0 : i32
    %dma_start3A_157 = tpu.memref_slice %arg4[%add3A_154, %dma_start3A_155, %dma_start3A_156] : memref<4096x200x128xf32, #tpu.memory_space<hbm>> -> memref<1x200x128xf32, #tpu.memory_space<hbm>>
    %dma_start3A_158 = tpu.memref_squeeze %dma_start3A_157 : memref<1x200x128xf32, #tpu.memory_space<hbm>> -> memref<200x128xf32, #tpu.memory_space<hbm>>
    %dma_start3A_159 = arith.constant 0 : i32
    %dma_start3A_160 = arith.constant 0 : i32
    %dma_start3A_161 = tpu.memref_slice %arg4[%add3A_154, %dma_start3A_159, %dma_start3A_160] : memref<4096x200x128xf32, #tpu.memory_space<hbm>> -> memref<1x200x128xf32, #tpu.memory_space<hbm>>
    %dma_start3A_162 = tpu.memref_squeeze %dma_start3A_161 : memref<1x200x128xf32, #tpu.memory_space<hbm>> -> memref<200x128xf32, #tpu.memory_space<hbm>>
    tpu.enqueue_dma source(%arg9 : memref<200x128xf32, #tpu.memory_space<vmem>>) target(%dma_start3A_162 : memref<200x128xf32, #tpu.memory_space<hbm>>) target_semaphore(%arg14 : memref<!tpu.dma_semaphore, #tpu.memory_space<semaphore_mem>>)
    %dma_start3A_163 = arith.constant 25400 : i32
    %dma_start3A_164 = tpu.memref_slice %arg5[%dma_start3A_163] : memref<25600xi32, #tpu.memory_space<vmem>> -> memref<200xi32, #tpu.memory_space<vmem>>
    %dma_start3A_165 = arith.constant 0 : i32
    %dma_start3A_166 = arith.constant 0 : i32
    %dma_start3A_167 = tpu.memref_slice %arg3[%dma_start3A_165, %dma_start3A_166] : memref<1000000x64xf32, #tpu.memory_space<hbm>> -> memref<1000000x64xf32, #tpu.memory_space<hbm>>
    tpu.enqueue_indirect_dma source(%dma_start3A_167 : memref<1000000x64xf32, #tpu.memory_space<hbm>>) target(%arg7 : memref<200x64xf32, #tpu.memory_space<vmem>>) offsets(%dma_start3A_164 : memref<200xi32, #tpu.memory_space<vmem>>) semaphore(%arg12 : memref<!tpu.dma_semaphore, #tpu.memory_space<semaphore_mem>>)
    %dma_wait3A_168 = arith.constant 25000 : i32
    %dma_wait3A_169 = tpu.memref_slice %arg5[%dma_wait3A_168] : memref<25600xi32, #tpu.memory_space<vmem>> -> memref<200xi32, #tpu.memory_space<vmem>>
    %dma_wait3A_170 = arith.constant 0 : i32
    %dma_wait3A_171 = arith.constant 0 : i32
    %dma_wait3A_172 = tpu.memref_slice %arg3[%dma_wait3A_170, %dma_wait3A_171] : memref<1000000x64xf32, #tpu.memory_space<hbm>> -> memref<1000000x64xf32, #tpu.memory_space<hbm>>
    tpu.wait_indirect_dma semaphore(%arg13 : memref<!tpu.dma_semaphore, #tpu.memory_space<semaphore_mem>>) src(%dma_wait3A_172 : memref<1000000x64xf32, #tpu.memory_space<hbm>>) dst(%arg8 : memref<200x64xf32, #tpu.memory_space<vmem>>)
    %add3A_173 = arith.constant 123 : i32
    %add3A_174 = arith.addi %mul3A_4, %add3A_173 : i32
    %dma_wait3A_175 = arith.constant 0 : i32
    %dma_wait3A_176 = arith.constant 0 : i32
    %dma_wait3A_177 = tpu.memref_slice %arg4[%add3A_174, %dma_wait3A_175, %dma_wait3A_176] : memref<4096x200x128xf32, #tpu.memory_space<hbm>> -> memref<1x200x128xf32, #tpu.memory_space<hbm>>
    %dma_wait3A_178 = tpu.memref_squeeze %dma_wait3A_177 : memref<1x200x128xf32, #tpu.memory_space<hbm>> -> memref<200x128xf32, #tpu.memory_space<hbm>>
    %dma_wait3A_179 = arith.constant 0 : i32
    %dma_wait3A_180 = arith.constant 0 : i32
    %dma_wait3A_181 = tpu.memref_slice %arg4[%add3A_174, %dma_wait3A_179, %dma_wait3A_180] : memref<4096x200x128xf32, #tpu.memory_space<hbm>> -> memref<1x200x128xf32, #tpu.memory_space<hbm>>
    %dma_wait3A_182 = tpu.memref_squeeze %dma_wait3A_181 : memref<1x200x128xf32, #tpu.memory_space<hbm>> -> memref<200x128xf32, #tpu.memory_space<hbm>>
    tpu.wait_dma2 semaphore(%arg15 : memref<!tpu.dma_semaphore, #tpu.memory_space<semaphore_mem>>) src(%arg10 : memref<200x128xf32, #tpu.memory_space<vmem>>) dst(%dma_wait3A_182 : memref<200x128xf32, #tpu.memory_space<hbm>>)
    %parallel_loop3A_183 = arith.constant 0 : i32
    %parallel_loop3A_184 = arith.constant 200 : i32
    %parallel_loop3A_185 = arith.constant 1 : i32
    scf.for %parallel_loop3A_272 = %parallel_loop3A_183 to %parallel_loop3A_184 step %parallel_loop3A_185  : i32 {
      %parallel_loop3A_273 = arith.index_cast %parallel_loop3A_272 : i32 to index
      %parallel_loop3A_274 = arith.constant 0 : index
      %parallel_loop3A_275 = tpu.vector_load %arg8[%parallel_loop3A_273, %parallel_loop3A_274] {strides = array<i32>} : memref<200x64xf32, #tpu.memory_space<vmem>>, vector<1x16xf32>,
      %parallel_loop3A_276 = vector.shape_cast %parallel_loop3A_275 : vector<1x16xf32> to vector<16xf32>
      %parallel_loop3A_277 = arith.index_cast %parallel_loop3A_272 : i32 to index
      %parallel_loop3A_278 = arith.constant 0 : index
      %parallel_loop3A_279 = tpu.vector_load %arg10[%parallel_loop3A_277, %parallel_loop3A_278] {strides = array<i32>} : memref<200x128xf32, #tpu.memory_space<vmem>>, vector<1x16xf32>,
      %parallel_loop3A_280 = vector.shape_cast %parallel_loop3A_279 : vector<1x16xf32> to vector<16xf32>
      %parallel_loop3A_281 = vector.shape_cast %parallel_loop3A_276 : vector<16xf32> to vector<1x16xf32>
      tpu.vector_store %arg10[%parallel_loop3A_277, %parallel_loop3A_278], %parallel_loop3A_281 {strides = array<i32>} : memref<200x128xf32, #tpu.memory_space<vmem>>, vector<1x16xf32>,
      %parallel_loop3A_282 = arith.index_cast %parallel_loop3A_272 : i32 to index
      %parallel_loop3A_283 = arith.constant 16 : index
      %parallel_loop3A_284 = tpu.vector_load %arg8[%parallel_loop3A_282, %parallel_loop3A_283] {strides = array<i32>} : memref<200x64xf32, #tpu.memory_space<vmem>>, vector<1x16xf32>,
      %parallel_loop3A_285 = vector.shape_cast %parallel_loop3A_284 : vector<1x16xf32> to vector<16xf32>
      %parallel_loop3A_286 = arith.index_cast %parallel_loop3A_272 : i32 to index
      %parallel_loop3A_287 = arith.constant 16 : index
      %parallel_loop3A_288 = tpu.vector_load %arg10[%parallel_loop3A_286, %parallel_loop3A_287] {strides = array<i32>} : memref<200x128xf32, #tpu.memory_space<vmem>>, vector<1x16xf32>,
      %parallel_loop3A_289 = vector.shape_cast %parallel_loop3A_288 : vector<1x16xf32> to vector<16xf32>
      %parallel_loop3A_290 = vector.shape_cast %parallel_loop3A_285 : vector<16xf32> to vector<1x16xf32>
      tpu.vector_store %arg10[%parallel_loop3A_286, %parallel_loop3A_287], %parallel_loop3A_290 {strides = array<i32>} : memref<200x128xf32, #tpu.memory_space<vmem>>, vector<1x16xf32>,
      %parallel_loop3A_291 = arith.index_cast %parallel_loop3A_272 : i32 to index
      %parallel_loop3A_292 = arith.constant 32 : index
      %parallel_loop3A_293 = tpu.vector_load %arg8[%parallel_loop3A_291, %parallel_loop3A_292] {strides = array<i32>} : memref<200x64xf32, #tpu.memory_space<vmem>>, vector<1x16xf32>,
      %parallel_loop3A_294 = vector.shape_cast %parallel_loop3A_293 : vector<1x16xf32> to vector<16xf32>
      %parallel_loop3A_295 = arith.index_cast %parallel_loop3A_272 : i32 to index
      %parallel_loop3A_296 = arith.constant 32 : index
      %parallel_loop3A_297 = tpu.vector_load %arg10[%parallel_loop3A_295, %parallel_loop3A_296] {strides = array<i32>} : memref<200x128xf32, #tpu.memory_space<vmem>>, vector<1x16xf32>,
      %parallel_loop3A_298 = vector.shape_cast %parallel_loop3A_297 : vector<1x16xf32> to vector<16xf32>
      %parallel_loop3A_299 = vector.shape_cast %parallel_loop3A_294 : vector<16xf32> to vector<1x16xf32>
      tpu.vector_store %arg10[%parallel_loop3A_295, %parallel_loop3A_296], %parallel_loop3A_299 {strides = array<i32>} : memref<200x128xf32, #tpu.memory_space<vmem>>, vector<1x16xf32>,
      %parallel_loop3A_300 = arith.index_cast %parallel_loop3A_272 : i32 to index
      %parallel_loop3A_301 = arith.constant 48 : index
      %parallel_loop3A_302 = tpu.vector_load %arg8[%parallel_loop3A_300, %parallel_loop3A_301] {strides = array<i32>} : memref<200x64xf32, #tpu.memory_space<vmem>>, vector<1x16xf32>,
      %parallel_loop3A_303 = vector.shape_cast %parallel_loop3A_302 : vector<1x16xf32> to vector<16xf32>
      %parallel_loop3A_304 = arith.index_cast %parallel_loop3A_272 : i32 to index
      %parallel_loop3A_305 = arith.constant 48 : index
      %parallel_loop3A_306 = tpu.vector_load %arg10[%parallel_loop3A_304, %parallel_loop3A_305] {strides = array<i32>} : memref<200x128xf32, #tpu.memory_space<vmem>>, vector<1x16xf32>,
      %parallel_loop3A_307 = vector.shape_cast %parallel_loop3A_306 : vector<1x16xf32> to vector<16xf32>
      %parallel_loop3A_308 = vector.shape_cast %parallel_loop3A_303 : vector<16xf32> to vector<1x16xf32>
      tpu.vector_store %arg10[%parallel_loop3A_304, %parallel_loop3A_305], %parallel_loop3A_308 {strides = array<i32>} : memref<200x128xf32, #tpu.memory_space<vmem>>, vector<1x16xf32>,
    } {sc.loop_unroll_factor = 4 : i64, sc.parallel_access}
    %add3A_186 = arith.constant 125 : i32
    %add3A_187 = arith.addi %mul3A_4, %add3A_186 : i32
    %dma_start3A_188 = arith.constant 0 : i32
    %dma_start3A_189 = arith.constant 0 : i32
    %dma_start3A_190 = tpu.memref_slice %arg4[%add3A_187, %dma_start3A_188, %dma_start3A_189] : memref<4096x200x128xf32, #tpu.memory_space<hbm>> -> memref<1x200x128xf32, #tpu.memory_space<hbm>>
    %dma_start3A_191 = tpu.memref_squeeze %dma_start3A_190 : memref<1x200x128xf32, #tpu.memory_space<hbm>> -> memref<200x128xf32, #tpu.memory_space<hbm>>
    %dma_start3A_192 = arith.constant 0 : i32
    %dma_start3A_193 = arith.constant 0 : i32
    %dma_start3A_194 = tpu.memref_slice %arg4[%add3A_187, %dma_start3A_192, %dma_start3A_193] : memref<4096x200x128xf32, #tpu.memory_space<hbm>> -> memref<1x200x128xf32, #tpu.memory_space<hbm>>
    %dma_start3A_195 = tpu.memref_squeeze %dma_start3A_194 : memref<1x200x128xf32, #tpu.memory_space<hbm>> -> memref<200x128xf32, #tpu.memory_space<hbm>>
    tpu.enqueue_dma source(%arg10 : memref<200x128xf32, #tpu.memory_space<vmem>>) target(%dma_start3A_195 : memref<200x128xf32, #tpu.memory_space<hbm>>) target_semaphore(%arg15 : memref<!tpu.dma_semaphore, #tpu.memory_space<semaphore_mem>>)
    %dma_wait3A_196 = arith.constant 25200 : i32
    %dma_wait3A_197 = tpu.memref_slice %arg5[%dma_wait3A_196] : memref<25600xi32, #tpu.memory_space<vmem>> -> memref<200xi32, #tpu.memory_space<vmem>>
    %dma_wait3A_198 = arith.constant 0 : i32
    %dma_wait3A_199 = arith.constant 0 : i32
    %dma_wait3A_200 = tpu.memref_slice %arg3[%dma_wait3A_198, %dma_wait3A_199] : memref<1000000x64xf32, #tpu.memory_space<hbm>> -> memref<1000000x64xf32, #tpu.memory_space<hbm>>
    tpu.wait_indirect_dma semaphore(%arg11 : memref<!tpu.dma_semaphore, #tpu.memory_space<semaphore_mem>>) src(%dma_wait3A_200 : memref<1000000x64xf32, #tpu.memory_space<hbm>>) dst(%arg6 : memref<200x64xf32, #tpu.memory_space<vmem>>)
    %add3A_201 = arith.constant 124 : i32
    %add3A_202 = arith.addi %mul3A_4, %add3A_201 : i32
    %dma_wait3A_203 = arith.constant 0 : i32
    %dma_wait3A_204 = arith.constant 0 : i32
    %dma_wait3A_205 = tpu.memref_slice %arg4[%add3A_202, %dma_wait3A_203, %dma_wait3A_204] : memref<4096x200x128xf32, #tpu.memory_space<hbm>> -> memref<1x200x128xf32, #tpu.memory_space<hbm>>
    %dma_wait3A_206 = tpu.memref_squeeze %dma_wait3A_205 : memref<1x200x128xf32, #tpu.memory_space<hbm>> -> memref<200x128xf32, #tpu.memory_space<hbm>>
    %dma_wait3A_207 = arith.constant 0 : i32
    %dma_wait3A_208 = arith.constant 0 : i32
    %dma_wait3A_209 = tpu.memref_slice %arg4[%add3A_202, %dma_wait3A_207, %dma_wait3A_208] : memref<4096x200x128xf32, #tpu.memory_space<hbm>> -> memref<1x200x128xf32, #tpu.memory_space<hbm>>
    %dma_wait3A_210 = tpu.memref_squeeze %dma_wait3A_209 : memref<1x200x128xf32, #tpu.memory_space<hbm>> -> memref<200x128xf32, #tpu.memory_space<hbm>>
    tpu.wait_dma2 semaphore(%arg14 : memref<!tpu.dma_semaphore, #tpu.memory_space<semaphore_mem>>) src(%arg9 : memref<200x128xf32, #tpu.memory_space<vmem>>) dst(%dma_wait3A_210 : memref<200x128xf32, #tpu.memory_space<hbm>>)
    %parallel_loop3A_211 = arith.constant 0 : i32
    %parallel_loop3A_212 = arith.constant 200 : i32
    %parallel_loop3A_213 = arith.constant 1 : i32
    scf.for %parallel_loop3A_272 = %parallel_loop3A_211 to %parallel_loop3A_212 step %parallel_loop3A_213  : i32 {
      %parallel_loop3A_273 = arith.index_cast %parallel_loop3A_272 : i32 to index
      %parallel_loop3A_274 = arith.constant 0 : index
      %parallel_loop3A_275 = tpu.vector_load %arg6[%parallel_loop3A_273, %parallel_loop3A_274] {strides = array<i32>} : memref<200x64xf32, #tpu.memory_space<vmem>>, vector<1x16xf32>,
      %parallel_loop3A_276 = vector.shape_cast %parallel_loop3A_275 : vector<1x16xf32> to vector<16xf32>
      %parallel_loop3A_277 = arith.index_cast %parallel_loop3A_272 : i32 to index
      %parallel_loop3A_278 = arith.constant 0 : index
      %parallel_loop3A_279 = tpu.vector_load %arg9[%parallel_loop3A_277, %parallel_loop3A_278] {strides = array<i32>} : memref<200x128xf32, #tpu.memory_space<vmem>>, vector<1x16xf32>,
      %parallel_loop3A_280 = vector.shape_cast %parallel_loop3A_279 : vector<1x16xf32> to vector<16xf32>
      %parallel_loop3A_281 = vector.shape_cast %parallel_loop3A_276 : vector<16xf32> to vector<1x16xf32>
      tpu.vector_store %arg9[%parallel_loop3A_277, %parallel_loop3A_278], %parallel_loop3A_281 {strides = array<i32>} : memref<200x128xf32, #tpu.memory_space<vmem>>, vector<1x16xf32>,
      %parallel_loop3A_282 = arith.index_cast %parallel_loop3A_272 : i32 to index
      %parallel_loop3A_283 = arith.constant 16 : index
      %parallel_loop3A_284 = tpu.vector_load %arg6[%parallel_loop3A_282, %parallel_loop3A_283] {strides = array<i32>} : memref<200x64xf32, #tpu.memory_space<vmem>>, vector<1x16xf32>,
      %parallel_loop3A_285 = vector.shape_cast %parallel_loop3A_284 : vector<1x16xf32> to vector<16xf32>
      %parallel_loop3A_286 = arith.index_cast %parallel_loop3A_272 : i32 to index
      %parallel_loop3A_287 = arith.constant 16 : index
      %parallel_loop3A_288 = tpu.vector_load %arg9[%parallel_loop3A_286, %parallel_loop3A_287] {strides = array<i32>} : memref<200x128xf32, #tpu.memory_space<vmem>>, vector<1x16xf32>,
      %parallel_loop3A_289 = vector.shape_cast %parallel_loop3A_288 : vector<1x16xf32> to vector<16xf32>
      %parallel_loop3A_290 = vector.shape_cast %parallel_loop3A_285 : vector<16xf32> to vector<1x16xf32>
      tpu.vector_store %arg9[%parallel_loop3A_286, %parallel_loop3A_287], %parallel_loop3A_290 {strides = array<i32>} : memref<200x128xf32, #tpu.memory_space<vmem>>, vector<1x16xf32>,
      %parallel_loop3A_291 = arith.index_cast %parallel_loop3A_272 : i32 to index
      %parallel_loop3A_292 = arith.constant 32 : index
      %parallel_loop3A_293 = tpu.vector_load %arg6[%parallel_loop3A_291, %parallel_loop3A_292] {strides = array<i32>} : memref<200x64xf32, #tpu.memory_space<vmem>>, vector<1x16xf32>,
      %parallel_loop3A_294 = vector.shape_cast %parallel_loop3A_293 : vector<1x16xf32> to vector<16xf32>
      %parallel_loop3A_295 = arith.index_cast %parallel_loop3A_272 : i32 to index
      %parallel_loop3A_296 = arith.constant 32 : index
      %parallel_loop3A_297 = tpu.vector_load %arg9[%parallel_loop3A_295, %parallel_loop3A_296] {strides = array<i32>} : memref<200x128xf32, #tpu.memory_space<vmem>>, vector<1x16xf32>,
      %parallel_loop3A_298 = vector.shape_cast %parallel_loop3A_297 : vector<1x16xf32> to vector<16xf32>
      %parallel_loop3A_299 = vector.shape_cast %parallel_loop3A_294 : vector<16xf32> to vector<1x16xf32>
      tpu.vector_store %arg9[%parallel_loop3A_295, %parallel_loop3A_296], %parallel_loop3A_299 {strides = array<i32>} : memref<200x128xf32, #tpu.memory_space<vmem>>, vector<1x16xf32>,
      %parallel_loop3A_300 = arith.index_cast %parallel_loop3A_272 : i32 to index
      %parallel_loop3A_301 = arith.constant 48 : index
      %parallel_loop3A_302 = tpu.vector_load %arg6[%parallel_loop3A_300, %parallel_loop3A_301] {strides = array<i32>} : memref<200x64xf32, #tpu.memory_space<vmem>>, vector<1x16xf32>,
      %parallel_loop3A_303 = vector.shape_cast %parallel_loop3A_302 : vector<1x16xf32> to vector<16xf32>
      %parallel_loop3A_304 = arith.index_cast %parallel_loop3A_272 : i32 to index
      %parallel_loop3A_305 = arith.constant 48 : index
      %parallel_loop3A_306 = tpu.vector_load %arg9[%parallel_loop3A_304, %parallel_loop3A_305] {strides = array<i32>} : memref<200x128xf32, #tpu.memory_space<vmem>>, vector<1x16xf32>,
      %parallel_loop3A_307 = vector.shape_cast %parallel_loop3A_306 : vector<1x16xf32> to vector<16xf32>
      %parallel_loop3A_308 = vector.shape_cast %parallel_loop3A_303 : vector<16xf32> to vector<1x16xf32>
      tpu.vector_store %arg9[%parallel_loop3A_304, %parallel_loop3A_305], %parallel_loop3A_308 {strides = array<i32>} : memref<200x128xf32, #tpu.memory_space<vmem>>, vector<1x16xf32>,
    } {sc.loop_unroll_factor = 4 : i64, sc.parallel_access}
    %add3A_214 = arith.constant 126 : i32
    %add3A_215 = arith.addi %mul3A_4, %add3A_214 : i32
    %dma_start3A_216 = arith.constant 0 : i32
    %dma_start3A_217 = arith.constant 0 : i32
    %dma_start3A_218 = tpu.memref_slice %arg4[%add3A_215, %dma_start3A_216, %dma_start3A_217] : memref<4096x200x128xf32, #tpu.memory_space<hbm>> -> memref<1x200x128xf32, #tpu.memory_space<hbm>>
    %dma_start3A_219 = tpu.memref_squeeze %dma_start3A_218 : memref<1x200x128xf32, #tpu.memory_space<hbm>> -> memref<200x128xf32, #tpu.memory_space<hbm>>
    %dma_start3A_220 = arith.constant 0 : i32
    %dma_start3A_221 = arith.constant 0 : i32
    %dma_start3A_222 = tpu.memref_slice %arg4[%add3A_215, %dma_start3A_220, %dma_start3A_221] : memref<4096x200x128xf32, #tpu.memory_space<hbm>> -> memref<1x200x128xf32, #tpu.memory_space<hbm>>
    %dma_start3A_223 = tpu.memref_squeeze %dma_start3A_222 : memref<1x200x128xf32, #tpu.memory_space<hbm>> -> memref<200x128xf32, #tpu.memory_space<hbm>>
    tpu.enqueue_dma source(%arg9 : memref<200x128xf32, #tpu.memory_space<vmem>>) target(%dma_start3A_223 : memref<200x128xf32, #tpu.memory_space<hbm>>) target_semaphore(%arg14 : memref<!tpu.dma_semaphore, #tpu.memory_space<semaphore_mem>>)
    %dma_wait3A_224 = arith.constant 25400 : i32
    %dma_wait3A_225 = tpu.memref_slice %arg5[%dma_wait3A_224] : memref<25600xi32, #tpu.memory_space<vmem>> -> memref<200xi32, #tpu.memory_space<vmem>>
    %dma_wait3A_226 = arith.constant 0 : i32
    %dma_wait3A_227 = arith.constant 0 : i32
    %dma_wait3A_228 = tpu.memref_slice %arg3[%dma_wait3A_226, %dma_wait3A_227] : memref<1000000x64xf32, #tpu.memory_space<hbm>> -> memref<1000000x64xf32, #tpu.memory_space<hbm>>
    tpu.wait_indirect_dma semaphore(%arg12 : memref<!tpu.dma_semaphore, #tpu.memory_space<semaphore_mem>>) src(%dma_wait3A_228 : memref<1000000x64xf32, #tpu.memory_space<hbm>>) dst(%arg7 : memref<200x64xf32, #tpu.memory_space<vmem>>)
    %add3A_229 = arith.constant 125 : i32
    %add3A_230 = arith.addi %mul3A_4, %add3A_229 : i32
    %dma_wait3A_231 = arith.constant 0 : i32
    %dma_wait3A_232 = arith.constant 0 : i32
    %dma_wait3A_233 = tpu.memref_slice %arg4[%add3A_230, %dma_wait3A_231, %dma_wait3A_232] : memref<4096x200x128xf32, #tpu.memory_space<hbm>> -> memref<1x200x128xf32, #tpu.memory_space<hbm>>
    %dma_wait3A_234 = tpu.memref_squeeze %dma_wait3A_233 : memref<1x200x128xf32, #tpu.memory_space<hbm>> -> memref<200x128xf32, #tpu.memory_space<hbm>>
    %dma_wait3A_235 = arith.constant 0 : i32
    %dma_wait3A_236 = arith.constant 0 : i32
    %dma_wait3A_237 = tpu.memref_slice %arg4[%add3A_230, %dma_wait3A_235, %dma_wait3A_236] : memref<4096x200x128xf32, #tpu.memory_space<hbm>> -> memref<1x200x128xf32, #tpu.memory_space<hbm>>
    %dma_wait3A_238 = tpu.memref_squeeze %dma_wait3A_237 : memref<1x200x128xf32, #tpu.memory_space<hbm>> -> memref<200x128xf32, #tpu.memory_space<hbm>>
    tpu.wait_dma2 semaphore(%arg15 : memref<!tpu.dma_semaphore, #tpu.memory_space<semaphore_mem>>) src(%arg10 : memref<200x128xf32, #tpu.memory_space<vmem>>) dst(%dma_wait3A_238 : memref<200x128xf32, #tpu.memory_space<hbm>>)
    %parallel_loop3A_239 = arith.constant 0 : i32
    %parallel_loop3A_240 = arith.constant 200 : i32
    %parallel_loop3A_241 = arith.constant 1 : i32
    scf.for %parallel_loop3A_272 = %parallel_loop3A_239 to %parallel_loop3A_240 step %parallel_loop3A_241  : i32 {
      %parallel_loop3A_273 = arith.index_cast %parallel_loop3A_272 : i32 to index
      %parallel_loop3A_274 = arith.constant 0 : index
      %parallel_loop3A_275 = tpu.vector_load %arg7[%parallel_loop3A_273, %parallel_loop3A_274] {strides = array<i32>} : memref<200x64xf32, #tpu.memory_space<vmem>>, vector<1x16xf32>,
      %parallel_loop3A_276 = vector.shape_cast %parallel_loop3A_275 : vector<1x16xf32> to vector<16xf32>
      %parallel_loop3A_277 = arith.index_cast %parallel_loop3A_272 : i32 to index
      %parallel_loop3A_278 = arith.constant 0 : index
      %parallel_loop3A_279 = tpu.vector_load %arg10[%parallel_loop3A_277, %parallel_loop3A_278] {strides = array<i32>} : memref<200x128xf32, #tpu.memory_space<vmem>>, vector<1x16xf32>,
      %parallel_loop3A_280 = vector.shape_cast %parallel_loop3A_279 : vector<1x16xf32> to vector<16xf32>
      %parallel_loop3A_281 = vector.shape_cast %parallel_loop3A_276 : vector<16xf32> to vector<1x16xf32>
      tpu.vector_store %arg10[%parallel_loop3A_277, %parallel_loop3A_278], %parallel_loop3A_281 {strides = array<i32>} : memref<200x128xf32, #tpu.memory_space<vmem>>, vector<1x16xf32>,
      %parallel_loop3A_282 = arith.index_cast %parallel_loop3A_272 : i32 to index
      %parallel_loop3A_283 = arith.constant 16 : index
      %parallel_loop3A_284 = tpu.vector_load %arg7[%parallel_loop3A_282, %parallel_loop3A_283] {strides = array<i32>} : memref<200x64xf32, #tpu.memory_space<vmem>>, vector<1x16xf32>,
      %parallel_loop3A_285 = vector.shape_cast %parallel_loop3A_284 : vector<1x16xf32> to vector<16xf32>
      %parallel_loop3A_286 = arith.index_cast %parallel_loop3A_272 : i32 to index
      %parallel_loop3A_287 = arith.constant 16 : index
      %parallel_loop3A_288 = tpu.vector_load %arg10[%parallel_loop3A_286, %parallel_loop3A_287] {strides = array<i32>} : memref<200x128xf32, #tpu.memory_space<vmem>>, vector<1x16xf32>,
      %parallel_loop3A_289 = vector.shape_cast %parallel_loop3A_288 : vector<1x16xf32> to vector<16xf32>
      %parallel_loop3A_290 = vector.shape_cast %parallel_loop3A_285 : vector<16xf32> to vector<1x16xf32>
      tpu.vector_store %arg10[%parallel_loop3A_286, %parallel_loop3A_287], %parallel_loop3A_290 {strides = array<i32>} : memref<200x128xf32, #tpu.memory_space<vmem>>, vector<1x16xf32>,
      %parallel_loop3A_291 = arith.index_cast %parallel_loop3A_272 : i32 to index
      %parallel_loop3A_292 = arith.constant 32 : index
      %parallel_loop3A_293 = tpu.vector_load %arg7[%parallel_loop3A_291, %parallel_loop3A_292] {strides = array<i32>} : memref<200x64xf32, #tpu.memory_space<vmem>>, vector<1x16xf32>,
      %parallel_loop3A_294 = vector.shape_cast %parallel_loop3A_293 : vector<1x16xf32> to vector<16xf32>
      %parallel_loop3A_295 = arith.index_cast %parallel_loop3A_272 : i32 to index
      %parallel_loop3A_296 = arith.constant 32 : index
      %parallel_loop3A_297 = tpu.vector_load %arg10[%parallel_loop3A_295, %parallel_loop3A_296] {strides = array<i32>} : memref<200x128xf32, #tpu.memory_space<vmem>>, vector<1x16xf32>,
      %parallel_loop3A_298 = vector.shape_cast %parallel_loop3A_297 : vector<1x16xf32> to vector<16xf32>
      %parallel_loop3A_299 = vector.shape_cast %parallel_loop3A_294 : vector<16xf32> to vector<1x16xf32>
      tpu.vector_store %arg10[%parallel_loop3A_295, %parallel_loop3A_296], %parallel_loop3A_299 {strides = array<i32>} : memref<200x128xf32, #tpu.memory_space<vmem>>, vector<1x16xf32>,
      %parallel_loop3A_300 = arith.index_cast %parallel_loop3A_272 : i32 to index
      %parallel_loop3A_301 = arith.constant 48 : index
      %parallel_loop3A_302 = tpu.vector_load %arg7[%parallel_loop3A_300, %parallel_loop3A_301] {strides = array<i32>} : memref<200x64xf32, #tpu.memory_space<vmem>>, vector<1x16xf32>,
      %parallel_loop3A_303 = vector.shape_cast %parallel_loop3A_302 : vector<1x16xf32> to vector<16xf32>
      %parallel_loop3A_304 = arith.index_cast %parallel_loop3A_272 : i32 to index
      %parallel_loop3A_305 = arith.constant 48 : index
      %parallel_loop3A_306 = tpu.vector_load %arg10[%parallel_loop3A_304, %parallel_loop3A_305] {strides = array<i32>} : memref<200x128xf32, #tpu.memory_space<vmem>>, vector<1x16xf32>,
      %parallel_loop3A_307 = vector.shape_cast %parallel_loop3A_306 : vector<1x16xf32> to vector<16xf32>
      %parallel_loop3A_308 = vector.shape_cast %parallel_loop3A_303 : vector<16xf32> to vector<1x16xf32>
      tpu.vector_store %arg10[%parallel_loop3A_304, %parallel_loop3A_305], %parallel_loop3A_308 {strides = array<i32>} : memref<200x128xf32, #tpu.memory_space<vmem>>, vector<1x16xf32>,
    } {sc.loop_unroll_factor = 4 : i64, sc.parallel_access}
    %add3A_242 = arith.constant 127 : i32
    %add3A_243 = arith.addi %mul3A_4, %add3A_242 : i32
    %dma_start3A_244 = arith.constant 0 : i32
    %dma_start3A_245 = arith.constant 0 : i32
    %dma_start3A_246 = tpu.memref_slice %arg4[%add3A_243, %dma_start3A_244, %dma_start3A_245] : memref<4096x200x128xf32, #tpu.memory_space<hbm>> -> memref<1x200x128xf32, #tpu.memory_space<hbm>>
    %dma_start3A_247 = tpu.memref_squeeze %dma_start3A_246 : memref<1x200x128xf32, #tpu.memory_space<hbm>> -> memref<200x128xf32, #tpu.memory_space<hbm>>
    %dma_start3A_248 = arith.constant 0 : i32
    %dma_start3A_249 = arith.constant 0 : i32
    %dma_start3A_250 = tpu.memref_slice %arg4[%add3A_243, %dma_start3A_248, %dma_start3A_249] : memref<4096x200x128xf32, #tpu.memory_space<hbm>> -> memref<1x200x128xf32, #tpu.memory_space<hbm>>
    %dma_start3A_251 = tpu.memref_squeeze %dma_start3A_250 : memref<1x200x128xf32, #tpu.memory_space<hbm>> -> memref<200x128xf32, #tpu.memory_space<hbm>>
    tpu.enqueue_dma source(%arg10 : memref<200x128xf32, #tpu.memory_space<vmem>>) target(%dma_start3A_251 : memref<200x128xf32, #tpu.memory_space<hbm>>) target_semaphore(%arg15 : memref<!tpu.dma_semaphore, #tpu.memory_space<semaphore_mem>>)
    %add3A_252 = arith.constant 126 : i32
    %add3A_253 = arith.addi %mul3A_4, %add3A_252 : i32
    %dma_wait3A_254 = arith.constant 0 : i32
    %dma_wait3A_255 = arith.constant 0 : i32
    %dma_wait3A_256 = tpu.memref_slice %arg4[%add3A_253, %dma_wait3A_254, %dma_wait3A_255] : memref<4096x200x128xf32, #tpu.memory_space<hbm>> -> memref<1x200x128xf32, #tpu.memory_space<hbm>>
    %dma_wait3A_257 = tpu.memref_squeeze %dma_wait3A_256 : memref<1x200x128xf32, #tpu.memory_space<hbm>> -> memref<200x128xf32, #tpu.memory_space<hbm>>
    %dma_wait3A_258 = arith.constant 0 : i32
    %dma_wait3A_259 = arith.constant 0 : i32
    %dma_wait3A_260 = tpu.memref_slice %arg4[%add3A_253, %dma_wait3A_258, %dma_wait3A_259] : memref<4096x200x128xf32, #tpu.memory_space<hbm>> -> memref<1x200x128xf32, #tpu.memory_space<hbm>>
    %dma_wait3A_261 = tpu.memref_squeeze %dma_wait3A_260 : memref<1x200x128xf32, #tpu.memory_space<hbm>> -> memref<200x128xf32, #tpu.memory_space<hbm>>
    tpu.wait_dma2 semaphore(%arg14 : memref<!tpu.dma_semaphore, #tpu.memory_space<semaphore_mem>>) src(%arg9 : memref<200x128xf32, #tpu.memory_space<vmem>>) dst(%dma_wait3A_261 : memref<200x128xf32, #tpu.memory_space<hbm>>)
    %add3A_262 = arith.constant 127 : i32
    %add3A_263 = arith.addi %mul3A_4, %add3A_262 : i32
    %dma_wait3A_264 = arith.constant 0 : i32
    %dma_wait3A_265 = arith.constant 0 : i32
    %dma_wait3A_266 = tpu.memref_slice %arg4[%add3A_263, %dma_wait3A_264, %dma_wait3A_265] : memref<4096x200x128xf32, #tpu.memory_space<hbm>> -> memref<1x200x128xf32, #tpu.memory_space<hbm>>
    %dma_wait3A_267 = tpu.memref_squeeze %dma_wait3A_266 : memref<1x200x128xf32, #tpu.memory_space<hbm>> -> memref<200x128xf32, #tpu.memory_space<hbm>>
    %dma_wait3A_268 = arith.constant 0 : i32
    %dma_wait3A_269 = arith.constant 0 : i32
    %dma_wait3A_270 = tpu.memref_slice %arg4[%add3A_263, %dma_wait3A_268, %dma_wait3A_269] : memref<4096x200x128xf32, #tpu.memory_space<hbm>> -> memref<1x200x128xf32, #tpu.memory_space<hbm>>
    %dma_wait3A_271 = tpu.memref_squeeze %dma_wait3A_270 : memref<1x200x128xf32, #tpu.memory_space<hbm>> -> memref<200x128xf32, #tpu.memory_space<hbm>>
    tpu.wait_dma2 semaphore(%arg15 : memref<!tpu.dma_semaphore, #tpu.memory_space<semaphore_mem>>) src(%arg10 : memref<200x128xf32, #tpu.memory_space<vmem>>) dst(%dma_wait3A_271 : memref<200x128xf32, #tpu.memory_space<hbm>>)
    return
  }
}

</mosaic_0001>

<sc_bundles>
// kernel: _emb.3.cloned.1.call-start
scs
__scs_entry_jumppad:
0x0: {  	(pc) =	sbr.rel $0x88, $3  }
0x1: {  	(tag) =	ssettag $0x0;
	lr =	simm.s32 $0x1  }
0x2: {  	[smem:$0x3F9F] =	sst lr;
	_ =	strace $0xD0000000  }
0x3: {  	_ = 	snop  }
0x4: {  	_ = 	snop  }
0x5: {  	_ = 	snop  }
0x6: {  	_ = 	snop  }
0x7: {  	_ = 	snop  }
__scs_overlays_trampoline_lowered:
0x8: {  	[smem:$0x3FAE] =	sst s0  }
0x9: {  	[smem:$0x3FAF] =	sst s1  }
0xa: {  	[smem:$0x3FB0] =	sst s2  }
0xb: {  	[smem:$0x3FB1] =	sst s3  }
0xc: {  	[smem:$0x3FB2] =	sst s4  }
0xd: {  	[smem:$0x3FB3] =	sst s5  }
0xe: {  	[smem:$0x3FB4] =	sst s6  }
0xf: {  	[smem:$0x3FB5] =	sst s7  }
0x10: {  	[smem:$0x3FB6] =	sst s8  }
0x11: {  	[smem:$0x3FB7] =	sst s9;
	s0 =	simm.s32 @!p0 $0x0  }
0x12: {  	s1 =	sld [smem:$0x3F9D];
	s0 =	simm.s32 @p0 $0x1  }
0x13: {  	[smem:$0x3FB8] =	sst s0;
	s0 =	simm.s32 @!p1 $0x0  }
0x14: {  	s2 =	sld [smem:$0x3F9C];
	s0 =	simm.s32 @p1 $0x1  }
0x15: {  	[smem:$0x3FB9] =	sst s0;
	s0 =	simm.s32 @!p2 $0x0  }
0x16: {  	s3 =	sld [smem:$0x3FDB];
	s0 =	simm.s32 @p2 $0x1  }
0x17: {  	s4 =	simm.s32 $0x1BF5;
	[smem:$0x3FBB] =	sst s0  }
0x18: {  	s0 =	sld [smem:$0x3F9E];
	_ =	swait.ge [sflag:s4], $0x0  }
0x19: {  	s7 =	sld [smem:$0x3F9F]  }
0x1a: {  	s8 =	sadd.s32 $0xFFFFE003, lr  }
0x1b: {  	s9 =	sadd.s32 $0xFFFFFEF7, lr;
	s5 =	simm.s32 $0xFFFFFFFF;
	p2 =	slt.u32 s8, $0xFFFFF086  }
0x1c: {  	p1 =	slt.u32 s9, $0xF7A;
	s5 =	simm.s32 @!p2 $0x0  }
0x1d: {  	s5 =	simm.s32 @p1 $0x1;
	p0 =	seq.s32 s7, s2  }
0x1e: {  	s7 =	smul.u32 @!p0 $0xF7A, s2;
	p2 =	seq.s32 @!p0 s5, $0x0  }
0x1f: {  	s9 =	smul.u32 $0xF7A, s1;
	s8 =	simm.s32 @!p0 $0x1BF5;
	p2 =	por !p2, p0  }
0x20: {  	[sflag:s8] =	ssyncset.s32 @!p0 $0xFFFFF086;
	s6 =	sadd.s32 @!p0 s3, s7;
	s7 =	simm.s32 @!p0 $0x108  }
0x21: {  	s3 =	sadd.s32 s3, s9;
	s6 =	sadd.s32 @!p0 $0x88, s6;
	s7 =	simm.s32 @p2 $0x1082  }
0x22: {  	[simem:s7], [sflag:s8] =	dma.local @!p0 [hbm:s6], $0xF7A  }
0x23: {  	s9 =	sor.u32 $0xD0000000, s2;
	s6 =	simm.s32 $0x108;
	_ =	swait.ge @!p0 [sflag:s8], $0x0  }
0x24: {  	s3 =	sadd.s32 $0x88, s3;
	s6 =	simm.s32 @!p1 $0x1082;
	[sflag:s4] =	ssyncset.s32 $0xFFFFF086  }
0x25: {  	[simem:s6], [sflag:s4] =	dma.local [hbm:s3], $0xF7A  }
0x26: {  	[smem:$0x3F9F] =	sst s1;
	(tag) =	ssettag s2;
	_ =	strace s9  }
0x27: {  	s1 =	sld [smem:$0x3FAF]  }
0x28: {  	s2 =	sld [smem:$0x3FB0]  }
0x29: {  	s4 =	sld [smem:$0x3FB2]  }
0x2a: {  	p0 =	seq.s32 s5, $0x0;
	s5 =	sld [smem:$0x3FB3]  }
0x2b: {  	s6 =	sld [smem:$0x3FB4]  }
0x2c: {  	s7 =	sld [smem:$0x3FB5]  }
0x2d: {  	s3 =	simm.s32 $0x108;
	s8 =	sld [smem:$0x3FB6]  }
0x2e: {  	s3 =	simm.s32 @!p0 $0x1082;
	s9 =	sld [smem:$0x3FB7]  }
0x2f: {  	lr =	sadd.s32 s0, s3;
	s0 =	sld [smem:$0x3FAE]  }
0x30: {  	s3 =	sld [smem:$0x3FB1]  }
0x31: {  	[smem:$0x3FBA] =	sst s10  }
0x32: {  	s10 =	sld [smem:$0x3FB8];
	_ =	sdelay $0x3  }
0x33: {  	p0 =	seq.s32 s10, $0x1;
	s10 =	sld [smem:$0x3FBA];
	_ =	sdelay $0x3  }
0x34: {  	[smem:$0x3FBA] =	sst s10  }
0x35: {  	s10 =	sld [smem:$0x3FB9];
	_ =	sdelay $0x3  }
0x36: {  	p1 =	seq.s32 s10, $0x1;
	s10 =	sld [smem:$0x3FBA];
	_ =	sdelay $0x3  }
0x37: {  	[smem:$0x3FBA] =	sst s10  }
0x38: {  	s10 =	sld [smem:$0x3FBB]  }
0x39: {  	_ = 	snop;
	(pc) =	sbr.ind lr, $3  }
0x3a: {  	_ = 	snop  }
0x3b: {  	_ = 	snop  }
0x3c: {  	p2 =	seq.s32 s10, $0x1;
	s10 =	sld [smem:$0x3FBA]  }
0x3d: {  	_ =	shalt  }
0x3e: {  	_ =	shalt  }
0x3f: {  	_ =	shalt  }
0x40: {  	_ =	shalt  }
0x41: {  	_ =	shalt  }
0x42: {  	_ =	shalt  }
0x43: {  	_ =	shalt  }
0x44: {  	_ =	shalt  }
0x45: {  	_ =	shalt  }
0x46: {  	_ =	shalt  }
0x47: {  	_ =	shalt  }
0x48: {  	_ =	shalt  }
0x49: {  	_ =	shalt  }
0x4a: {  	_ =	shalt  }
0x4b: {  	_ =	shalt  }
0x4c: {  	_ =	shalt  }
0x4d: {  	_ =	shalt  }
0x4e: {  	_ =	shalt  }
0x4f: {  	_ =	shalt  }
0x50: {  	_ =	shalt  }
0x51: {  	_ =	shalt  }
0x52: {  	_ =	shalt  }
0x53: {  	_ =	shalt  }
0x54: {  	_ =	shalt  }
0x55: {  	_ =	shalt  }
0x56: {  	_ =	shalt  }
0x57: {  	_ =	shalt  }
0x58: {  	_ =	shalt  }
0x59: {  	_ =	shalt  }
0x5a: {  	_ =	shalt  }
0x5b: {  	_ =	shalt  }
0x5c: {  	_ =	shalt  }
0x5d: {  	_ =	shalt  }
0x5e: {  	_ =	shalt  }
0x5f: {  	_ =	shalt  }
0x60: {  	_ =	shalt  }
0x61: {  	_ =	shalt  }
0x62: {  	_ =	shalt  }
0x63: {  	_ =	shalt  }
0x64: {  	_ =	shalt  }
0x65: {  	_ =	shalt  }
0x66: {  	_ =	shalt  }
0x67: {  	_ =	shalt  }
0x68: {  	_ =	shalt  }
0x69: {  	_ =	shalt  }
0x6a: {  	_ =	shalt  }
0x6b: {  	_ =	shalt  }
0x6c: {  	_ =	shalt  }
0x6d: {  	_ =	shalt  }
0x6e: {  	_ =	shalt  }
0x6f: {  	_ =	shalt  }
0x70: {  	_ =	shalt  }
0x71: {  	_ =	shalt  }
0x72: {  	_ =	shalt  }
0x73: {  	_ =	shalt  }
0x74: {  	_ =	shalt  }
0x75: {  	_ =	shalt  }
0x76: {  	_ =	shalt  }
0x77: {  	_ =	shalt  }
0x78: {  	_ =	shalt  }
0x79: {  	_ =	shalt  }
0x7a: {  	_ =	shalt  }
0x7b: {  	_ =	shalt  }
0x7c: {  	_ =	shalt  }
0x7d: {  	_ =	shalt  }
0x7e: {  	_ =	shalt  }
0x7f: {  	_ =	shalt  }
0x80: {  	_ =	shalt  }
0x81: {  	_ =	shalt  }
0x82: {  	_ =	shalt  }
0x83: {  	_ =	shalt  }
0x84: {  	_ =	shalt  }
0x85: {  	_ =	shalt  }
0x86: {  	_ =	shalt  }
0x87: {  	_ =	shalt  }
.Lfunc_end0:
.L_simem_size_0:
called_computation_lowered:
.L_overlay_start_0:
0x88: {  	s2 =	sld [smem:$0x3FD9]  }
0x89: {  	s3 =	sld [smem:$0x3FFE];
	_ =	sdelay $0x1  }
0x8a: {  	s1 =	srdreg.scid  }
0x8b: {  	s0 =	sand.u32 $0x1, s1  }
0x8c: {  	s17 =	sshll.u32 s0, $0xA;
	s2 =	sadd.s32 s3, s2  }
0x8d: {  	s2 =	sadd.s32 s2, s17  }
0x8e: {  	[smem:$0x3FC6] =	sst s2  }
0x8f: {  	_ = 	snop  }
0x90: {  	s2 =	sld [smem:$0x3FC9]  }
0x91: {  	s18 =	sld [smem:$0x3FD0];
	(tm) =	ssettm $0x1  }
0x92: {  	s4 =	sld [smem:$0x3FFB];
	_ =	sdelay $0x3  }
0x93: {  	_ =	strace s4  }
0x94: {  	s4 =	sld [smem:$0x3FFC];
	_ =	sdelay $0x3  }
0x95: {  	_ =	strace s4  }
0x96: {  	s4 =	sld [smem:$0x3FFD];
	_ =	sdelay $0x3  }
0x97: {  	_ =	strace s4  }
0x98: {  	_ =	strace $0x8FFFFFFF  }
0x99: {  	s19 =	sld [smem:$0x3FDB];
	_ =	sdelay $0x1  }
0x9a: {  	s5 =	simm.s32 $_scs_section_size  }
0x9b: {  	s6 =	simm.s32 $_size__tile_overlayer_lowered;
	s7 =	simm.s32 $_tile_overlayer_lowered  }
0x9c: {  	s22 =	simm.s32 $0x1BFF;
	s21 =	sshll.u32 s7, $0x1;
	s4 =	sadd.s32 s5, s19  }
0x9d: {  	s8 =	simm.s32 $0x0;
	s20 =	sshll.u32 s6, $0x1;
	s6 =	sadd.s32 s21, s4  }
0x9e: {  	[timem:s8], [sflag:s22] =	dma.local [hbm:s6], s20  }
0x9f: {  	_ =	swait.ge [sflag:s22], s20  }
0xa0: {  	s5 =	ssub.s32 $0x0, s20;
	[sflag:s22] =	ssyncset.done $0x0  }
0xa1: {  	[sflag:s22] =	ssyncadd.s32 s5;
	_ =	sdelay $0x1  }
0xa2: {  	s23 =	simm.s32 $0x1B8B  }
0xa3: {  	_ =	swait.ge [sflag:s23], $0x1  }
0xa4: {  	[sflag:s23] =	ssyncset.done $0x0  }
0xa5: {  	s25 =	simm.s32 $0x1B8E;
	s24 =	sld [smem:$0x3FFE];
	[sflag:s23] =	ssyncadd.s32 $0xFFFFFFFF  }
0xa6: {  	s26 =	simm.s32 $execute0_lowered;
	[smem:$0x3FD2] =	sst s25  }
0xa7: {  	s6 =	sshll.u32 s26, $0x1;
	_ =	strace $0x80000046;
	[dreg:$0x1] =	wrdreg $0xFFFFFFFF  }
0xa8: {  	s28 =	simm.s32 $_size_execute0_lowered;
	s4 =	sadd.s32 s4, s6;
	[dreg:$0x0] =	wrdreg $0x0  }
0xa9: {  	s6 =	sshll.u32 s28, $0x1;
	[dreg:$0x2] =	wrdreg s4  }
0xaa: {  	[dreg:$0x3] =	wrdreg s6  }
0xab: {  	[dreg:$0x4] =	wrdreg $0xC0  }
0xac: {  	_ =	task [dreg:s8], $0x5FFFF  }
0xad: {  	[dreg:$0x1] =	wrdreg $0xFFFFFFFF  }
0xae: {  	[dreg:$0x0] =	wrdreg $0x60  }
0xaf: {  	[dreg:$0x2] =	wrdreg s2  }
0xb0: {  	[dreg:$0x3] =	wrdreg s24  }
0xb1: {  	[dreg:$0x4] =	wrdreg s18  }
0xb2: {  	[dreg:$0x5] =	wrdreg $0x9  }
0xb3: {  	_ =	task.clear_ibuf [dreg:s8], $0x6FFFF;
	_ =	strace $0x90000046  }
0xb4: {  	s29 =	simm.s32 $0x9;
	_ =	strace $0x80000048  }
0xb5: {  	_ =	swait.ge [sflag:s29], $0x1  }
0xb6: {  	[sflag:s29] =	ssyncadd.s32 $0xFFFFFFFF  }
0xb7: {  	_ =	strace $0x90000048  }
0xb8: {  	_ =	sfence  }
0xb9: {  	s30 =	sld [smem:$0x0];
	_ =	sdelay $0x2  }
0xba: {  	s31 =	sshll.u32 s1, $0xD;
	s1 =	sshrl.u32 s1, $0x2  }
0xbb: {  	s3 =	sand.u32 $0x4000, s31;
	s1 =	sadd.s32 s1, s30  }
0xbc: {  	s0 =	sor.u32 s3, s0;
	s1 =	sshll.u32 s1, $0x11  }
0xbd: {  	s0 =	sor.u32 s1, s0  }
0xbe: {  	s0 =	sadd.s32 $0x8F2B, s0  }
0xbf: {  	[sflag:s0] =	ssyncadd.remote.s32 $0x1  }
0xc0: {  	_ =	sfence.sel $0xFFFF  }
0xc1: {  	[dreg:$0x0] =	wrdreg $0xFFFFFFFF;
	(pc) =	sbr.abs _section_cstart, $3  }
0xc2: {  	[dreg:$0x1] =	wrdreg $0xFFFFFFFF  }
0xc3: {  	_ =	task.clear_ibuf [dreg:s8], $0x2FFFF;
	_ =	strace $0x9FFFFFFF  }
0xc4: {  	(tm) =	ssettm $0x7FFFFFFF  }
0xc5: {  	_ =	shalt  }
tec
execute0_lowered:
.L_overlay_start_1:
0x0: {  	(tag) =	ssettag $0x1  }
0x1: {  	s0 =	rddreg [dreg:$0x0]  }
0x2: {  	s1 =	rddreg [dreg:$0x1]  }
0x3: {  	s3 =	srdreg.scid;
	s5 =	stileid.u32  }
0x4: {  	s2 =	rddreg [dreg:$0x2];
	s19 =	simm.s32 $0x6;
	s29 =	simm.s32 $0x2  }
0x5: {  	s4 =	sand.u32 $0x1, s3;
	s5 =	sshll.u32 s5, $0x1;
	s3 =	simm.s32 $0x0  }
0x6: {  	s30 =	simm.s32 $0x15E00;
	s5 =	sor.u32 s4, s5;
	[smem:$0x7FF] =	sst s3  }
0x7: {  	s6 =	ssub.s32 $0x2, s4;
	s4 =	sadd.s32 $0xF42800, s1;
	s7 =	smul.u32 $0xC80, s5  }
0x8: {  	s31 =	simm.s32 $0x0;
	_ =	strace $0x80000047;
	s8 =	smul.u32 $0x64000, s5  }
0x9: {  	s20 =	sshrl.u32 s6, $0x1;
	s9 =	smul.u32 $0x320000, s5;
	s5 =	sshll.u32 s5, $0x7  }
0xa: {  	s1 =	ssub.s32 s6, s20;
	s10 =	sor.u32 $0x3, s5;
	s11 =	sor.u32 $0x4, s5  }
0xb: {  	s6 =	sadd.s32 s2, s8;
	s0 =	sadd.s32 s0, s7;
	s22 =	sshrl.u32 s9, $0x3  }
0xc: {  	[dreg:$0x4] =	wrdreg s0;
	s21 =	sadd.s32 $0xC80, s6;
	s0 =	sadd.s32 s2, s22  }
0xd: {  	s20 =	simm.s32 $0xC8;
	[dreg:$0x5] =	wrdreg s21;
	s23 =	sadd.s32 $0x5F500, s0  }
0xe: {  	s9 =	sor.u32 $0x2, s5;
	s24 =	sadd.s32 $0x60180, s0;
	[dreg:$0x6] =	wrdreg s23  }
0xf: {  	s18 =	smax.u32 s1, $0x1;
	s25 =	sadd.s32 $0x60E00, s0;
	[dreg:$0x7] =	wrdreg s24  }
0x10: {  	s1 =	simm.s32 $0x3;
	s26 =	sadd.s32 $0x61A80, s0;
	[dreg:$0x8] =	wrdreg s25  }
0x11: {  	s22 =	simm.s32 $0x9600;
	s28 =	sadd.s32 $0x62700, s0;
	[dreg:$0x9] =	wrdreg s26  }
0x12: {  	s0 =	sadd.s32 $0x63380, s0;
	s21 =	simm.s32 $0x6400;
	[dreg:$0xa] =	wrdreg s28  }
0x13: {  	[dreg:$0xb] =	wrdreg s0;
	s24 =	simm.s32 $0xC800;
	s25 =	simm.s32 $0x1  }
0x14: {  	s26 =	simm.s32 $0xFA00;
	s0 =	simm.s32 $0x4;
	s23 =	simm.s32 $0x5  }
.LBB2_1:
0x15: {  	s7 =	rddreg [dreg:$0x4]  }
0x16: {  	[tilespmem:s3], [sflag:$0x6] =	stream.linear.gather [hbm4b:s7+s3], $0x6400, $0x38;
	[tilespmem:$0x1C200] =	vst v63  }
0x17: {  	_ =	swait.ge [sflag:s19], $0x6400  }
0x18: {  	[sflag:s19] =	ssyncset.done $0x0  }
0x19: {  	[sflag:s19] =	ssyncadd.s32 $0xFFFF9C00  }
0x1a: {  	[tilespmem:s21], [sflag:$0x1] =	stream.indirect.gather [hbm4b:s4+s20], $0x40, s3, s20, $0xb8;
	[tilespmem:$0x1C200] =	vst v63  }
0x1b: {  	_ = 	snop  }
0x1c: {  	[tilespmem:s22], [sflag:$0x2] =	stream.indirect.gather [hbm4b:s4+s20], $0x40, s20, s20, $0xb8;
	[tilespmem:$0x1C200] =	vst v63  }
0x1d: {  	s28 =	simm.s32 $0x190  }
0x1e: {  	[tilespmem:s24], [sflag:$0x3] =	stream.indirect.gather [hbm4b:s4+s20], $0x40, s28, s20, $0xb8;
	[tilespmem:$0x1C200] =	vst v63  }
0x1f: {  	_ =	swait.ge [sflag:s25], $0x3200  }
0x20: {  	[sflag:s25] =	ssyncset.done $0x0  }
0x21: {  	s13 =	simm.s32 $0x6480;
	[sflag:s25] =	ssyncadd.s32 $0xFFFFCE00  }
0x22: {  	v1 =	vld [tilespmem:s13+$0xFFFFFFC0]  }
0x23: {  	v0 =	vld [tilespmem:s13+$0x40]  }
0x24: {  	v2 =	vld [tilespmem:s13+$0x0];
	_ =	sdelay $0x1  }
0x25: {  	s7 =	simm.s32 $0xFB00  }
0x26: {  	v3 =	vld [tilespmem:s13+$0xFFFFFF80];
	[tilespmem:s7+$0xFFFFFF80] =	vst v1  }
0x27: {  	[tilespmem:s7+$0x80] =	vst v0;
	v1 =	vld [tilespmem:s13+$0xFFFFFFD0]  }
0x28: {  	[tilespmem:s7+$0x0] =	vst v2;
	v0 =	vld [tilespmem:s13+$0x50]  }
0x29: {  	v2 =	vld [tilespmem:s13+$0x10]  }
0x2a: {  	s8 =	simm.s32 $0x6580  }
0x2b: {  	v4 =	vld [tilespmem:s8+$0x40];
	[tilespmem:s7+$0xFFFFFF00] =	vst v3  }
0x2c: {  	v3 =	vld [tilespmem:s13+$0xFFFFFF90];
	[tilespmem:s7+$0xFFFFFF90] =	vst v1  }
0x2d: {  	[tilespmem:s7+$0x90] =	vst v0;
	v1 =	vld [tilespmem:s13+$0xFFFFFFE0]  }
0x2e: {  	[tilespmem:s7+$0x10] =	vst v2;
	v0 =	vld [tilespmem:s13+$0x60]  }
0x2f: {  	s12 =	simm.s32 $0xFD00;
	v2 =	vld [tilespmem:s13+$0x20]  }
0x30: {  	v5 =	vld [tilespmem:s8+$0xFFFFFFC0];
	[tilespmem:s12+$0x80] =	vst v4  }
0x31: {  	v4 =	vld [tilespmem:s8+$0x50];
	[tilespmem:s7+$0xFFFFFF10] =	vst v3  }
0x32: {  	[tilespmem:s7+$0xFFFFFFA0] =	vst v1;
	v1 =	vld [tilespmem:s8+$0x0]  }
0x33: {  	v3 =	vld [tilespmem:s8+$0xFFFFFF80];
	[tilespmem:s7+$0xA0] =	vst v0  }
0x34: {  	[tilespmem:s7+$0x20] =	vst v2;
	v2 =	vld [tilespmem:s13+$0xFFFFFFA0]  }
0x35: {  	[tilespmem:s12+$0xFFFFFF80] =	vst v5;
	v0 =	vld [tilespmem:s13+$0x70]  }
0x36: {  	v5 =	vld [tilespmem:s8+$0xFFFFFFD0];
	[tilespmem:s12+$0x90] =	vst v4  }
0x37: {  	[tilespmem:s12+$0x0] =	vst v1;
	v1 =	vld [tilespmem:s13+$0xFFFFFFF0]  }
0x38: {  	[tilespmem:s12+$0xFFFFFF00] =	vst v3;
	v6 =	vld [tilespmem:s8+$0x10]  }
0x39: {  	v7 =	vld [tilespmem:s8+$0xFFFFFF90];
	[tilespmem:s7+$0xFFFFFF20] =	vst v2  }
0x3a: {  	[tilespmem:s7+$0xB0] =	vst v0;
	v0 =	vld [tilespmem:s13+$0xFFFFFFB0]  }
0x3b: {  	[tilespmem:s12+$0xFFFFFF90] =	vst v5;
	v2 =	vld [tilespmem:s8+$0x60]  }
0x3c: {  	v3 =	vld [tilespmem:s8+$0xFFFFFFE0];
	[tilespmem:s7+$0xFFFFFFB0] =	vst v1  }
0x3d: {  	v1 =	vld [tilespmem:s13+$0x30];
	[tilespmem:s12+$0x10] =	vst v6  }
0x3e: {  	s14 =	simm.s32 $0x6680;
	[tilespmem:s12+$0xFFFFFF10] =	vst v7;
	s13 =	simm.s32 $0x4;
	v4 =	vld [tilespmem:s8+$0x20]  }
.LBB2_2:
0x3f: {  	v5 =	vld [tilespmem:s14+$0x40];
	s13 =	sadd.s32 $0x4, s13;
	[tilespmem:s7+$0xFFFFFF30] =	vst v0  }
0x40: {  	v0 =	vld [tilespmem:s14+$0xFFFFFFC0];
	p0 =	slt.u32 s13, $0xC4;
	[tilespmem:s12+$0xA0] =	vst v2  }
0x41: {  	[tilespmem:s12+$0xFFFFFFA0] =	vst v3;
	v2 =	vld [tilespmem:s8+$0x70]  }
0x42: {  	v3 =	vld [tilespmem:s14+$0x0];
	[tilespmem:s7+$0x30] =	vst v1;
	s7 =	smov.u32 s12  }
0x43: {  	s12 =	sadd.s32 $0x200, s12;
	v1 =	vld [tilespmem:s14+$0xFFFFFF80];
	[tilespmem:s7+$0x20] =	vst v4  }
0x44: {  	[tilespmem:s12+$0x80] =	vst v5;
	v4 =	vld [tilespmem:s8+$0xFFFFFFA0]  }
0x45: {  	[tilespmem:s12+$0xFFFFFF80] =	vst v0;
	v0 =	vld [tilespmem:s14+$0x50]  }
0x46: {  	v5 =	vld [tilespmem:s14+$0xFFFFFFD0];
	[tilespmem:s7+$0xB0] =	vst v2  }
0x47: {  	[tilespmem:s12+$0x0] =	vst v3;
	v6 =	vld [tilespmem:s8+$0xFFFFFFF0]  }
0x48: {  	[tilespmem:s12+$0xFFFFFF00] =	vst v1;
	v1 =	vld [tilespmem:s14+$0x10]  }
0x49: {  	v7 =	vld [tilespmem:s14+$0xFFFFFF90];
	[tilespmem:s7+$0xFFFFFF20] =	vst v4  }
.Ltmp0:
0x4a: {  	[tilespmem:s12+$0x90] =	vst v0;
	v0 =	vld [tilespmem:s8+$0xFFFFFFB0];
	(pc) =	sbr.rel @p0 .LBB2_2-.Ltmp0, $4  }
0x4b: {  	[tilespmem:s12+$0xFFFFFF90] =	vst v5;
	v2 =	vld [tilespmem:s14+$0x60]  }
0x4c: {  	v3 =	vld [tilespmem:s14+$0xFFFFFFE0];
	[tilespmem:s7+$0xFFFFFFB0] =	vst v6  }
0x4d: {  	[tilespmem:s12+$0x10] =	vst v1;
	v1 =	vld [tilespmem:s8+$0x30];
	s8 =	smov.u32 s14  }
0x4e: {  	s14 =	sadd.s32 $0x100, s14;
	[tilespmem:s12+$0xFFFFFF10] =	vst v7;
	v4 =	vld [tilespmem:s8+$0x20]  }
0x4f: {  	v5 =	vld [tilespmem:s8+$0xFFFFFFA0]  }
0x50: {  	[tilespmem:s7+$0xFFFFFF30] =	vst v0  }
0x51: {  	[tilespmem:s12+$0xA0] =	vst v2  }
0x52: {  	[tilespmem:s12+$0xFFFFFFA0] =	vst v3;
	v2 =	vld [tilespmem:s8+$0x70]  }
0x53: {  	v3 =	vld [tilespmem:s8+$0xFFFFFFF0];
	[tilespmem:s12+$0x20] =	vst v4  }
0x54: {  	[tilespmem:s12+$0xFFFFFF20] =	vst v5;
	v0 =	vld [tilespmem:s8+$0x30]  }
0x55: {  	v4 =	vld [tilespmem:s8+$0xFFFFFFB0]  }
0x56: {  	[tilespmem:s7+$0x30] =	vst v1  }
0x57: {  	[tilespmem:s12+$0xB0] =	vst v2  }
0x58: {  	[tilespmem:s12+$0xFFFFFFB0] =	vst v3  }
0x59: {  	[tilespmem:s12+$0x30] =	vst v0  }
0x5a: {  	[tilespmem:s12+$0xFFFFFF30] =	vst v4  }
0x5b: {  	[hbm4b:s6+s3] =	stream.linear.scatter [tilespmem:s26], [sflag:$0x4], $0x6400, $0x38;
	[tilespmem:$0x1C200] =	vst v63  }
0x5c: {  	s28 =	simm.s32 $0x258  }
0x5d: {  	[tilespmem:s21], [sflag:$0x1] =	stream.indirect.gather [hbm4b:s4+s20], $0x40, s28, s20, $0xb8;
	[tilespmem:$0x1C200] =	vst v63  }
0x5e: {  	_ =	swait.ge [sflag:s29], $0x3200  }
0x5f: {  	[sflag:s29] =	ssyncset.done $0x0  }
0x60: {  	s13 =	simm.s32 $0x9680;
	[sflag:s29] =	ssyncadd.s32 $0xFFFFCE00  }
0x61: {  	v1 =	vld [tilespmem:s13+$0xFFFFFFC0]  }
0x62: {  	v0 =	vld [tilespmem:s13+$0x40]  }
0x63: {  	v2 =	vld [tilespmem:s13+$0x0];
	_ =	sdelay $0x1  }
0x64: {  	s7 =	simm.s32 $0x15F00  }
0x65: {  	v3 =	vld [tilespmem:s13+$0xFFFFFF80];
	[tilespmem:s7+$0xFFFFFF80] =	vst v1  }
0x66: {  	[tilespmem:s7+$0x80] =	vst v0;
	v1 =	vld [tilespmem:s13+$0xFFFFFFD0]  }
0x67: {  	[tilespmem:s7+$0x0] =	vst v2;
	v0 =	vld [tilespmem:s13+$0x50]  }
0x68: {  	v2 =	vld [tilespmem:s13+$0x10]  }
0x69: {  	s8 =	simm.s32 $0x9780  }
0x6a: {  	v4 =	vld [tilespmem:s8+$0x40];
	[tilespmem:s7+$0xFFFFFF00] =	vst v3  }
0x6b: {  	v3 =	vld [tilespmem:s13+$0xFFFFFF90];
	[tilespmem:s7+$0xFFFFFF90] =	vst v1  }
0x6c: {  	[tilespmem:s7+$0x90] =	vst v0;
	v1 =	vld [tilespmem:s13+$0xFFFFFFE0]  }
0x6d: {  	[tilespmem:s7+$0x10] =	vst v2;
	v0 =	vld [tilespmem:s13+$0x60]  }
0x6e: {  	s12 =	simm.s32 $0x16100;
	v2 =	vld [tilespmem:s13+$0x20]  }
0x6f: {  	v5 =	vld [tilespmem:s8+$0xFFFFFFC0];
	[tilespmem:s12+$0x80] =	vst v4  }
0x70: {  	v4 =	vld [tilespmem:s8+$0x50];
	[tilespmem:s7+$0xFFFFFF10] =	vst v3  }
0x71: {  	[tilespmem:s7+$0xFFFFFFA0] =	vst v1;
	v1 =	vld [tilespmem:s8+$0x0]  }
0x72: {  	v3 =	vld [tilespmem:s8+$0xFFFFFF80];
	[tilespmem:s7+$0xA0] =	vst v0  }
0x73: {  	[tilespmem:s7+$0x20] =	vst v2;
	v2 =	vld [tilespmem:s13+$0xFFFFFFA0]  }
0x74: {  	[tilespmem:s12+$0xFFFFFF80] =	vst v5;
	v0 =	vld [tilespmem:s13+$0x70]  }
0x75: {  	v5 =	vld [tilespmem:s8+$0xFFFFFFD0];
	[tilespmem:s12+$0x90] =	vst v4  }
0x76: {  	[tilespmem:s12+$0x0] =	vst v1;
	v1 =	vld [tilespmem:s13+$0xFFFFFFF0]  }
0x77: {  	[tilespmem:s12+$0xFFFFFF00] =	vst v3;
	v6 =	vld [tilespmem:s8+$0x10]  }
0x78: {  	v7 =	vld [tilespmem:s8+$0xFFFFFF90];
	[tilespmem:s7+$0xFFFFFF20] =	vst v2  }
0x79: {  	[tilespmem:s7+$0xB0] =	vst v0;
	v0 =	vld [tilespmem:s13+$0xFFFFFFB0]  }
0x7a: {  	[tilespmem:s12+$0xFFFFFF90] =	vst v5;
	v2 =	vld [tilespmem:s8+$0x60]  }
0x7b: {  	v3 =	vld [tilespmem:s8+$0xFFFFFFE0];
	[tilespmem:s7+$0xFFFFFFB0] =	vst v1  }
0x7c: {  	v1 =	vld [tilespmem:s13+$0x30];
	[tilespmem:s12+$0x10] =	vst v6  }
0x7d: {  	s14 =	simm.s32 $0x9880;
	[tilespmem:s12+$0xFFFFFF10] =	vst v7;
	s13 =	simm.s32 $0x4;
	v4 =	vld [tilespmem:s8+$0x20]  }
.LBB2_4:
0x7e: {  	v5 =	vld [tilespmem:s14+$0x40];
	s13 =	sadd.s32 $0x4, s13;
	[tilespmem:s7+$0xFFFFFF30] =	vst v0  }
0x7f: {  	v0 =	vld [tilespmem:s14+$0xFFFFFFC0];
	p0 =	slt.u32 s13, $0xC4;
	[tilespmem:s12+$0xA0] =	vst v2  }
0x80: {  	[tilespmem:s12+$0xFFFFFFA0] =	vst v3;
	v2 =	vld [tilespmem:s8+$0x70]  }
0x81: {  	v3 =	vld [tilespmem:s14+$0x0];
	[tilespmem:s7+$0x30] =	vst v1;
	s7 =	smov.u32 s12  }
0x82: {  	s12 =	sadd.s32 $0x200, s12;
	v1 =	vld [tilespmem:s14+$0xFFFFFF80];
	[tilespmem:s7+$0x20] =	vst v4  }
0x83: {  	[tilespmem:s12+$0x80] =	vst v5;
	v4 =	vld [tilespmem:s8+$0xFFFFFFA0]  }
0x84: {  	[tilespmem:s12+$0xFFFFFF80] =	vst v0;
	v0 =	vld [tilespmem:s14+$0x50]  }
0x85: {  	v5 =	vld [tilespmem:s14+$0xFFFFFFD0];
	[tilespmem:s7+$0xB0] =	vst v2  }
0x86: {  	[tilespmem:s12+$0x0] =	vst v3;
	v6 =	vld [tilespmem:s8+$0xFFFFFFF0]  }
0x87: {  	[tilespmem:s12+$0xFFFFFF00] =	vst v1;
	v1 =	vld [tilespmem:s14+$0x10]  }
0x88: {  	v7 =	vld [tilespmem:s14+$0xFFFFFF90];
	[tilespmem:s7+$0xFFFFFF20] =	vst v4  }
.Ltmp1:
0x89: {  	[tilespmem:s12+$0x90] =	vst v0;
	v0 =	vld [tilespmem:s8+$0xFFFFFFB0];
	(pc) =	sbr.rel @p0 .LBB2_4-.Ltmp1, $4  }
0x8a: {  	[tilespmem:s12+$0xFFFFFF90] =	vst v5;
	v2 =	vld [tilespmem:s14+$0x60]  }
0x8b: {  	v3 =	vld [tilespmem:s14+$0xFFFFFFE0];
	[tilespmem:s7+$0xFFFFFFB0] =	vst v6  }
0x8c: {  	[tilespmem:s12+$0x10] =	vst v1;
	v1 =	vld [tilespmem:s8+$0x30];
	s8 =	smov.u32 s14  }
0x8d: {  	s14 =	sadd.s32 $0x100, s14;
	[tilespmem:s12+$0xFFFFFF10] =	vst v7;
	v4 =	vld [tilespmem:s8+$0x20]  }
0x8e: {  	v5 =	vld [tilespmem:s8+$0xFFFFFFA0];
	_ =	sdelay $0x1  }
0x8f: {  	[tilespmem:s12+$0xA0] =	vst v2  }
0x90: {  	[tilespmem:s12+$0xFFFFFFA0] =	vst v3;
	v2 =	vld [tilespmem:s8+$0x70]  }
0x91: {  	v3 =	vld [tilespmem:s8+$0xFFFFFFF0];
	[tilespmem:s12+$0x20] =	vst v4  }
0x92: {  	[tilespmem:s12+$0xFFFFFF20] =	vst v5;
	v63 =	vld [tilespmem:s8+$0x30]  }
0x93: {  	[tilespmem:s7+$0xFFFFFF30] =	vst v0;
	v62 =	vld [tilespmem:s8+$0xFFFFFFB0]  }
0x94: {  	[tilespmem:s7+$0x30] =	vst v1  }
0x95: {  	[tilespmem:s12+$0xB0] =	vst v2  }
0x96: {  	[tilespmem:s12+$0xFFFFFFB0] =	vst v3  }
0x97: {  	[tilespmem:s12+$0x30] =	vst v63  }
0x98: {  	[tilespmem:s12+$0xFFFFFF30] =	vst v62  }
0x99: {  	s28 =	simm.s32 $0x0;
	s7 =	rddreg [dreg:$0x5]  }
0x9a: {  	[hbm4b:s7+s28] =	stream.linear.scatter [tilespmem:s30], [sflag:$0x5], $0x6400, $0x38;
	[tilespmem:$0x1C200] =	vst v63  }
0x9b: {  	s17 =	simm.s32 $0x320  }
0x9c: {  	[tilespmem:s22], [sflag:$0x2] =	stream.indirect.gather [hbm4b:s4+s20], $0x40, s17, s20, $0xb8;
	[tilespmem:$0x1C200] =	vst v63  }
.LBB2_6:
0x9d: {  	_ =	swait.ge [sflag:s1], $0x3200  }
0x9e: {  	[sflag:s1] =	ssyncset.done $0x0  }
0x9f: {  	[sflag:s1] =	ssyncadd.s32 $0xFFFFCE00  }
0xa0: {  	_ =	swait.ge [sflag:s0], $0x6400  }
0xa1: {  	[sflag:s0] =	ssyncset.done $0x0  }
0xa2: {  	s12 =	simm.s32 $0xC880;
	[sflag:s0] =	ssyncadd.s32 $0xFFFF9C00  }
0xa3: {  	v1 =	vld [tilespmem:s12+$0xFFFFFFC0]  }
0xa4: {  	v0 =	vld [tilespmem:s12+$0x40]  }
0xa5: {  	v2 =	vld [tilespmem:s12+$0x0];
	_ =	sdelay $0x1  }
0xa6: {  	s7 =	simm.s32 $0xFB00  }
0xa7: {  	v3 =	vld [tilespmem:s12+$0xFFFFFF80];
	[tilespmem:s7+$0xFFFFFF80] =	vst v1  }
0xa8: {  	[tilespmem:s7+$0x80] =	vst v0;
	v1 =	vld [tilespmem:s12+$0xFFFFFFD0]  }
0xa9: {  	[tilespmem:s7+$0x0] =	vst v2;
	v0 =	vld [tilespmem:s12+$0x50]  }
0xaa: {  	v2 =	vld [tilespmem:s12+$0x10]  }
0xab: {  	s8 =	simm.s32 $0xC980  }
0xac: {  	v4 =	vld [tilespmem:s8+$0x40];
	[tilespmem:s7+$0xFFFFFF00] =	vst v3  }
0xad: {  	v3 =	vld [tilespmem:s12+$0xFFFFFF90];
	[tilespmem:s7+$0xFFFFFF90] =	vst v1  }
0xae: {  	[tilespmem:s7+$0x90] =	vst v0;
	v1 =	vld [tilespmem:s12+$0xFFFFFFE0]  }
0xaf: {  	[tilespmem:s7+$0x10] =	vst v2;
	v0 =	vld [tilespmem:s12+$0x60]  }
0xb0: {  	s13 =	simm.s32 $0xFD00;
	v2 =	vld [tilespmem:s12+$0x20]  }
0xb1: {  	v5 =	vld [tilespmem:s8+$0xFFFFFFC0];
	[tilespmem:s13+$0x80] =	vst v4  }
0xb2: {  	v4 =	vld [tilespmem:s8+$0x50];
	[tilespmem:s7+$0xFFFFFF10] =	vst v3  }
0xb3: {  	[tilespmem:s7+$0xFFFFFFA0] =	vst v1;
	v1 =	vld [tilespmem:s8+$0x0]  }
0xb4: {  	v3 =	vld [tilespmem:s8+$0xFFFFFF80];
	[tilespmem:s7+$0xA0] =	vst v0  }
0xb5: {  	[tilespmem:s7+$0x20] =	vst v2;
	v2 =	vld [tilespmem:s12+$0xFFFFFFA0]  }
0xb6: {  	[tilespmem:s13+$0xFFFFFF80] =	vst v5;
	v0 =	vld [tilespmem:s12+$0x70]  }
0xb7: {  	v5 =	vld [tilespmem:s8+$0xFFFFFFD0];
	[tilespmem:s13+$0x90] =	vst v4  }
0xb8: {  	[tilespmem:s13+$0x0] =	vst v1;
	v1 =	vld [tilespmem:s12+$0xFFFFFFF0]  }
0xb9: {  	[tilespmem:s13+$0xFFFFFF00] =	vst v3;
	v6 =	vld [tilespmem:s8+$0x10]  }
0xba: {  	v7 =	vld [tilespmem:s8+$0xFFFFFF90];
	[tilespmem:s7+$0xFFFFFF20] =	vst v2  }
0xbb: {  	[tilespmem:s7+$0xB0] =	vst v0;
	v0 =	vld [tilespmem:s12+$0xFFFFFFB0]  }
0xbc: {  	[tilespmem:s13+$0xFFFFFF90] =	vst v5;
	v2 =	vld [tilespmem:s8+$0x60]  }
0xbd: {  	v3 =	vld [tilespmem:s8+$0xFFFFFFE0];
	[tilespmem:s7+$0xFFFFFFB0] =	vst v1  }
0xbe: {  	v1 =	vld [tilespmem:s12+$0x30];
	[tilespmem:s13+$0x10] =	vst v6  }
0xbf: {  	s14 =	simm.s32 $0xCA80;
	[tilespmem:s13+$0xFFFFFF10] =	vst v7;
	s12 =	simm.s32 $0x4;
	v4 =	vld [tilespmem:s8+$0x20]  }
.LBB2_7:
0xc0: {  	v5 =	vld [tilespmem:s14+$0x40];
	s12 =	sadd.s32 $0x4, s12;
	[tilespmem:s7+$0xFFFFFF30] =	vst v0  }
0xc1: {  	v0 =	vld [tilespmem:s14+$0xFFFFFFC0];
	p0 =	slt.u32 s12, $0xC4;
	[tilespmem:s13+$0xA0] =	vst v2  }
0xc2: {  	[tilespmem:s13+$0xFFFFFFA0] =	vst v3;
	v2 =	vld [tilespmem:s8+$0x70]  }
0xc3: {  	v3 =	vld [tilespmem:s14+$0x0];
	[tilespmem:s7+$0x30] =	vst v1;
	s7 =	smov.u32 s13  }
0xc4: {  	s13 =	sadd.s32 $0x200, s13;
	v1 =	vld [tilespmem:s14+$0xFFFFFF80];
	[tilespmem:s7+$0x20] =	vst v4  }
0xc5: {  	[tilespmem:s13+$0x80] =	vst v5;
	v4 =	vld [tilespmem:s8+$0xFFFFFFA0]  }
0xc6: {  	[tilespmem:s13+$0xFFFFFF80] =	vst v0;
	v0 =	vld [tilespmem:s14+$0x50]  }
0xc7: {  	v5 =	vld [tilespmem:s14+$0xFFFFFFD0];
	[tilespmem:s7+$0xB0] =	vst v2  }
0xc8: {  	[tilespmem:s13+$0x0] =	vst v3;
	v6 =	vld [tilespmem:s8+$0xFFFFFFF0]  }
0xc9: {  	[tilespmem:s13+$0xFFFFFF00] =	vst v1;
	v1 =	vld [tilespmem:s14+$0x10]  }
0xca: {  	v7 =	vld [tilespmem:s14+$0xFFFFFF90];
	[tilespmem:s7+$0xFFFFFF20] =	vst v4  }
.Ltmp2:
0xcb: {  	[tilespmem:s13+$0x90] =	vst v0;
	v0 =	vld [tilespmem:s8+$0xFFFFFFB0];
	(pc) =	sbr.rel @p0 .LBB2_7-.Ltmp2, $4  }
0xcc: {  	[tilespmem:s13+$0xFFFFFF90] =	vst v5;
	v2 =	vld [tilespmem:s14+$0x60]  }
0xcd: {  	v3 =	vld [tilespmem:s14+$0xFFFFFFE0];
	[tilespmem:s7+$0xFFFFFFB0] =	vst v6  }
0xce: {  	[tilespmem:s13+$0x10] =	vst v1;
	v1 =	vld [tilespmem:s8+$0x30];
	s8 =	smov.u32 s14  }
0xcf: {  	s14 =	sadd.s32 $0x100, s14;
	[tilespmem:s13+$0xFFFFFF10] =	vst v7;
	v4 =	vld [tilespmem:s8+$0x20]  }
0xd0: {  	v5 =	vld [tilespmem:s8+$0xFFFFFFA0]  }
0xd1: {  	[tilespmem:s7+$0xFFFFFF30] =	vst v0  }
0xd2: {  	[tilespmem:s13+$0xA0] =	vst v2  }
0xd3: {  	[tilespmem:s13+$0xFFFFFFA0] =	vst v3;
	v2 =	vld [tilespmem:s8+$0x70]  }
0xd4: {  	v3 =	vld [tilespmem:s8+$0xFFFFFFF0];
	[tilespmem:s13+$0x20] =	vst v4  }
0xd5: {  	[tilespmem:s13+$0xFFFFFF20] =	vst v5;
	v0 =	vld [tilespmem:s8+$0x30]  }
0xd6: {  	s12 =	smul.u32 $0x6, s28;
	v4 =	vld [tilespmem:s8+$0xFFFFFFB0]  }
0xd7: {  	[tilespmem:s7+$0x30] =	vst v1  }
0xd8: {  	s14 =	sadd.s32 s12, s9;
	[tilespmem:s13+$0xB0] =	vst v2  }
0xd9: {  	s15 =	smul.u32 $0xC80, s14;
	[tilespmem:s13+$0xFFFFFFB0] =	vst v3  }
0xda: {  	s7 =	sadd.s32 $0x5, s12;
	[tilespmem:s13+$0x30] =	vst v0  }
0xdb: {  	s16 =	smul.u32 $0x320, s7;
	s8 =	sadd.s32 s2, s15;
	[tilespmem:s13+$0xFFFFFF30] =	vst v4  }
0xdc: {  	[hbm4b:s8+s3] =	stream.linear.scatter [tilespmem:s26], [sflag:$0x4], $0x6400, $0x38;
	[tilespmem:$0x1C200] =	vst v63  }
0xdd: {  	s17 =	sshra.s32 s16, $0x2  }
0xde: {  	[tilespmem:s24], [sflag:$0x3] =	stream.indirect.gather [hbm4b:s4+s20], $0x40, s17, s20, $0xb8;
	[tilespmem:$0x1C200] =	vst v63  }
0xdf: {  	_ =	swait.ge [sflag:s25], $0x3200  }
0xe0: {  	[sflag:s25] =	ssyncset.done $0x0  }
0xe1: {  	[sflag:s25] =	ssyncadd.s32 $0xFFFFCE00  }
0xe2: {  	_ =	swait.ge [sflag:s23], $0x6400  }
0xe3: {  	[sflag:s23] =	ssyncset.done $0x0  }
0xe4: {  	s15 =	simm.s32 $0x6480;
	[sflag:s23] =	ssyncadd.s32 $0xFFFF9C00  }
0xe5: {  	v1 =	vld [tilespmem:s15+$0xFFFFFFC0]  }
0xe6: {  	v0 =	vld [tilespmem:s15+$0x40]  }
0xe7: {  	v2 =	vld [tilespmem:s15+$0x0];
	_ =	sdelay $0x1  }
0xe8: {  	s8 =	simm.s32 $0x15F00  }
0xe9: {  	v3 =	vld [tilespmem:s15+$0xFFFFFF80];
	[tilespmem:s8+$0xFFFFFF80] =	vst v1  }
0xea: {  	[tilespmem:s8+$0x80] =	vst v0;
	v1 =	vld [tilespmem:s15+$0xFFFFFFD0]  }
0xeb: {  	[tilespmem:s8+$0x0] =	vst v2;
	v0 =	vld [tilespmem:s15+$0x50]  }
0xec: {  	v2 =	vld [tilespmem:s15+$0x10]  }
0xed: {  	s13 =	simm.s32 $0x6580  }
0xee: {  	v4 =	vld [tilespmem:s13+$0x40];
	[tilespmem:s8+$0xFFFFFF00] =	vst v3  }
0xef: {  	v3 =	vld [tilespmem:s15+$0xFFFFFF90];
	[tilespmem:s8+$0xFFFFFF90] =	vst v1  }
0xf0: {  	[tilespmem:s8+$0x90] =	vst v0;
	v1 =	vld [tilespmem:s15+$0xFFFFFFE0]  }
0xf1: {  	[tilespmem:s8+$0x10] =	vst v2;
	v0 =	vld [tilespmem:s15+$0x60]  }
0xf2: {  	s14 =	simm.s32 $0x16100;
	v2 =	vld [tilespmem:s15+$0x20]  }
0xf3: {  	v5 =	vld [tilespmem:s13+$0xFFFFFFC0];
	[tilespmem:s14+$0x80] =	vst v4  }
0xf4: {  	v4 =	vld [tilespmem:s13+$0x50];
	[tilespmem:s8+$0xFFFFFF10] =	vst v3  }
0xf5: {  	[tilespmem:s8+$0xFFFFFFA0] =	vst v1;
	v1 =	vld [tilespmem:s13+$0x0]  }
0xf6: {  	v3 =	vld [tilespmem:s13+$0xFFFFFF80];
	[tilespmem:s8+$0xA0] =	vst v0  }
0xf7: {  	[tilespmem:s8+$0x20] =	vst v2;
	v2 =	vld [tilespmem:s15+$0xFFFFFFA0]  }
0xf8: {  	[tilespmem:s14+$0xFFFFFF80] =	vst v5;
	v0 =	vld [tilespmem:s15+$0x70]  }
0xf9: {  	v5 =	vld [tilespmem:s13+$0xFFFFFFD0];
	[tilespmem:s14+$0x90] =	vst v4  }
0xfa: {  	[tilespmem:s14+$0x0] =	vst v1;
	v1 =	vld [tilespmem:s15+$0xFFFFFFF0]  }
0xfb: {  	[tilespmem:s14+$0xFFFFFF00] =	vst v3;
	v6 =	vld [tilespmem:s13+$0x10]  }
0xfc: {  	v7 =	vld [tilespmem:s13+$0xFFFFFF90];
	[tilespmem:s8+$0xFFFFFF20] =	vst v2  }
0xfd: {  	[tilespmem:s8+$0xB0] =	vst v0;
	v0 =	vld [tilespmem:s15+$0xFFFFFFB0]  }
0xfe: {  	[tilespmem:s14+$0xFFFFFF90] =	vst v5;
	v2 =	vld [tilespmem:s13+$0x60]  }
0xff: {  	v3 =	vld [tilespmem:s13+$0xFFFFFFE0];
	[tilespmem:s8+$0xFFFFFFB0] =	vst v1  }
0x100: {  	v1 =	vld [tilespmem:s15+$0x30];
	[tilespmem:s14+$0x10] =	vst v6  }
0x101: {  	s16 =	simm.s32 $0x6680;
	[tilespmem:s14+$0xFFFFFF10] =	vst v7;
	s15 =	simm.s32 $0x4;
	v4 =	vld [tilespmem:s13+$0x20]  }
.LBB2_9:
0x102: {  	v5 =	vld [tilespmem:s16+$0x40];
	s15 =	sadd.s32 $0x4, s15;
	[tilespmem:s8+$0xFFFFFF30] =	vst v0  }
0x103: {  	v0 =	vld [tilespmem:s16+$0xFFFFFFC0];
	p0 =	slt.u32 s15, $0xC4;
	[tilespmem:s14+$0xA0] =	vst v2  }
0x104: {  	[tilespmem:s14+$0xFFFFFFA0] =	vst v3;
	v2 =	vld [tilespmem:s13+$0x70]  }
0x105: {  	v3 =	vld [tilespmem:s16+$0x0];
	[tilespmem:s8+$0x30] =	vst v1;
	s8 =	smov.u32 s14  }
0x106: {  	s14 =	sadd.s32 $0x200, s14;
	v1 =	vld [tilespmem:s16+$0xFFFFFF80];
	[tilespmem:s8+$0x20] =	vst v4  }
0x107: {  	[tilespmem:s14+$0x80] =	vst v5;
	v4 =	vld [tilespmem:s13+$0xFFFFFFA0]  }
0x108: {  	[tilespmem:s14+$0xFFFFFF80] =	vst v0;
	v0 =	vld [tilespmem:s16+$0x50]  }
0x109: {  	v5 =	vld [tilespmem:s16+$0xFFFFFFD0];
	[tilespmem:s8+$0xB0] =	vst v2  }
0x10a: {  	[tilespmem:s14+$0x0] =	vst v3;
	v6 =	vld [tilespmem:s13+$0xFFFFFFF0]  }
0x10b: {  	[tilespmem:s14+$0xFFFFFF00] =	vst v1;
	v1 =	vld [tilespmem:s16+$0x10]  }
0x10c: {  	v7 =	vld [tilespmem:s16+$0xFFFFFF90];
	[tilespmem:s8+$0xFFFFFF20] =	vst v4  }
.Ltmp3:
0x10d: {  	[tilespmem:s14+$0x90] =	vst v0;
	v0 =	vld [tilespmem:s13+$0xFFFFFFB0];
	(pc) =	sbr.rel @p0 .LBB2_9-.Ltmp3, $4  }
0x10e: {  	[tilespmem:s14+$0xFFFFFF90] =	vst v5;
	v2 =	vld [tilespmem:s16+$0x60]  }
0x10f: {  	v3 =	vld [tilespmem:s16+$0xFFFFFFE0];
	[tilespmem:s8+$0xFFFFFFB0] =	vst v6  }
0x110: {  	[tilespmem:s14+$0x10] =	vst v1;
	v1 =	vld [tilespmem:s13+$0x30];
	s13 =	smov.u32 s16  }
0x111: {  	s16 =	sadd.s32 $0x100, s16;
	[tilespmem:s14+$0xFFFFFF10] =	vst v7;
	v4 =	vld [tilespmem:s13+$0x20]  }
0x112: {  	v5 =	vld [tilespmem:s13+$0xFFFFFFA0]  }
0x113: {  	[tilespmem:s8+$0xFFFFFF30] =	vst v0  }
0x114: {  	[tilespmem:s14+$0xA0] =	vst v2  }
0x115: {  	[tilespmem:s14+$0xFFFFFFA0] =	vst v3;
	v2 =	vld [tilespmem:s13+$0x70]  }
0x116: {  	v3 =	vld [tilespmem:s13+$0xFFFFFFF0];
	[tilespmem:s14+$0x20] =	vst v4  }
0x117: {  	[tilespmem:s14+$0xFFFFFF20] =	vst v5;
	v0 =	vld [tilespmem:s13+$0x30]  }
0x118: {  	v4 =	vld [tilespmem:s13+$0xFFFFFFB0]  }
0x119: {  	[tilespmem:s8+$0x30] =	vst v1  }
0x11a: {  	s13 =	sadd.s32 s12, s10;
	[tilespmem:s14+$0xB0] =	vst v2  }
0x11b: {  	s15 =	smul.u32 $0xC80, s13;
	[tilespmem:s14+$0xFFFFFFB0] =	vst v3  }
0x11c: {  	s8 =	sadd.s32 $0x6, s12;
	[tilespmem:s14+$0x30] =	vst v0  }
0x11d: {  	s16 =	smul.u32 $0x320, s8;
	s13 =	sadd.s32 s2, s15;
	[tilespmem:s14+$0xFFFFFF30] =	vst v4  }
0x11e: {  	[hbm4b:s13+s3] =	stream.linear.scatter [tilespmem:s30], [sflag:$0x5], $0x6400, $0x38;
	[tilespmem:$0x1C200] =	vst v63  }
0x11f: {  	s17 =	sshra.s32 s16, $0x2  }
0x120: {  	[tilespmem:s21], [sflag:$0x1] =	stream.indirect.gather [hbm4b:s4+s20], $0x40, s17, s20, $0xb8;
	[tilespmem:$0x1C200] =	vst v63  }
0x121: {  	_ =	swait.ge [sflag:s29], $0x3200  }
0x122: {  	[sflag:s29] =	ssyncset.done $0x0  }
0x123: {  	[sflag:s29] =	ssyncadd.s32 $0xFFFFCE00  }
0x124: {  	_ =	swait.ge [sflag:s0], $0x6400  }
0x125: {  	[sflag:s0] =	ssyncset.done $0x0  }
0x126: {  	s16 =	simm.s32 $0x9680;
	[sflag:s0] =	ssyncadd.s32 $0xFFFF9C00  }
0x127: {  	v1 =	vld [tilespmem:s16+$0xFFFFFFC0]  }
0x128: {  	v0 =	vld [tilespmem:s16+$0x40]  }
0x129: {  	v2 =	vld [tilespmem:s16+$0x0];
	_ =	sdelay $0x1  }
0x12a: {  	s13 =	simm.s32 $0xFB00  }
0x12b: {  	v3 =	vld [tilespmem:s16+$0xFFFFFF80];
	[tilespmem:s13+$0xFFFFFF80] =	vst v1  }
0x12c: {  	[tilespmem:s13+$0x80] =	vst v0;
	v1 =	vld [tilespmem:s16+$0xFFFFFFD0]  }
0x12d: {  	[tilespmem:s13+$0x0] =	vst v2;
	v0 =	vld [tilespmem:s16+$0x50]  }
0x12e: {  	v2 =	vld [tilespmem:s16+$0x10]  }
0x12f: {  	s14 =	simm.s32 $0x9780  }
0x130: {  	v4 =	vld [tilespmem:s14+$0x40];
	[tilespmem:s13+$0xFFFFFF00] =	vst v3  }
0x131: {  	v3 =	vld [tilespmem:s16+$0xFFFFFF90];
	[tilespmem:s13+$0xFFFFFF90] =	vst v1  }
0x132: {  	[tilespmem:s13+$0x90] =	vst v0;
	v1 =	vld [tilespmem:s16+$0xFFFFFFE0]  }
0x133: {  	[tilespmem:s13+$0x10] =	vst v2;
	v0 =	vld [tilespmem:s16+$0x60]  }
0x134: {  	s15 =	simm.s32 $0xFD00;
	v2 =	vld [tilespmem:s16+$0x20]  }
0x135: {  	v5 =	vld [tilespmem:s14+$0xFFFFFFC0];
	[tilespmem:s15+$0x80] =	vst v4  }
0x136: {  	v4 =	vld [tilespmem:s14+$0x50];
	[tilespmem:s13+$0xFFFFFF10] =	vst v3  }
0x137: {  	[tilespmem:s13+$0xFFFFFFA0] =	vst v1;
	v1 =	vld [tilespmem:s14+$0x0]  }
0x138: {  	v3 =	vld [tilespmem:s14+$0xFFFFFF80];
	[tilespmem:s13+$0xA0] =	vst v0  }
0x139: {  	[tilespmem:s13+$0x20] =	vst v2;
	v2 =	vld [tilespmem:s16+$0xFFFFFFA0]  }
0x13a: {  	[tilespmem:s15+$0xFFFFFF80] =	vst v5;
	v0 =	vld [tilespmem:s16+$0x70]  }
0x13b: {  	v5 =	vld [tilespmem:s14+$0xFFFFFFD0];
	[tilespmem:s15+$0x90] =	vst v4  }
0x13c: {  	[tilespmem:s15+$0x0] =	vst v1;
	v1 =	vld [tilespmem:s16+$0xFFFFFFF0]  }
0x13d: {  	[tilespmem:s15+$0xFFFFFF00] =	vst v3;
	v6 =	vld [tilespmem:s14+$0x10]  }
0x13e: {  	v7 =	vld [tilespmem:s14+$0xFFFFFF90];
	[tilespmem:s13+$0xFFFFFF20] =	vst v2  }
0x13f: {  	[tilespmem:s13+$0xB0] =	vst v0;
	v0 =	vld [tilespmem:s16+$0xFFFFFFB0]  }
0x140: {  	[tilespmem:s15+$0xFFFFFF90] =	vst v5;
	v2 =	vld [tilespmem:s14+$0x60]  }
0x141: {  	v3 =	vld [tilespmem:s14+$0xFFFFFFE0];
	[tilespmem:s13+$0xFFFFFFB0] =	vst v1  }
0x142: {  	v1 =	vld [tilespmem:s16+$0x30];
	[tilespmem:s15+$0x10] =	vst v6  }
0x143: {  	s17 =	simm.s32 $0x9880;
	[tilespmem:s15+$0xFFFFFF10] =	vst v7;
	s16 =	simm.s32 $0x4;
	v4 =	vld [tilespmem:s14+$0x20]  }
.LBB2_11:
0x144: {  	v5 =	vld [tilespmem:s17+$0x40];
	s16 =	sadd.s32 $0x4, s16;
	[tilespmem:s13+$0xFFFFFF30] =	vst v0  }
0x145: {  	v0 =	vld [tilespmem:s17+$0xFFFFFFC0];
	p0 =	slt.u32 s16, $0xC4;
	[tilespmem:s15+$0xA0] =	vst v2  }
0x146: {  	[tilespmem:s15+$0xFFFFFFA0] =	vst v3;
	v2 =	vld [tilespmem:s14+$0x70]  }
0x147: {  	v3 =	vld [tilespmem:s17+$0x0];
	[tilespmem:s13+$0x30] =	vst v1;
	s13 =	smov.u32 s15  }
0x148: {  	s15 =	sadd.s32 $0x200, s15;
	v1 =	vld [tilespmem:s17+$0xFFFFFF80];
	[tilespmem:s13+$0x20] =	vst v4  }
0x149: {  	[tilespmem:s15+$0x80] =	vst v5;
	v4 =	vld [tilespmem:s14+$0xFFFFFFA0]  }
0x14a: {  	[tilespmem:s15+$0xFFFFFF80] =	vst v0;
	v0 =	vld [tilespmem:s17+$0x50]  }
0x14b: {  	v5 =	vld [tilespmem:s17+$0xFFFFFFD0];
	[tilespmem:s13+$0xB0] =	vst v2  }
0x14c: {  	[tilespmem:s15+$0x0] =	vst v3;
	v6 =	vld [tilespmem:s14+$0xFFFFFFF0]  }
0x14d: {  	[tilespmem:s15+$0xFFFFFF00] =	vst v1;
	v1 =	vld [tilespmem:s17+$0x10]  }
0x14e: {  	v7 =	vld [tilespmem:s17+$0xFFFFFF90];
	[tilespmem:s13+$0xFFFFFF20] =	vst v4  }
.Ltmp4:
0x14f: {  	[tilespmem:s15+$0x90] =	vst v0;
	v0 =	vld [tilespmem:s14+$0xFFFFFFB0];
	(pc) =	sbr.rel @p0 .LBB2_11-.Ltmp4, $4  }
0x150: {  	[tilespmem:s15+$0xFFFFFF90] =	vst v5;
	v2 =	vld [tilespmem:s17+$0x60]  }
0x151: {  	v3 =	vld [tilespmem:s17+$0xFFFFFFE0];
	[tilespmem:s13+$0xFFFFFFB0] =	vst v6  }
0x152: {  	[tilespmem:s15+$0x10] =	vst v1;
	v1 =	vld [tilespmem:s14+$0x30];
	s14 =	smov.u32 s17  }
0x153: {  	s17 =	sadd.s32 $0x100, s17;
	[tilespmem:s15+$0xFFFFFF10] =	vst v7;
	v4 =	vld [tilespmem:s14+$0x20]  }
0x154: {  	v5 =	vld [tilespmem:s14+$0xFFFFFFA0]  }
0x155: {  	[tilespmem:s13+$0xFFFFFF30] =	vst v0  }
0x156: {  	[tilespmem:s15+$0xA0] =	vst v2  }
0x157: {  	[tilespmem:s15+$0xFFFFFFA0] =	vst v3;
	v2 =	vld [tilespmem:s14+$0x70]  }
0x158: {  	v3 =	vld [tilespmem:s14+$0xFFFFFFF0];
	[tilespmem:s15+$0x20] =	vst v4  }
0x159: {  	[tilespmem:s15+$0xFFFFFF20] =	vst v5;
	v0 =	vld [tilespmem:s14+$0x30]  }
0x15a: {  	v4 =	vld [tilespmem:s14+$0xFFFFFFB0]  }
0x15b: {  	[tilespmem:s13+$0x30] =	vst v1  }
0x15c: {  	s14 =	sadd.s32 s12, s11;
	[tilespmem:s15+$0xB0] =	vst v2  }
0x15d: {  	s13 =	smul.u32 $0xC80, s14;
	[tilespmem:s15+$0xFFFFFFB0] =	vst v3  }
0x15e: {  	s12 =	sadd.s32 $0x7, s12;
	[tilespmem:s15+$0x30] =	vst v0  }
0x15f: {  	s16 =	smul.u32 $0x320, s12;
	s13 =	sadd.s32 s2, s13;
	[tilespmem:s15+$0xFFFFFF30] =	vst v4  }
0x160: {  	[hbm4b:s13+s3] =	stream.linear.scatter [tilespmem:s26], [sflag:$0x4], $0x6400, $0x38;
	[tilespmem:$0x1C200] =	vst v63  }
0x161: {  	s17 =	sshra.s32 s16, $0x2  }
0x162: {  	[tilespmem:s22], [sflag:$0x2] =	stream.indirect.gather [hbm4b:s4+s20], $0x40, s17, s20, $0xb8;
	[tilespmem:$0x1C200] =	vst v63  }
0x163: {  	_ =	swait.ge [sflag:s1], $0x3200  }
0x164: {  	[sflag:s1] =	ssyncset.done $0x0  }
0x165: {  	[sflag:s1] =	ssyncadd.s32 $0xFFFFCE00  }
0x166: {  	_ =	swait.ge [sflag:s23], $0x6400  }
0x167: {  	[sflag:s23] =	ssyncset.done $0x0  }
0x168: {  	s16 =	simm.s32 $0xC880;
	[sflag:s23] =	ssyncadd.s32 $0xFFFF9C00  }
0x169: {  	v1 =	vld [tilespmem:s16+$0xFFFFFFC0]  }
0x16a: {  	v0 =	vld [tilespmem:s16+$0x40]  }
0x16b: {  	v2 =	vld [tilespmem:s16+$0x0];
	_ =	sdelay $0x1  }
0x16c: {  	s13 =	simm.s32 $0x15F00  }
0x16d: {  	v3 =	vld [tilespmem:s16+$0xFFFFFF80];
	[tilespmem:s13+$0xFFFFFF80] =	vst v1  }
0x16e: {  	[tilespmem:s13+$0x80] =	vst v0;
	v1 =	vld [tilespmem:s16+$0xFFFFFFD0]  }
0x16f: {  	[tilespmem:s13+$0x0] =	vst v2;
	v0 =	vld [tilespmem:s16+$0x50]  }
0x170: {  	v2 =	vld [tilespmem:s16+$0x10]  }
0x171: {  	s14 =	simm.s32 $0xC980  }
0x172: {  	v4 =	vld [tilespmem:s14+$0x40];
	[tilespmem:s13+$0xFFFFFF00] =	vst v3  }
0x173: {  	v3 =	vld [tilespmem:s16+$0xFFFFFF90];
	[tilespmem:s13+$0xFFFFFF90] =	vst v1  }
0x174: {  	[tilespmem:s13+$0x90] =	vst v0;
	v1 =	vld [tilespmem:s16+$0xFFFFFFE0]  }
0x175: {  	[tilespmem:s13+$0x10] =	vst v2;
	v0 =	vld [tilespmem:s16+$0x60]  }
0x176: {  	s15 =	simm.s32 $0x16100;
	v2 =	vld [tilespmem:s16+$0x20]  }
0x177: {  	v5 =	vld [tilespmem:s14+$0xFFFFFFC0];
	[tilespmem:s15+$0x80] =	vst v4  }
0x178: {  	v4 =	vld [tilespmem:s14+$0x50];
	[tilespmem:s13+$0xFFFFFF10] =	vst v3  }
0x179: {  	[tilespmem:s13+$0xFFFFFFA0] =	vst v1;
	v1 =	vld [tilespmem:s14+$0x0]  }
0x17a: {  	v3 =	vld [tilespmem:s14+$0xFFFFFF80];
	[tilespmem:s13+$0xA0] =	vst v0  }
0x17b: {  	[tilespmem:s13+$0x20] =	vst v2;
	v2 =	vld [tilespmem:s16+$0xFFFFFFA0]  }
0x17c: {  	[tilespmem:s15+$0xFFFFFF80] =	vst v5;
	v0 =	vld [tilespmem:s16+$0x70]  }
0x17d: {  	v5 =	vld [tilespmem:s14+$0xFFFFFFD0];
	[tilespmem:s15+$0x90] =	vst v4  }
0x17e: {  	[tilespmem:s15+$0x0] =	vst v1;
	v1 =	vld [tilespmem:s16+$0xFFFFFFF0]  }
0x17f: {  	[tilespmem:s15+$0xFFFFFF00] =	vst v3;
	v6 =	vld [tilespmem:s14+$0x10]  }
0x180: {  	v7 =	vld [tilespmem:s14+$0xFFFFFF90];
	[tilespmem:s13+$0xFFFFFF20] =	vst v2  }
0x181: {  	[tilespmem:s13+$0xB0] =	vst v0;
	v0 =	vld [tilespmem:s16+$0xFFFFFFB0]  }
0x182: {  	[tilespmem:s15+$0xFFFFFF90] =	vst v5;
	v2 =	vld [tilespmem:s14+$0x60]  }
0x183: {  	v3 =	vld [tilespmem:s14+$0xFFFFFFE0];
	[tilespmem:s13+$0xFFFFFFB0] =	vst v1  }
0x184: {  	v1 =	vld [tilespmem:s16+$0x30];
	[tilespmem:s15+$0x10] =	vst v6  }
0x185: {  	s17 =	simm.s32 $0xCA80;
	[tilespmem:s15+$0xFFFFFF10] =	vst v7;
	s16 =	simm.s32 $0x4;
	v4 =	vld [tilespmem:s14+$0x20]  }
.LBB2_13:
0x186: {  	v5 =	vld [tilespmem:s17+$0x40];
	s16 =	sadd.s32 $0x4, s16;
	[tilespmem:s13+$0xFFFFFF30] =	vst v0  }
0x187: {  	v0 =	vld [tilespmem:s17+$0xFFFFFFC0];
	p0 =	slt.u32 s16, $0xC4;
	[tilespmem:s15+$0xA0] =	vst v2  }
0x188: {  	[tilespmem:s15+$0xFFFFFFA0] =	vst v3;
	v2 =	vld [tilespmem:s14+$0x70]  }
0x189: {  	v3 =	vld [tilespmem:s17+$0x0];
	[tilespmem:s13+$0x30] =	vst v1;
	s13 =	smov.u32 s15  }
0x18a: {  	s15 =	sadd.s32 $0x200, s15;
	v1 =	vld [tilespmem:s17+$0xFFFFFF80];
	[tilespmem:s13+$0x20] =	vst v4  }
0x18b: {  	[tilespmem:s15+$0x80] =	vst v5;
	v4 =	vld [tilespmem:s14+$0xFFFFFFA0]  }
0x18c: {  	[tilespmem:s15+$0xFFFFFF80] =	vst v0;
	v0 =	vld [tilespmem:s17+$0x50]  }
0x18d: {  	v5 =	vld [tilespmem:s17+$0xFFFFFFD0];
	[tilespmem:s13+$0xB0] =	vst v2  }
0x18e: {  	[tilespmem:s15+$0x0] =	vst v3;
	v6 =	vld [tilespmem:s14+$0xFFFFFFF0]  }
0x18f: {  	[tilespmem:s15+$0xFFFFFF00] =	vst v1;
	v1 =	vld [tilespmem:s17+$0x10]  }
0x190: {  	v7 =	vld [tilespmem:s17+$0xFFFFFF90];
	[tilespmem:s13+$0xFFFFFF20] =	vst v4  }
.Ltmp5:
0x191: {  	[tilespmem:s15+$0x90] =	vst v0;
	v0 =	vld [tilespmem:s14+$0xFFFFFFB0];
	(pc) =	sbr.rel @p0 .LBB2_13-.Ltmp5, $4  }
0x192: {  	[tilespmem:s15+$0xFFFFFF90] =	vst v5;
	v2 =	vld [tilespmem:s17+$0x60]  }
0x193: {  	v3 =	vld [tilespmem:s17+$0xFFFFFFE0];
	[tilespmem:s13+$0xFFFFFFB0] =	vst v6  }
0x194: {  	[tilespmem:s15+$0x10] =	vst v1;
	v1 =	vld [tilespmem:s14+$0x30];
	s14 =	smov.u32 s17  }
0x195: {  	s17 =	sadd.s32 $0x100, s17;
	[tilespmem:s15+$0xFFFFFF10] =	vst v7;
	v4 =	vld [tilespmem:s14+$0x20]  }
0x196: {  	v5 =	vld [tilespmem:s14+$0xFFFFFFA0]  }
0x197: {  	[tilespmem:s13+$0xFFFFFF30] =	vst v0  }
0x198: {  	[tilespmem:s15+$0xA0] =	vst v2  }
0x199: {  	[tilespmem:s15+$0xFFFFFFA0] =	vst v3;
	v2 =	vld [tilespmem:s14+$0x70]  }
0x19a: {  	v3 =	vld [tilespmem:s14+$0xFFFFFFF0];
	[tilespmem:s15+$0x20] =	vst v4  }
0x19b: {  	[tilespmem:s15+$0xFFFFFF20] =	vst v5;
	v0 =	vld [tilespmem:s14+$0x30]  }
0x19c: {  	v4 =	vld [tilespmem:s14+$0xFFFFFFB0]  }
0x19d: {  	[tilespmem:s13+$0x30] =	vst v1  }
0x19e: {  	s7 =	sadd.s32 s5, s7;
	[tilespmem:s15+$0xB0] =	vst v2  }
0x19f: {  	s7 =	smul.u32 $0xC80, s7;
	[tilespmem:s15+$0xFFFFFFB0] =	vst v3  }
0x1a0: {  	[tilespmem:s15+$0x30] =	vst v0  }
0x1a1: {  	s17 =	smul.u32 $0x12C0, s28;
	s7 =	sadd.s32 s2, s7;
	[tilespmem:s15+$0xFFFFFF30] =	vst v4  }
0x1a2: {  	[hbm4b:s7+s3] =	stream.linear.scatter [tilespmem:s30], [sflag:$0x5], $0x6400, $0x38;
	[tilespmem:$0x1C200] =	vst v63  }
0x1a3: {  	s7 =	sshra.s32 s17, $0x2  }
0x1a4: {  	s13 =	sadd.s32 $0x640, s7  }
0x1a5: {  	[tilespmem:s24], [sflag:$0x3] =	stream.indirect.gather [hbm4b:s4+s20], $0x40, s13, s20, $0xb8;
	[tilespmem:$0x1C200] =	vst v63  }
0x1a6: {  	_ =	swait.ge [sflag:s25], $0x3200  }
0x1a7: {  	[sflag:s25] =	ssyncset.done $0x0  }
0x1a8: {  	[sflag:s25] =	ssyncadd.s32 $0xFFFFCE00  }
0x1a9: {  	_ =	swait.ge [sflag:s0], $0x6400  }
0x1aa: {  	[sflag:s0] =	ssyncset.done $0x0  }
0x1ab: {  	s16 =	simm.s32 $0x6480;
	[sflag:s0] =	ssyncadd.s32 $0xFFFF9C00  }
0x1ac: {  	v1 =	vld [tilespmem:s16+$0xFFFFFFC0]  }
0x1ad: {  	v0 =	vld [tilespmem:s16+$0x40]  }
0x1ae: {  	v2 =	vld [tilespmem:s16+$0x0];
	_ =	sdelay $0x1  }
0x1af: {  	s13 =	simm.s32 $0xFB00  }
0x1b0: {  	v3 =	vld [tilespmem:s16+$0xFFFFFF80];
	[tilespmem:s13+$0xFFFFFF80] =	vst v1  }
0x1b1: {  	[tilespmem:s13+$0x80] =	vst v0;
	v1 =	vld [tilespmem:s16+$0xFFFFFFD0]  }
0x1b2: {  	[tilespmem:s13+$0x0] =	vst v2;
	v0 =	vld [tilespmem:s16+$0x50]  }
0x1b3: {  	v2 =	vld [tilespmem:s16+$0x10]  }
0x1b4: {  	s14 =	simm.s32 $0x6580  }
0x1b5: {  	v4 =	vld [tilespmem:s14+$0x40];
	[tilespmem:s13+$0xFFFFFF00] =	vst v3  }
0x1b6: {  	v3 =	vld [tilespmem:s16+$0xFFFFFF90];
	[tilespmem:s13+$0xFFFFFF90] =	vst v1  }
0x1b7: {  	[tilespmem:s13+$0x90] =	vst v0;
	v1 =	vld [tilespmem:s16+$0xFFFFFFE0]  }
0x1b8: {  	[tilespmem:s13+$0x10] =	vst v2;
	v0 =	vld [tilespmem:s16+$0x60]  }
0x1b9: {  	s15 =	simm.s32 $0xFD00;
	v2 =	vld [tilespmem:s16+$0x20]  }
0x1ba: {  	v5 =	vld [tilespmem:s14+$0xFFFFFFC0];
	[tilespmem:s15+$0x80] =	vst v4  }
0x1bb: {  	v4 =	vld [tilespmem:s14+$0x50];
	[tilespmem:s13+$0xFFFFFF10] =	vst v3  }
0x1bc: {  	[tilespmem:s13+$0xFFFFFFA0] =	vst v1;
	v1 =	vld [tilespmem:s14+$0x0]  }
0x1bd: {  	v3 =	vld [tilespmem:s14+$0xFFFFFF80];
	[tilespmem:s13+$0xA0] =	vst v0  }
0x1be: {  	[tilespmem:s13+$0x20] =	vst v2;
	v2 =	vld [tilespmem:s16+$0xFFFFFFA0]  }
0x1bf: {  	[tilespmem:s15+$0xFFFFFF80] =	vst v5;
	v0 =	vld [tilespmem:s16+$0x70]  }
0x1c0: {  	v5 =	vld [tilespmem:s14+$0xFFFFFFD0];
	[tilespmem:s15+$0x90] =	vst v4  }
0x1c1: {  	[tilespmem:s15+$0x0] =	vst v1;
	v1 =	vld [tilespmem:s16+$0xFFFFFFF0]  }
0x1c2: {  	[tilespmem:s15+$0xFFFFFF00] =	vst v3;
	v6 =	vld [tilespmem:s14+$0x10]  }
0x1c3: {  	v7 =	vld [tilespmem:s14+$0xFFFFFF90];
	[tilespmem:s13+$0xFFFFFF20] =	vst v2  }
0x1c4: {  	[tilespmem:s13+$0xB0] =	vst v0;
	v0 =	vld [tilespmem:s16+$0xFFFFFFB0]  }
0x1c5: {  	[tilespmem:s15+$0xFFFFFF90] =	vst v5;
	v2 =	vld [tilespmem:s14+$0x60]  }
0x1c6: {  	v3 =	vld [tilespmem:s14+$0xFFFFFFE0];
	[tilespmem:s13+$0xFFFFFFB0] =	vst v1  }
0x1c7: {  	v1 =	vld [tilespmem:s16+$0x30];
	[tilespmem:s15+$0x10] =	vst v6  }
0x1c8: {  	s17 =	simm.s32 $0x6680;
	[tilespmem:s15+$0xFFFFFF10] =	vst v7;
	s16 =	simm.s32 $0x4;
	v4 =	vld [tilespmem:s14+$0x20]  }
.LBB2_15:
0x1c9: {  	v5 =	vld [tilespmem:s17+$0x40];
	s16 =	sadd.s32 $0x4, s16;
	[tilespmem:s13+$0xFFFFFF30] =	vst v0  }
0x1ca: {  	v0 =	vld [tilespmem:s17+$0xFFFFFFC0];
	p0 =	slt.u32 s16, $0xC4;
	[tilespmem:s15+$0xA0] =	vst v2  }
0x1cb: {  	[tilespmem:s15+$0xFFFFFFA0] =	vst v3;
	v2 =	vld [tilespmem:s14+$0x70]  }
0x1cc: {  	v3 =	vld [tilespmem:s17+$0x0];
	[tilespmem:s13+$0x30] =	vst v1;
	s13 =	smov.u32 s15  }
0x1cd: {  	s15 =	sadd.s32 $0x200, s15;
	v1 =	vld [tilespmem:s17+$0xFFFFFF80];
	[tilespmem:s13+$0x20] =	vst v4  }
0x1ce: {  	[tilespmem:s15+$0x80] =	vst v5;
	v4 =	vld [tilespmem:s14+$0xFFFFFFA0]  }
0x1cf: {  	[tilespmem:s15+$0xFFFFFF80] =	vst v0;
	v0 =	vld [tilespmem:s17+$0x50]  }
0x1d0: {  	v5 =	vld [tilespmem:s17+$0xFFFFFFD0];
	[tilespmem:s13+$0xB0] =	vst v2  }
0x1d1: {  	[tilespmem:s15+$0x0] =	vst v3;
	v6 =	vld [tilespmem:s14+$0xFFFFFFF0]  }
0x1d2: {  	[tilespmem:s15+$0xFFFFFF00] =	vst v1;
	v1 =	vld [tilespmem:s17+$0x10]  }
0x1d3: {  	v7 =	vld [tilespmem:s17+$0xFFFFFF90];
	[tilespmem:s13+$0xFFFFFF20] =	vst v4  }
.Ltmp6:
0x1d4: {  	[tilespmem:s15+$0x90] =	vst v0;
	v0 =	vld [tilespmem:s14+$0xFFFFFFB0];
	(pc) =	sbr.rel @p0 .LBB2_15-.Ltmp6, $4  }
0x1d5: {  	[tilespmem:s15+$0xFFFFFF90] =	vst v5;
	v2 =	vld [tilespmem:s17+$0x60]  }
0x1d6: {  	v3 =	vld [tilespmem:s17+$0xFFFFFFE0];
	[tilespmem:s13+$0xFFFFFFB0] =	vst v6  }
0x1d7: {  	[tilespmem:s15+$0x10] =	vst v1;
	v1 =	vld [tilespmem:s14+$0x30];
	s14 =	smov.u32 s17  }
0x1d8: {  	s17 =	sadd.s32 $0x100, s17;
	[tilespmem:s15+$0xFFFFFF10] =	vst v7;
	v4 =	vld [tilespmem:s14+$0x20]  }
0x1d9: {  	v5 =	vld [tilespmem:s14+$0xFFFFFFA0]  }
0x1da: {  	[tilespmem:s13+$0xFFFFFF30] =	vst v0  }
0x1db: {  	[tilespmem:s15+$0xA0] =	vst v2  }
0x1dc: {  	[tilespmem:s15+$0xFFFFFFA0] =	vst v3;
	v2 =	vld [tilespmem:s14+$0x70]  }
0x1dd: {  	v3 =	vld [tilespmem:s14+$0xFFFFFFF0];
	[tilespmem:s15+$0x20] =	vst v4  }
0x1de: {  	[tilespmem:s15+$0xFFFFFF20] =	vst v5;
	v0 =	vld [tilespmem:s14+$0x30]  }
0x1df: {  	v4 =	vld [tilespmem:s14+$0xFFFFFFB0]  }
0x1e0: {  	[tilespmem:s13+$0x30] =	vst v1  }
0x1e1: {  	s8 =	sadd.s32 s5, s8;
	[tilespmem:s15+$0xB0] =	vst v2  }
0x1e2: {  	s8 =	smul.u32 $0xC80, s8;
	[tilespmem:s15+$0xFFFFFFB0] =	vst v3  }
0x1e3: {  	[tilespmem:s15+$0x30] =	vst v0  }
0x1e4: {  	s8 =	sadd.s32 s2, s8;
	[tilespmem:s15+$0xFFFFFF30] =	vst v4  }
0x1e5: {  	[hbm4b:s8+s3] =	stream.linear.scatter [tilespmem:s26], [sflag:$0x4], $0x6400, $0x38;
	[tilespmem:$0x1C200] =	vst v63  }
0x1e6: {  	s16 =	sadd.s32 $0x708, s7  }
0x1e7: {  	[tilespmem:s21], [sflag:$0x1] =	stream.indirect.gather [hbm4b:s4+s20], $0x40, s16, s20, $0xb8;
	[tilespmem:$0x1C200] =	vst v63  }
0x1e8: {  	_ =	swait.ge [sflag:s29], $0x3200  }
0x1e9: {  	[sflag:s29] =	ssyncset.done $0x0  }
0x1ea: {  	[sflag:s29] =	ssyncadd.s32 $0xFFFFCE00  }
0x1eb: {  	_ =	swait.ge [sflag:s23], $0x6400  }
0x1ec: {  	[sflag:s23] =	ssyncset.done $0x0  }
0x1ed: {  	s17 =	simm.s32 $0x9680;
	[sflag:s23] =	ssyncadd.s32 $0xFFFF9C00  }
0x1ee: {  	v1 =	vld [tilespmem:s17+$0xFFFFFFC0]  }
0x1ef: {  	v0 =	vld [tilespmem:s17+$0x40]  }
0x1f0: {  	v2 =	vld [tilespmem:s17+$0x0];
	_ =	sdelay $0x1  }
0x1f1: {  	s8 =	simm.s32 $0x15F00  }
0x1f2: {  	v3 =	vld [tilespmem:s17+$0xFFFFFF80];
	[tilespmem:s8+$0xFFFFFF80] =	vst v1  }
0x1f3: {  	[tilespmem:s8+$0x80] =	vst v0;
	v1 =	vld [tilespmem:s17+$0xFFFFFFD0]  }
0x1f4: {  	[tilespmem:s8+$0x0] =	vst v2;
	v0 =	vld [tilespmem:s17+$0x50]  }
0x1f5: {  	v2 =	vld [tilespmem:s17+$0x10]  }
0x1f6: {  	s13 =	simm.s32 $0x9780  }
0x1f7: {  	v4 =	vld [tilespmem:s13+$0x40];
	[tilespmem:s8+$0xFFFFFF00] =	vst v3  }
0x1f8: {  	v3 =	vld [tilespmem:s17+$0xFFFFFF90];
	[tilespmem:s8+$0xFFFFFF90] =	vst v1  }
0x1f9: {  	[tilespmem:s8+$0x90] =	vst v0;
	v1 =	vld [tilespmem:s17+$0xFFFFFFE0]  }
0x1fa: {  	[tilespmem:s8+$0x10] =	vst v2;
	v0 =	vld [tilespmem:s17+$0x60]  }
0x1fb: {  	s14 =	simm.s32 $0x16100;
	v2 =	vld [tilespmem:s17+$0x20]  }
0x1fc: {  	v5 =	vld [tilespmem:s13+$0xFFFFFFC0];
	[tilespmem:s14+$0x80] =	vst v4  }
0x1fd: {  	v4 =	vld [tilespmem:s13+$0x50];
	[tilespmem:s8+$0xFFFFFF10] =	vst v3  }
0x1fe: {  	[tilespmem:s8+$0xFFFFFFA0] =	vst v1;
	v1 =	vld [tilespmem:s13+$0x0]  }
0x1ff: {  	v3 =	vld [tilespmem:s13+$0xFFFFFF80];
	[tilespmem:s8+$0xA0] =	vst v0  }
0x200: {  	[tilespmem:s8+$0x20] =	vst v2;
	v2 =	vld [tilespmem:s17+$0xFFFFFFA0]  }
0x201: {  	[tilespmem:s14+$0xFFFFFF80] =	vst v5;
	v0 =	vld [tilespmem:s17+$0x70]  }
0x202: {  	v5 =	vld [tilespmem:s13+$0xFFFFFFD0];
	[tilespmem:s14+$0x90] =	vst v4  }
0x203: {  	[tilespmem:s14+$0x0] =	vst v1;
	v1 =	vld [tilespmem:s17+$0xFFFFFFF0]  }
0x204: {  	[tilespmem:s14+$0xFFFFFF00] =	vst v3;
	v6 =	vld [tilespmem:s13+$0x10]  }
0x205: {  	v7 =	vld [tilespmem:s13+$0xFFFFFF90];
	[tilespmem:s8+$0xFFFFFF20] =	vst v2  }
0x206: {  	[tilespmem:s8+$0xB0] =	vst v0;
	v0 =	vld [tilespmem:s17+$0xFFFFFFB0]  }
0x207: {  	[tilespmem:s14+$0xFFFFFF90] =	vst v5;
	v2 =	vld [tilespmem:s13+$0x60]  }
0x208: {  	v3 =	vld [tilespmem:s13+$0xFFFFFFE0];
	[tilespmem:s8+$0xFFFFFFB0] =	vst v1  }
0x209: {  	v1 =	vld [tilespmem:s17+$0x30];
	[tilespmem:s14+$0x10] =	vst v6  }
0x20a: {  	s15 =	simm.s32 $0x4;
	s16 =	simm.s32 $0x9880;
	[tilespmem:s14+$0xFFFFFF10] =	vst v7;
	v4 =	vld [tilespmem:s13+$0x20]  }
.LBB2_17:
0x20b: {  	v5 =	vld [tilespmem:s16+$0x40];
	s15 =	sadd.s32 $0x4, s15;
	[tilespmem:s8+$0xFFFFFF30] =	vst v0  }
0x20c: {  	v0 =	vld [tilespmem:s16+$0xFFFFFFC0];
	p0 =	slt.u32 s15, $0xC4;
	[tilespmem:s14+$0xA0] =	vst v2  }
0x20d: {  	[tilespmem:s14+$0xFFFFFFA0] =	vst v3;
	v2 =	vld [tilespmem:s13+$0x70]  }
0x20e: {  	v3 =	vld [tilespmem:s16+$0x0];
	[tilespmem:s8+$0x30] =	vst v1;
	s8 =	smov.u32 s14  }
0x20f: {  	s14 =	sadd.s32 $0x200, s14;
	v1 =	vld [tilespmem:s16+$0xFFFFFF80];
	[tilespmem:s8+$0x20] =	vst v4  }
0x210: {  	[tilespmem:s14+$0x80] =	vst v5;
	v4 =	vld [tilespmem:s13+$0xFFFFFFA0]  }
0x211: {  	[tilespmem:s14+$0xFFFFFF80] =	vst v0;
	v0 =	vld [tilespmem:s16+$0x50]  }
0x212: {  	v5 =	vld [tilespmem:s16+$0xFFFFFFD0];
	[tilespmem:s8+$0xB0] =	vst v2  }
0x213: {  	[tilespmem:s14+$0x0] =	vst v3;
	v6 =	vld [tilespmem:s13+$0xFFFFFFF0]  }
0x214: {  	[tilespmem:s14+$0xFFFFFF00] =	vst v1;
	v1 =	vld [tilespmem:s16+$0x10]  }
0x215: {  	v7 =	vld [tilespmem:s16+$0xFFFFFF90];
	[tilespmem:s8+$0xFFFFFF20] =	vst v4  }
.Ltmp7:
0x216: {  	[tilespmem:s14+$0x90] =	vst v0;
	v0 =	vld [tilespmem:s13+$0xFFFFFFB0];
	(pc) =	sbr.rel @p0 .LBB2_17-.Ltmp7, $4  }
0x217: {  	[tilespmem:s14+$0xFFFFFF90] =	vst v5;
	v2 =	vld [tilespmem:s16+$0x60]  }
0x218: {  	v3 =	vld [tilespmem:s16+$0xFFFFFFE0];
	[tilespmem:s8+$0xFFFFFFB0] =	vst v6  }
0x219: {  	[tilespmem:s14+$0x10] =	vst v1;
	v1 =	vld [tilespmem:s13+$0x30];
	s13 =	smov.u32 s16  }
0x21a: {  	s16 =	sadd.s32 $0x100, s16;
	[tilespmem:s14+$0xFFFFFF10] =	vst v7;
	v4 =	vld [tilespmem:s13+$0x20]  }
0x21b: {  	v5 =	vld [tilespmem:s13+$0xFFFFFFA0];
	_ =	sdelay $0x1  }
0x21c: {  	[tilespmem:s14+$0xA0] =	vst v2  }
0x21d: {  	[tilespmem:s14+$0xFFFFFFA0] =	vst v3;
	v2 =	vld [tilespmem:s13+$0x70]  }
0x21e: {  	v3 =	vld [tilespmem:s13+$0xFFFFFFF0];
	[tilespmem:s14+$0x20] =	vst v4  }
0x21f: {  	[tilespmem:s14+$0xFFFFFF20] =	vst v5;
	v63 =	vld [tilespmem:s13+$0x30]  }
0x220: {  	[tilespmem:s8+$0xFFFFFF30] =	vst v0;
	v62 =	vld [tilespmem:s13+$0xFFFFFFB0]  }
0x221: {  	[tilespmem:s8+$0x30] =	vst v1  }
0x222: {  	s17 =	sadd.s32 s5, s12;
	s28 =	sadd.s32 $0x1, s28;
	[tilespmem:s14+$0xB0] =	vst v2  }
0x223: {  	p0 =	sne.s32 s28, $0x14;
	s8 =	smul.u32 $0xC80, s17;
	[tilespmem:s14+$0xFFFFFFB0] =	vst v3  }
.Ltmp8:
0x224: {  	[tilespmem:s14+$0x30] =	vst v63;
	(pc) =	sbr.rel @p0 .LBB2_6-.Ltmp8, $4  }
0x225: {  	s8 =	sadd.s32 s2, s8;
	[tilespmem:s14+$0xFFFFFF30] =	vst v62  }
0x226: {  	[hbm4b:s8+s3] =	stream.linear.scatter [tilespmem:s30], [sflag:$0x5], $0x6400, $0x38;
	[tilespmem:$0x1C200] =	vst v63  }
0x227: {  	s7 =	sadd.s32 $0x7D0, s7  }
0x228: {  	[tilespmem:s22], [sflag:$0x2] =	stream.indirect.gather [hbm4b:s4+s20], $0x40, s7, s20, $0xb8;
	[tilespmem:$0x1C200] =	vst v63  }
0x229: {  	_ =	swait.ge [sflag:s1], $0x3200  }
0x22a: {  	[sflag:s1] =	ssyncset.done $0x0  }
0x22b: {  	[sflag:s1] =	ssyncadd.s32 $0xFFFFCE00  }
0x22c: {  	_ =	swait.ge [sflag:s0], $0x6400  }
0x22d: {  	[sflag:s0] =	ssyncset.done $0x0  }
0x22e: {  	s13 =	simm.s32 $0xC880;
	[sflag:s0] =	ssyncadd.s32 $0xFFFF9C00  }
0x22f: {  	v1 =	vld [tilespmem:s13+$0xFFFFFFC0]  }
0x230: {  	v0 =	vld [tilespmem:s13+$0x40]  }
0x231: {  	v2 =	vld [tilespmem:s13+$0x0];
	_ =	sdelay $0x1  }
0x232: {  	s7 =	simm.s32 $0xFB00  }
0x233: {  	v3 =	vld [tilespmem:s13+$0xFFFFFF80];
	[tilespmem:s7+$0xFFFFFF80] =	vst v1  }
0x234: {  	[tilespmem:s7+$0x80] =	vst v0;
	v1 =	vld [tilespmem:s13+$0xFFFFFFD0]  }
0x235: {  	[tilespmem:s7+$0x0] =	vst v2;
	v0 =	vld [tilespmem:s13+$0x50]  }
0x236: {  	v2 =	vld [tilespmem:s13+$0x10]  }
0x237: {  	s8 =	simm.s32 $0xC980  }
0x238: {  	v4 =	vld [tilespmem:s8+$0x40];
	[tilespmem:s7+$0xFFFFFF00] =	vst v3  }
0x239: {  	v3 =	vld [tilespmem:s13+$0xFFFFFF90];
	[tilespmem:s7+$0xFFFFFF90] =	vst v1  }
0x23a: {  	[tilespmem:s7+$0x90] =	vst v0;
	v1 =	vld [tilespmem:s13+$0xFFFFFFE0]  }
0x23b: {  	[tilespmem:s7+$0x10] =	vst v2;
	v0 =	vld [tilespmem:s13+$0x60]  }
0x23c: {  	s12 =	simm.s32 $0xFD00;
	v2 =	vld [tilespmem:s13+$0x20]  }
0x23d: {  	v5 =	vld [tilespmem:s8+$0xFFFFFFC0];
	[tilespmem:s12+$0x80] =	vst v4  }
0x23e: {  	v4 =	vld [tilespmem:s8+$0x50];
	[tilespmem:s7+$0xFFFFFF10] =	vst v3  }
0x23f: {  	[tilespmem:s7+$0xFFFFFFA0] =	vst v1;
	v1 =	vld [tilespmem:s8+$0x0]  }
0x240: {  	v3 =	vld [tilespmem:s8+$0xFFFFFF80];
	[tilespmem:s7+$0xA0] =	vst v0  }
0x241: {  	[tilespmem:s7+$0x20] =	vst v2;
	v2 =	vld [tilespmem:s13+$0xFFFFFFA0]  }
0x242: {  	[tilespmem:s12+$0xFFFFFF80] =	vst v5;
	v0 =	vld [tilespmem:s13+$0x70]  }
0x243: {  	v5 =	vld [tilespmem:s8+$0xFFFFFFD0];
	[tilespmem:s12+$0x90] =	vst v4  }
0x244: {  	[tilespmem:s12+$0x0] =	vst v1;
	v1 =	vld [tilespmem:s13+$0xFFFFFFF0]  }
0x245: {  	[tilespmem:s12+$0xFFFFFF00] =	vst v3;
	v6 =	vld [tilespmem:s8+$0x10]  }
0x246: {  	v7 =	vld [tilespmem:s8+$0xFFFFFF90];
	[tilespmem:s7+$0xFFFFFF20] =	vst v2  }
0x247: {  	[tilespmem:s7+$0xB0] =	vst v0;
	v0 =	vld [tilespmem:s13+$0xFFFFFFB0]  }
0x248: {  	[tilespmem:s12+$0xFFFFFF90] =	vst v5;
	v2 =	vld [tilespmem:s8+$0x60]  }
0x249: {  	v3 =	vld [tilespmem:s8+$0xFFFFFFE0];
	[tilespmem:s7+$0xFFFFFFB0] =	vst v1  }
0x24a: {  	v1 =	vld [tilespmem:s13+$0x30];
	[tilespmem:s12+$0x10] =	vst v6  }
0x24b: {  	s14 =	simm.s32 $0xCA80;
	[tilespmem:s12+$0xFFFFFF10] =	vst v7;
	s13 =	simm.s32 $0x4;
	v4 =	vld [tilespmem:s8+$0x20]  }
.LBB2_20:
0x24c: {  	v5 =	vld [tilespmem:s14+$0x40];
	s13 =	sadd.s32 $0x4, s13;
	[tilespmem:s7+$0xFFFFFF30] =	vst v0  }
0x24d: {  	v0 =	vld [tilespmem:s14+$0xFFFFFFC0];
	p0 =	slt.u32 s13, $0xC4;
	[tilespmem:s12+$0xA0] =	vst v2  }
0x24e: {  	[tilespmem:s12+$0xFFFFFFA0] =	vst v3;
	v2 =	vld [tilespmem:s8+$0x70]  }
0x24f: {  	v3 =	vld [tilespmem:s14+$0x0];
	[tilespmem:s7+$0x30] =	vst v1;
	s7 =	smov.u32 s12  }
0x250: {  	s12 =	sadd.s32 $0x200, s12;
	v1 =	vld [tilespmem:s14+$0xFFFFFF80];
	[tilespmem:s7+$0x20] =	vst v4  }
0x251: {  	[tilespmem:s12+$0x80] =	vst v5;
	v4 =	vld [tilespmem:s8+$0xFFFFFFA0]  }
0x252: {  	[tilespmem:s12+$0xFFFFFF80] =	vst v0;
	v0 =	vld [tilespmem:s14+$0x50]  }
0x253: {  	v5 =	vld [tilespmem:s14+$0xFFFFFFD0];
	[tilespmem:s7+$0xB0] =	vst v2  }
0x254: {  	[tilespmem:s12+$0x0] =	vst v3;
	v6 =	vld [tilespmem:s8+$0xFFFFFFF0]  }
0x255: {  	[tilespmem:s12+$0xFFFFFF00] =	vst v1;
	v1 =	vld [tilespmem:s14+$0x10]  }
0x256: {  	v7 =	vld [tilespmem:s14+$0xFFFFFF90];
	[tilespmem:s7+$0xFFFFFF20] =	vst v4  }
.Ltmp9:
0x257: {  	[tilespmem:s12+$0x90] =	vst v0;
	v0 =	vld [tilespmem:s8+$0xFFFFFFB0];
	(pc) =	sbr.rel @p0 .LBB2_20-.Ltmp9, $4  }
0x258: {  	[tilespmem:s12+$0xFFFFFF90] =	vst v5;
	v2 =	vld [tilespmem:s14+$0x60]  }
0x259: {  	v3 =	vld [tilespmem:s14+$0xFFFFFFE0];
	[tilespmem:s7+$0xFFFFFFB0] =	vst v6  }
0x25a: {  	[tilespmem:s12+$0x10] =	vst v1;
	v1 =	vld [tilespmem:s8+$0x30];
	s8 =	smov.u32 s14  }
0x25b: {  	s14 =	sadd.s32 $0x100, s14;
	[tilespmem:s12+$0xFFFFFF10] =	vst v7;
	v4 =	vld [tilespmem:s8+$0x20]  }
0x25c: {  	v5 =	vld [tilespmem:s8+$0xFFFFFFA0]  }
0x25d: {  	[tilespmem:s7+$0xFFFFFF30] =	vst v0  }
0x25e: {  	[tilespmem:s12+$0xA0] =	vst v2  }
0x25f: {  	[tilespmem:s12+$0xFFFFFFA0] =	vst v3;
	v2 =	vld [tilespmem:s8+$0x70]  }
0x260: {  	v3 =	vld [tilespmem:s8+$0xFFFFFFF0];
	[tilespmem:s12+$0x20] =	vst v4  }
0x261: {  	[tilespmem:s12+$0xFFFFFF20] =	vst v5;
	v0 =	vld [tilespmem:s8+$0x30]  }
0x262: {  	v4 =	vld [tilespmem:s8+$0xFFFFFFB0]  }
0x263: {  	[tilespmem:s7+$0x30] =	vst v1  }
0x264: {  	[tilespmem:s12+$0xB0] =	vst v2  }
0x265: {  	[tilespmem:s12+$0xFFFFFFB0] =	vst v3  }
0x266: {  	[tilespmem:s12+$0x30] =	vst v0  }
0x267: {  	[tilespmem:s12+$0xFFFFFF30] =	vst v4  }
0x268: {  	s7 =	rddreg [dreg:$0x6]  }
0x269: {  	[hbm4b:s7+s3] =	stream.linear.scatter [tilespmem:s26], [sflag:$0x4], $0x6400, $0x38;
	[tilespmem:$0x1C200] =	vst v63  }
0x26a: {  	s28 =	simm.s32 $0x61A8  }
0x26b: {  	[tilespmem:s24], [sflag:$0x3] =	stream.indirect.gather [hbm4b:s4+s20], $0x40, s28, s20, $0xb8;
	[tilespmem:$0x1C200] =	vst v63  }
0x26c: {  	_ =	swait.ge [sflag:s25], $0x3200  }
0x26d: {  	[sflag:s25] =	ssyncset.done $0x0  }
0x26e: {  	[sflag:s25] =	ssyncadd.s32 $0xFFFFCE00  }
0x26f: {  	_ =	swait.ge [sflag:s23], $0x6400  }
0x270: {  	[sflag:s23] =	ssyncset.done $0x0  }
0x271: {  	s13 =	simm.s32 $0x6480;
	[sflag:s23] =	ssyncadd.s32 $0xFFFF9C00  }
0x272: {  	v1 =	vld [tilespmem:s13+$0xFFFFFFC0]  }
0x273: {  	v0 =	vld [tilespmem:s13+$0x40]  }
0x274: {  	v2 =	vld [tilespmem:s13+$0x0];
	_ =	sdelay $0x1  }
0x275: {  	s7 =	simm.s32 $0x15F00  }
0x276: {  	v3 =	vld [tilespmem:s13+$0xFFFFFF80];
	[tilespmem:s7+$0xFFFFFF80] =	vst v1  }
0x277: {  	[tilespmem:s7+$0x80] =	vst v0;
	v1 =	vld [tilespmem:s13+$0xFFFFFFD0]  }
0x278: {  	[tilespmem:s7+$0x0] =	vst v2;
	v0 =	vld [tilespmem:s13+$0x50]  }
0x279: {  	v2 =	vld [tilespmem:s13+$0x10]  }
0x27a: {  	s8 =	simm.s32 $0x6580  }
0x27b: {  	v4 =	vld [tilespmem:s8+$0x40];
	[tilespmem:s7+$0xFFFFFF00] =	vst v3  }
0x27c: {  	v3 =	vld [tilespmem:s13+$0xFFFFFF90];
	[tilespmem:s7+$0xFFFFFF90] =	vst v1  }
0x27d: {  	[tilespmem:s7+$0x90] =	vst v0;
	v1 =	vld [tilespmem:s13+$0xFFFFFFE0]  }
0x27e: {  	[tilespmem:s7+$0x10] =	vst v2;
	v0 =	vld [tilespmem:s13+$0x60]  }
0x27f: {  	s12 =	simm.s32 $0x16100;
	v2 =	vld [tilespmem:s13+$0x20]  }
0x280: {  	v5 =	vld [tilespmem:s8+$0xFFFFFFC0];
	[tilespmem:s12+$0x80] =	vst v4  }
0x281: {  	v4 =	vld [tilespmem:s8+$0x50];
	[tilespmem:s7+$0xFFFFFF10] =	vst v3  }
0x282: {  	[tilespmem:s7+$0xFFFFFFA0] =	vst v1;
	v1 =	vld [tilespmem:s8+$0x0]  }
0x283: {  	v3 =	vld [tilespmem:s8+$0xFFFFFF80];
	[tilespmem:s7+$0xA0] =	vst v0  }
0x284: {  	[tilespmem:s7+$0x20] =	vst v2;
	v2 =	vld [tilespmem:s13+$0xFFFFFFA0]  }
0x285: {  	[tilespmem:s12+$0xFFFFFF80] =	vst v5;
	v0 =	vld [tilespmem:s13+$0x70]  }
0x286: {  	v5 =	vld [tilespmem:s8+$0xFFFFFFD0];
	[tilespmem:s12+$0x90] =	vst v4  }
0x287: {  	[tilespmem:s12+$0x0] =	vst v1;
	v1 =	vld [tilespmem:s13+$0xFFFFFFF0]  }
0x288: {  	[tilespmem:s12+$0xFFFFFF00] =	vst v3;
	v6 =	vld [tilespmem:s8+$0x10]  }
0x289: {  	v7 =	vld [tilespmem:s8+$0xFFFFFF90];
	[tilespmem:s7+$0xFFFFFF20] =	vst v2  }
0x28a: {  	[tilespmem:s7+$0xB0] =	vst v0;
	v0 =	vld [tilespmem:s13+$0xFFFFFFB0]  }
0x28b: {  	[tilespmem:s12+$0xFFFFFF90] =	vst v5;
	v2 =	vld [tilespmem:s8+$0x60]  }
0x28c: {  	v3 =	vld [tilespmem:s8+$0xFFFFFFE0];
	[tilespmem:s7+$0xFFFFFFB0] =	vst v1  }
0x28d: {  	v1 =	vld [tilespmem:s13+$0x30];
	[tilespmem:s12+$0x10] =	vst v6  }
0x28e: {  	s14 =	simm.s32 $0x6680;
	[tilespmem:s12+$0xFFFFFF10] =	vst v7;
	s13 =	simm.s32 $0x4;
	v4 =	vld [tilespmem:s8+$0x20]  }
.LBB2_22:
0x28f: {  	v5 =	vld [tilespmem:s14+$0x40];
	s13 =	sadd.s32 $0x4, s13;
	[tilespmem:s7+$0xFFFFFF30] =	vst v0  }
0x290: {  	v0 =	vld [tilespmem:s14+$0xFFFFFFC0];
	p0 =	slt.u32 s13, $0xC4;
	[tilespmem:s12+$0xA0] =	vst v2  }
0x291: {  	[tilespmem:s12+$0xFFFFFFA0] =	vst v3;
	v2 =	vld [tilespmem:s8+$0x70]  }
0x292: {  	v3 =	vld [tilespmem:s14+$0x0];
	[tilespmem:s7+$0x30] =	vst v1;
	s7 =	smov.u32 s12  }
0x293: {  	s12 =	sadd.s32 $0x200, s12;
	v1 =	vld [tilespmem:s14+$0xFFFFFF80];
	[tilespmem:s7+$0x20] =	vst v4  }
0x294: {  	[tilespmem:s12+$0x80] =	vst v5;
	v4 =	vld [tilespmem:s8+$0xFFFFFFA0]  }
0x295: {  	[tilespmem:s12+$0xFFFFFF80] =	vst v0;
	v0 =	vld [tilespmem:s14+$0x50]  }
0x296: {  	v5 =	vld [tilespmem:s14+$0xFFFFFFD0];
	[tilespmem:s7+$0xB0] =	vst v2  }
0x297: {  	[tilespmem:s12+$0x0] =	vst v3;
	v6 =	vld [tilespmem:s8+$0xFFFFFFF0]  }
0x298: {  	[tilespmem:s12+$0xFFFFFF00] =	vst v1;
	v1 =	vld [tilespmem:s14+$0x10]  }
0x299: {  	v7 =	vld [tilespmem:s14+$0xFFFFFF90];
	[tilespmem:s7+$0xFFFFFF20] =	vst v4  }
.Ltmp10:
0x29a: {  	[tilespmem:s12+$0x90] =	vst v0;
	v0 =	vld [tilespmem:s8+$0xFFFFFFB0];
	(pc) =	sbr.rel @p0 .LBB2_22-.Ltmp10, $4  }
0x29b: {  	[tilespmem:s12+$0xFFFFFF90] =	vst v5;
	v2 =	vld [tilespmem:s14+$0x60]  }
0x29c: {  	v3 =	vld [tilespmem:s14+$0xFFFFFFE0];
	[tilespmem:s7+$0xFFFFFFB0] =	vst v6  }
0x29d: {  	[tilespmem:s12+$0x10] =	vst v1;
	v1 =	vld [tilespmem:s8+$0x30];
	s8 =	smov.u32 s14  }
0x29e: {  	s14 =	sadd.s32 $0x100, s14;
	[tilespmem:s12+$0xFFFFFF10] =	vst v7;
	v4 =	vld [tilespmem:s8+$0x20]  }
0x29f: {  	v5 =	vld [tilespmem:s8+$0xFFFFFFA0]  }
0x2a0: {  	[tilespmem:s7+$0xFFFFFF30] =	vst v0  }
0x2a1: {  	[tilespmem:s12+$0xA0] =	vst v2  }
0x2a2: {  	[tilespmem:s12+$0xFFFFFFA0] =	vst v3;
	v2 =	vld [tilespmem:s8+$0x70]  }
0x2a3: {  	v3 =	vld [tilespmem:s8+$0xFFFFFFF0];
	[tilespmem:s12+$0x20] =	vst v4  }
0x2a4: {  	[tilespmem:s12+$0xFFFFFF20] =	vst v5;
	v0 =	vld [tilespmem:s8+$0x30]  }
0x2a5: {  	v4 =	vld [tilespmem:s8+$0xFFFFFFB0]  }
0x2a6: {  	[tilespmem:s7+$0x30] =	vst v1  }
0x2a7: {  	[tilespmem:s12+$0xB0] =	vst v2  }
0x2a8: {  	[tilespmem:s12+$0xFFFFFFB0] =	vst v3  }
0x2a9: {  	[tilespmem:s12+$0x30] =	vst v0  }
0x2aa: {  	[tilespmem:s12+$0xFFFFFF30] =	vst v4  }
0x2ab: {  	s7 =	rddreg [dreg:$0x7]  }
0x2ac: {  	[hbm4b:s7+s3] =	stream.linear.scatter [tilespmem:s30], [sflag:$0x5], $0x6400, $0x38;
	[tilespmem:$0x1C200] =	vst v63  }
0x2ad: {  	s28 =	simm.s32 $0x6270  }
0x2ae: {  	[tilespmem:s21], [sflag:$0x1] =	stream.indirect.gather [hbm4b:s4+s20], $0x40, s28, s20, $0xb8;
	[tilespmem:$0x1C200] =	vst v63  }
0x2af: {  	_ =	swait.ge [sflag:s29], $0x3200  }
0x2b0: {  	[sflag:s29] =	ssyncset.done $0x0  }
0x2b1: {  	[sflag:s29] =	ssyncadd.s32 $0xFFFFCE00  }
0x2b2: {  	_ =	swait.ge [sflag:s0], $0x6400  }
0x2b3: {  	[sflag:s0] =	ssyncset.done $0x0  }
0x2b4: {  	s13 =	simm.s32 $0x9680;
	[sflag:s0] =	ssyncadd.s32 $0xFFFF9C00  }
0x2b5: {  	v1 =	vld [tilespmem:s13+$0xFFFFFFC0]  }
0x2b6: {  	v0 =	vld [tilespmem:s13+$0x40]  }
0x2b7: {  	v2 =	vld [tilespmem:s13+$0x0];
	_ =	sdelay $0x1  }
0x2b8: {  	s7 =	simm.s32 $0xFB00  }
0x2b9: {  	v3 =	vld [tilespmem:s13+$0xFFFFFF80];
	[tilespmem:s7+$0xFFFFFF80] =	vst v1  }
0x2ba: {  	[tilespmem:s7+$0x80] =	vst v0;
	v1 =	vld [tilespmem:s13+$0xFFFFFFD0]  }
0x2bb: {  	[tilespmem:s7+$0x0] =	vst v2;
	v0 =	vld [tilespmem:s13+$0x50]  }
0x2bc: {  	v2 =	vld [tilespmem:s13+$0x10]  }
0x2bd: {  	s8 =	simm.s32 $0x9780  }
0x2be: {  	v4 =	vld [tilespmem:s8+$0x40];
	[tilespmem:s7+$0xFFFFFF00] =	vst v3  }
0x2bf: {  	v3 =	vld [tilespmem:s13+$0xFFFFFF90];
	[tilespmem:s7+$0xFFFFFF90] =	vst v1  }
0x2c0: {  	[tilespmem:s7+$0x90] =	vst v0;
	v1 =	vld [tilespmem:s13+$0xFFFFFFE0]  }
0x2c1: {  	[tilespmem:s7+$0x10] =	vst v2;
	v0 =	vld [tilespmem:s13+$0x60]  }
0x2c2: {  	s12 =	simm.s32 $0xFD00;
	v2 =	vld [tilespmem:s13+$0x20]  }
0x2c3: {  	v5 =	vld [tilespmem:s8+$0xFFFFFFC0];
	[tilespmem:s12+$0x80] =	vst v4  }
0x2c4: {  	v4 =	vld [tilespmem:s8+$0x50];
	[tilespmem:s7+$0xFFFFFF10] =	vst v3  }
0x2c5: {  	[tilespmem:s7+$0xFFFFFFA0] =	vst v1;
	v1 =	vld [tilespmem:s8+$0x0]  }
0x2c6: {  	v3 =	vld [tilespmem:s8+$0xFFFFFF80];
	[tilespmem:s7+$0xA0] =	vst v0  }
0x2c7: {  	[tilespmem:s7+$0x20] =	vst v2;
	v2 =	vld [tilespmem:s13+$0xFFFFFFA0]  }
0x2c8: {  	[tilespmem:s12+$0xFFFFFF80] =	vst v5;
	v0 =	vld [tilespmem:s13+$0x70]  }
0x2c9: {  	v5 =	vld [tilespmem:s8+$0xFFFFFFD0];
	[tilespmem:s12+$0x90] =	vst v4  }
0x2ca: {  	[tilespmem:s12+$0x0] =	vst v1;
	v1 =	vld [tilespmem:s13+$0xFFFFFFF0]  }
0x2cb: {  	[tilespmem:s12+$0xFFFFFF00] =	vst v3;
	v6 =	vld [tilespmem:s8+$0x10]  }
0x2cc: {  	v7 =	vld [tilespmem:s8+$0xFFFFFF90];
	[tilespmem:s7+$0xFFFFFF20] =	vst v2  }
0x2cd: {  	[tilespmem:s7+$0xB0] =	vst v0;
	v0 =	vld [tilespmem:s13+$0xFFFFFFB0]  }
0x2ce: {  	[tilespmem:s12+$0xFFFFFF90] =	vst v5;
	v2 =	vld [tilespmem:s8+$0x60]  }
0x2cf: {  	v3 =	vld [tilespmem:s8+$0xFFFFFFE0];
	[tilespmem:s7+$0xFFFFFFB0] =	vst v1  }
0x2d0: {  	v1 =	vld [tilespmem:s13+$0x30];
	[tilespmem:s12+$0x10] =	vst v6  }
0x2d1: {  	s14 =	simm.s32 $0x9880;
	[tilespmem:s12+$0xFFFFFF10] =	vst v7;
	s13 =	simm.s32 $0x4;
	v4 =	vld [tilespmem:s8+$0x20]  }
.LBB2_24:
0x2d2: {  	v5 =	vld [tilespmem:s14+$0x40];
	s13 =	sadd.s32 $0x4, s13;
	[tilespmem:s7+$0xFFFFFF30] =	vst v0  }
0x2d3: {  	v0 =	vld [tilespmem:s14+$0xFFFFFFC0];
	p0 =	slt.u32 s13, $0xC4;
	[tilespmem:s12+$0xA0] =	vst v2  }
0x2d4: {  	[tilespmem:s12+$0xFFFFFFA0] =	vst v3;
	v2 =	vld [tilespmem:s8+$0x70]  }
0x2d5: {  	v3 =	vld [tilespmem:s14+$0x0];
	[tilespmem:s7+$0x30] =	vst v1;
	s7 =	smov.u32 s12  }
0x2d6: {  	s12 =	sadd.s32 $0x200, s12;
	v1 =	vld [tilespmem:s14+$0xFFFFFF80];
	[tilespmem:s7+$0x20] =	vst v4  }
0x2d7: {  	[tilespmem:s12+$0x80] =	vst v5;
	v4 =	vld [tilespmem:s8+$0xFFFFFFA0]  }
0x2d8: {  	[tilespmem:s12+$0xFFFFFF80] =	vst v0;
	v0 =	vld [tilespmem:s14+$0x50]  }
0x2d9: {  	v5 =	vld [tilespmem:s14+$0xFFFFFFD0];
	[tilespmem:s7+$0xB0] =	vst v2  }
0x2da: {  	[tilespmem:s12+$0x0] =	vst v3;
	v6 =	vld [tilespmem:s8+$0xFFFFFFF0]  }
0x2db: {  	[tilespmem:s12+$0xFFFFFF00] =	vst v1;
	v1 =	vld [tilespmem:s14+$0x10]  }
0x2dc: {  	v7 =	vld [tilespmem:s14+$0xFFFFFF90];
	[tilespmem:s7+$0xFFFFFF20] =	vst v4  }
.Ltmp11:
0x2dd: {  	[tilespmem:s12+$0x90] =	vst v0;
	v0 =	vld [tilespmem:s8+$0xFFFFFFB0];
	(pc) =	sbr.rel @p0 .LBB2_24-.Ltmp11, $4  }
0x2de: {  	[tilespmem:s12+$0xFFFFFF90] =	vst v5;
	v2 =	vld [tilespmem:s14+$0x60]  }
0x2df: {  	v3 =	vld [tilespmem:s14+$0xFFFFFFE0];
	[tilespmem:s7+$0xFFFFFFB0] =	vst v6  }
0x2e0: {  	[tilespmem:s12+$0x10] =	vst v1;
	v1 =	vld [tilespmem:s8+$0x30];
	s8 =	smov.u32 s14  }
0x2e1: {  	s14 =	sadd.s32 $0x100, s14;
	[tilespmem:s12+$0xFFFFFF10] =	vst v7;
	v4 =	vld [tilespmem:s8+$0x20]  }
0x2e2: {  	v5 =	vld [tilespmem:s8+$0xFFFFFFA0]  }
0x2e3: {  	[tilespmem:s7+$0xFFFFFF30] =	vst v0  }
0x2e4: {  	[tilespmem:s12+$0xA0] =	vst v2  }
0x2e5: {  	[tilespmem:s12+$0xFFFFFFA0] =	vst v3;
	v2 =	vld [tilespmem:s8+$0x70]  }
0x2e6: {  	v3 =	vld [tilespmem:s8+$0xFFFFFFF0];
	[tilespmem:s12+$0x20] =	vst v4  }
0x2e7: {  	[tilespmem:s12+$0xFFFFFF20] =	vst v5;
	v0 =	vld [tilespmem:s8+$0x30]  }
0x2e8: {  	v4 =	vld [tilespmem:s8+$0xFFFFFFB0]  }
0x2e9: {  	[tilespmem:s7+$0x30] =	vst v1  }
0x2ea: {  	[tilespmem:s12+$0xB0] =	vst v2  }
0x2eb: {  	[tilespmem:s12+$0xFFFFFFB0] =	vst v3  }
0x2ec: {  	[tilespmem:s12+$0x30] =	vst v0  }
0x2ed: {  	[tilespmem:s12+$0xFFFFFF30] =	vst v4  }
0x2ee: {  	s7 =	rddreg [dreg:$0x8]  }
0x2ef: {  	[hbm4b:s7+s3] =	stream.linear.scatter [tilespmem:s26], [sflag:$0x4], $0x6400, $0x38;
	[tilespmem:$0x1C200] =	vst v63  }
0x2f0: {  	s28 =	simm.s32 $0x6338  }
0x2f1: {  	[tilespmem:s22], [sflag:$0x2] =	stream.indirect.gather [hbm4b:s4+s20], $0x40, s28, s20, $0xb8;
	[tilespmem:$0x1C200] =	vst v63  }
0x2f2: {  	_ =	swait.ge [sflag:s1], $0x3200  }
0x2f3: {  	[sflag:s1] =	ssyncset.done $0x0  }
0x2f4: {  	[sflag:s1] =	ssyncadd.s32 $0xFFFFCE00  }
0x2f5: {  	_ =	swait.ge [sflag:s23], $0x6400  }
0x2f6: {  	[sflag:s23] =	ssyncset.done $0x0  }
0x2f7: {  	s13 =	simm.s32 $0xC880;
	[sflag:s23] =	ssyncadd.s32 $0xFFFF9C00  }
0x2f8: {  	v1 =	vld [tilespmem:s13+$0xFFFFFFC0]  }
0x2f9: {  	v0 =	vld [tilespmem:s13+$0x40]  }
0x2fa: {  	v2 =	vld [tilespmem:s13+$0x0];
	_ =	sdelay $0x1  }
0x2fb: {  	s7 =	simm.s32 $0x15F00  }
0x2fc: {  	v3 =	vld [tilespmem:s13+$0xFFFFFF80];
	[tilespmem:s7+$0xFFFFFF80] =	vst v1  }
0x2fd: {  	[tilespmem:s7+$0x80] =	vst v0;
	v1 =	vld [tilespmem:s13+$0xFFFFFFD0]  }
0x2fe: {  	[tilespmem:s7+$0x0] =	vst v2;
	v0 =	vld [tilespmem:s13+$0x50]  }
0x2ff: {  	v2 =	vld [tilespmem:s13+$0x10]  }
0x300: {  	s8 =	simm.s32 $0xC980  }
0x301: {  	v4 =	vld [tilespmem:s8+$0x40];
	[tilespmem:s7+$0xFFFFFF00] =	vst v3  }
0x302: {  	v3 =	vld [tilespmem:s13+$0xFFFFFF90];
	[tilespmem:s7+$0xFFFFFF90] =	vst v1  }
0x303: {  	[tilespmem:s7+$0x90] =	vst v0;
	v1 =	vld [tilespmem:s13+$0xFFFFFFE0]  }
0x304: {  	[tilespmem:s7+$0x10] =	vst v2;
	v0 =	vld [tilespmem:s13+$0x60]  }
0x305: {  	s12 =	simm.s32 $0x16100;
	v2 =	vld [tilespmem:s13+$0x20]  }
0x306: {  	v5 =	vld [tilespmem:s8+$0xFFFFFFC0];
	[tilespmem:s12+$0x80] =	vst v4  }
0x307: {  	v4 =	vld [tilespmem:s8+$0x50];
	[tilespmem:s7+$0xFFFFFF10] =	vst v3  }
0x308: {  	[tilespmem:s7+$0xFFFFFFA0] =	vst v1;
	v1 =	vld [tilespmem:s8+$0x0]  }
0x309: {  	v3 =	vld [tilespmem:s8+$0xFFFFFF80];
	[tilespmem:s7+$0xA0] =	vst v0  }
0x30a: {  	[tilespmem:s7+$0x20] =	vst v2;
	v2 =	vld [tilespmem:s13+$0xFFFFFFA0]  }
0x30b: {  	[tilespmem:s12+$0xFFFFFF80] =	vst v5;
	v0 =	vld [tilespmem:s13+$0x70]  }
0x30c: {  	v5 =	vld [tilespmem:s8+$0xFFFFFFD0];
	[tilespmem:s12+$0x90] =	vst v4  }
0x30d: {  	[tilespmem:s12+$0x0] =	vst v1;
	v1 =	vld [tilespmem:s13+$0xFFFFFFF0]  }
0x30e: {  	[tilespmem:s12+$0xFFFFFF00] =	vst v3;
	v6 =	vld [tilespmem:s8+$0x10]  }
0x30f: {  	v7 =	vld [tilespmem:s8+$0xFFFFFF90];
	[tilespmem:s7+$0xFFFFFF20] =	vst v2  }
0x310: {  	[tilespmem:s7+$0xB0] =	vst v0;
	v0 =	vld [tilespmem:s13+$0xFFFFFFB0]  }
0x311: {  	[tilespmem:s12+$0xFFFFFF90] =	vst v5;
	v2 =	vld [tilespmem:s8+$0x60]  }
0x312: {  	v3 =	vld [tilespmem:s8+$0xFFFFFFE0];
	[tilespmem:s7+$0xFFFFFFB0] =	vst v1  }
0x313: {  	v1 =	vld [tilespmem:s13+$0x30];
	[tilespmem:s12+$0x10] =	vst v6  }
0x314: {  	s14 =	simm.s32 $0xCA80;
	[tilespmem:s12+$0xFFFFFF10] =	vst v7;
	s13 =	simm.s32 $0x4;
	v4 =	vld [tilespmem:s8+$0x20]  }
.LBB2_26:
0x315: {  	v5 =	vld [tilespmem:s14+$0x40];
	s13 =	sadd.s32 $0x4, s13;
	[tilespmem:s7+$0xFFFFFF30] =	vst v0  }
0x316: {  	v0 =	vld [tilespmem:s14+$0xFFFFFFC0];
	p0 =	slt.u32 s13, $0xC4;
	[tilespmem:s12+$0xA0] =	vst v2  }
0x317: {  	[tilespmem:s12+$0xFFFFFFA0] =	vst v3;
	v2 =	vld [tilespmem:s8+$0x70]  }
0x318: {  	v3 =	vld [tilespmem:s14+$0x0];
	[tilespmem:s7+$0x30] =	vst v1;
	s7 =	smov.u32 s12  }
0x319: {  	s12 =	sadd.s32 $0x200, s12;
	v1 =	vld [tilespmem:s14+$0xFFFFFF80];
	[tilespmem:s7+$0x20] =	vst v4  }
0x31a: {  	[tilespmem:s12+$0x80] =	vst v5;
	v4 =	vld [tilespmem:s8+$0xFFFFFFA0]  }
0x31b: {  	[tilespmem:s12+$0xFFFFFF80] =	vst v0;
	v0 =	vld [tilespmem:s14+$0x50]  }
0x31c: {  	v5 =	vld [tilespmem:s14+$0xFFFFFFD0];
	[tilespmem:s7+$0xB0] =	vst v2  }
0x31d: {  	[tilespmem:s12+$0x0] =	vst v3;
	v6 =	vld [tilespmem:s8+$0xFFFFFFF0]  }
0x31e: {  	[tilespmem:s12+$0xFFFFFF00] =	vst v1;
	v1 =	vld [tilespmem:s14+$0x10]  }
0x31f: {  	v7 =	vld [tilespmem:s14+$0xFFFFFF90];
	[tilespmem:s7+$0xFFFFFF20] =	vst v4  }
.Ltmp12:
0x320: {  	[tilespmem:s12+$0x90] =	vst v0;
	v0 =	vld [tilespmem:s8+$0xFFFFFFB0];
	(pc) =	sbr.rel @p0 .LBB2_26-.Ltmp12, $4  }
0x321: {  	[tilespmem:s12+$0xFFFFFF90] =	vst v5;
	v2 =	vld [tilespmem:s14+$0x60]  }
0x322: {  	v3 =	vld [tilespmem:s14+$0xFFFFFFE0];
	[tilespmem:s7+$0xFFFFFFB0] =	vst v6  }
0x323: {  	[tilespmem:s12+$0x10] =	vst v1;
	v1 =	vld [tilespmem:s8+$0x30];
	s8 =	smov.u32 s14  }
0x324: {  	s14 =	sadd.s32 $0x100, s14;
	[tilespmem:s12+$0xFFFFFF10] =	vst v7;
	v4 =	vld [tilespmem:s8+$0x20]  }
0x325: {  	v5 =	vld [tilespmem:s8+$0xFFFFFFA0]  }
0x326: {  	[tilespmem:s7+$0xFFFFFF30] =	vst v0  }
0x327: {  	[tilespmem:s12+$0xA0] =	vst v2  }
0x328: {  	[tilespmem:s12+$0xFFFFFFA0] =	vst v3;
	v2 =	vld [tilespmem:s8+$0x70]  }
0x329: {  	v3 =	vld [tilespmem:s8+$0xFFFFFFF0];
	[tilespmem:s12+$0x20] =	vst v4  }
0x32a: {  	[tilespmem:s12+$0xFFFFFF20] =	vst v5;
	v0 =	vld [tilespmem:s8+$0x30]  }
0x32b: {  	v4 =	vld [tilespmem:s8+$0xFFFFFFB0]  }
0x32c: {  	[tilespmem:s7+$0x30] =	vst v1  }
0x32d: {  	[tilespmem:s12+$0xB0] =	vst v2  }
0x32e: {  	[tilespmem:s12+$0xFFFFFFB0] =	vst v3  }
0x32f: {  	[tilespmem:s12+$0x30] =	vst v0  }
0x330: {  	[tilespmem:s12+$0xFFFFFF30] =	vst v4  }
0x331: {  	s7 =	rddreg [dreg:$0x9]  }
0x332: {  	[hbm4b:s7+s3] =	stream.linear.scatter [tilespmem:s30], [sflag:$0x5], $0x6400, $0x38;
	[tilespmem:$0x1C200] =	vst v63  }
0x333: {  	_ =	swait.ge [sflag:s25], $0x3200  }
0x334: {  	[sflag:s25] =	ssyncset.done $0x0  }
0x335: {  	[sflag:s25] =	ssyncadd.s32 $0xFFFFCE00  }
0x336: {  	_ =	swait.ge [sflag:s0], $0x6400  }
0x337: {  	[sflag:s0] =	ssyncset.done $0x0  }
0x338: {  	s13 =	simm.s32 $0x6480;
	[sflag:s0] =	ssyncadd.s32 $0xFFFF9C00  }
0x339: {  	v1 =	vld [tilespmem:s13+$0xFFFFFFC0]  }
0x33a: {  	v0 =	vld [tilespmem:s13+$0x40]  }
0x33b: {  	v2 =	vld [tilespmem:s13+$0x0];
	_ =	sdelay $0x1  }
0x33c: {  	s7 =	simm.s32 $0xFB00  }
0x33d: {  	v3 =	vld [tilespmem:s13+$0xFFFFFF80];
	[tilespmem:s7+$0xFFFFFF80] =	vst v1  }
0x33e: {  	[tilespmem:s7+$0x80] =	vst v0;
	v1 =	vld [tilespmem:s13+$0xFFFFFFD0]  }
0x33f: {  	[tilespmem:s7+$0x0] =	vst v2;
	v0 =	vld [tilespmem:s13+$0x50]  }
0x340: {  	v2 =	vld [tilespmem:s13+$0x10]  }
0x341: {  	s8 =	simm.s32 $0x6580  }
0x342: {  	v4 =	vld [tilespmem:s8+$0x40];
	[tilespmem:s7+$0xFFFFFF00] =	vst v3  }
0x343: {  	v3 =	vld [tilespmem:s13+$0xFFFFFF90];
	[tilespmem:s7+$0xFFFFFF90] =	vst v1  }
0x344: {  	[tilespmem:s7+$0x90] =	vst v0;
	v1 =	vld [tilespmem:s13+$0xFFFFFFE0]  }
0x345: {  	[tilespmem:s7+$0x10] =	vst v2;
	v0 =	vld [tilespmem:s13+$0x60]  }
0x346: {  	s12 =	simm.s32 $0xFD00;
	v2 =	vld [tilespmem:s13+$0x20]  }
0x347: {  	v5 =	vld [tilespmem:s8+$0xFFFFFFC0];
	[tilespmem:s12+$0x80] =	vst v4  }
0x348: {  	v4 =	vld [tilespmem:s8+$0x50];
	[tilespmem:s7+$0xFFFFFF10] =	vst v3  }
0x349: {  	[tilespmem:s7+$0xFFFFFFA0] =	vst v1;
	v1 =	vld [tilespmem:s8+$0x0]  }
0x34a: {  	v3 =	vld [tilespmem:s8+$0xFFFFFF80];
	[tilespmem:s7+$0xA0] =	vst v0  }
0x34b: {  	[tilespmem:s7+$0x20] =	vst v2;
	v2 =	vld [tilespmem:s13+$0xFFFFFFA0]  }
0x34c: {  	[tilespmem:s12+$0xFFFFFF80] =	vst v5;
	v0 =	vld [tilespmem:s13+$0x70]  }
0x34d: {  	v5 =	vld [tilespmem:s8+$0xFFFFFFD0];
	[tilespmem:s12+$0x90] =	vst v4  }
0x34e: {  	[tilespmem:s12+$0x0] =	vst v1;
	v1 =	vld [tilespmem:s13+$0xFFFFFFF0]  }
0x34f: {  	[tilespmem:s12+$0xFFFFFF00] =	vst v3;
	v6 =	vld [tilespmem:s8+$0x10]  }
0x350: {  	v7 =	vld [tilespmem:s8+$0xFFFFFF90];
	[tilespmem:s7+$0xFFFFFF20] =	vst v2  }
0x351: {  	[tilespmem:s7+$0xB0] =	vst v0;
	v0 =	vld [tilespmem:s13+$0xFFFFFFB0]  }
0x352: {  	[tilespmem:s12+$0xFFFFFF90] =	vst v5;
	v2 =	vld [tilespmem:s8+$0x60]  }
0x353: {  	v3 =	vld [tilespmem:s8+$0xFFFFFFE0];
	[tilespmem:s7+$0xFFFFFFB0] =	vst v1  }
0x354: {  	v1 =	vld [tilespmem:s13+$0x30];
	[tilespmem:s12+$0x10] =	vst v6  }
0x355: {  	s14 =	simm.s32 $0x6680;
	[tilespmem:s12+$0xFFFFFF10] =	vst v7;
	s13 =	simm.s32 $0x4;
	v4 =	vld [tilespmem:s8+$0x20]  }
.LBB2_28:
0x356: {  	v5 =	vld [tilespmem:s14+$0x40];
	s13 =	sadd.s32 $0x4, s13;
	[tilespmem:s7+$0xFFFFFF30] =	vst v0  }
0x357: {  	v0 =	vld [tilespmem:s14+$0xFFFFFFC0];
	p0 =	slt.u32 s13, $0xC4;
	[tilespmem:s12+$0xA0] =	vst v2  }
0x358: {  	[tilespmem:s12+$0xFFFFFFA0] =	vst v3;
	v2 =	vld [tilespmem:s8+$0x70]  }
0x359: {  	v3 =	vld [tilespmem:s14+$0x0];
	[tilespmem:s7+$0x30] =	vst v1;
	s7 =	smov.u32 s12  }
0x35a: {  	s12 =	sadd.s32 $0x200, s12;
	v1 =	vld [tilespmem:s14+$0xFFFFFF80];
	[tilespmem:s7+$0x20] =	vst v4  }
0x35b: {  	[tilespmem:s12+$0x80] =	vst v5;
	v4 =	vld [tilespmem:s8+$0xFFFFFFA0]  }
0x35c: {  	[tilespmem:s12+$0xFFFFFF80] =	vst v0;
	v0 =	vld [tilespmem:s14+$0x50]  }
0x35d: {  	v5 =	vld [tilespmem:s14+$0xFFFFFFD0];
	[tilespmem:s7+$0xB0] =	vst v2  }
0x35e: {  	[tilespmem:s12+$0x0] =	vst v3;
	v6 =	vld [tilespmem:s8+$0xFFFFFFF0]  }
0x35f: {  	[tilespmem:s12+$0xFFFFFF00] =	vst v1;
	v1 =	vld [tilespmem:s14+$0x10]  }
0x360: {  	v7 =	vld [tilespmem:s14+$0xFFFFFF90];
	[tilespmem:s7+$0xFFFFFF20] =	vst v4  }
.Ltmp13:
0x361: {  	[tilespmem:s12+$0x90] =	vst v0;
	v0 =	vld [tilespmem:s8+$0xFFFFFFB0];
	(pc) =	sbr.rel @p0 .LBB2_28-.Ltmp13, $4  }
0x362: {  	[tilespmem:s12+$0xFFFFFF90] =	vst v5;
	v2 =	vld [tilespmem:s14+$0x60]  }
0x363: {  	v3 =	vld [tilespmem:s14+$0xFFFFFFE0];
	[tilespmem:s7+$0xFFFFFFB0] =	vst v6  }
0x364: {  	[tilespmem:s12+$0x10] =	vst v1;
	v1 =	vld [tilespmem:s8+$0x30];
	s8 =	smov.u32 s14  }
0x365: {  	s14 =	sadd.s32 $0x100, s14;
	[tilespmem:s12+$0xFFFFFF10] =	vst v7;
	v4 =	vld [tilespmem:s8+$0x20]  }
0x366: {  	v5 =	vld [tilespmem:s8+$0xFFFFFFA0]  }
0x367: {  	[tilespmem:s7+$0xFFFFFF30] =	vst v0  }
0x368: {  	[tilespmem:s12+$0xA0] =	vst v2  }
0x369: {  	[tilespmem:s12+$0xFFFFFFA0] =	vst v3;
	v2 =	vld [tilespmem:s8+$0x70]  }
0x36a: {  	v3 =	vld [tilespmem:s8+$0xFFFFFFF0];
	[tilespmem:s12+$0x20] =	vst v4  }
0x36b: {  	[tilespmem:s12+$0xFFFFFF20] =	vst v5;
	v0 =	vld [tilespmem:s8+$0x30]  }
0x36c: {  	v4 =	vld [tilespmem:s8+$0xFFFFFFB0]  }
0x36d: {  	[tilespmem:s7+$0x30] =	vst v1  }
0x36e: {  	[tilespmem:s12+$0xB0] =	vst v2  }
0x36f: {  	[tilespmem:s12+$0xFFFFFFB0] =	vst v3  }
0x370: {  	[tilespmem:s12+$0x30] =	vst v0  }
0x371: {  	[tilespmem:s12+$0xFFFFFF30] =	vst v4  }
0x372: {  	s7 =	rddreg [dreg:$0xa]  }
0x373: {  	[hbm4b:s7+s3] =	stream.linear.scatter [tilespmem:s26], [sflag:$0x4], $0x6400, $0x38;
	[tilespmem:$0x1C200] =	vst v63  }
0x374: {  	_ =	swait.ge [sflag:s29], $0x3200  }
0x375: {  	[sflag:s29] =	ssyncset.done $0x0  }
0x376: {  	[sflag:s29] =	ssyncadd.s32 $0xFFFFCE00  }
0x377: {  	_ =	swait.ge [sflag:s23], $0x6400  }
0x378: {  	[sflag:s23] =	ssyncset.done $0x0  }
0x379: {  	s13 =	simm.s32 $0x9680;
	[sflag:s23] =	ssyncadd.s32 $0xFFFF9C00  }
0x37a: {  	v1 =	vld [tilespmem:s13+$0xFFFFFFC0]  }
0x37b: {  	v0 =	vld [tilespmem:s13+$0x40]  }
0x37c: {  	v2 =	vld [tilespmem:s13+$0x0];
	_ =	sdelay $0x1  }
0x37d: {  	s7 =	simm.s32 $0x15F00  }
0x37e: {  	v3 =	vld [tilespmem:s13+$0xFFFFFF80];
	[tilespmem:s7+$0xFFFFFF80] =	vst v1  }
0x37f: {  	[tilespmem:s7+$0x80] =	vst v0;
	v1 =	vld [tilespmem:s13+$0xFFFFFFD0]  }
0x380: {  	[tilespmem:s7+$0x0] =	vst v2;
	v0 =	vld [tilespmem:s13+$0x50]  }
0x381: {  	v2 =	vld [tilespmem:s13+$0x10]  }
0x382: {  	s8 =	simm.s32 $0x9780  }
0x383: {  	v4 =	vld [tilespmem:s8+$0x40];
	[tilespmem:s7+$0xFFFFFF00] =	vst v3  }
0x384: {  	v3 =	vld [tilespmem:s13+$0xFFFFFF90];
	[tilespmem:s7+$0xFFFFFF90] =	vst v1  }
0x385: {  	[tilespmem:s7+$0x90] =	vst v0;
	v1 =	vld [tilespmem:s13+$0xFFFFFFE0]  }
0x386: {  	[tilespmem:s7+$0x10] =	vst v2;
	v0 =	vld [tilespmem:s13+$0x60]  }
0x387: {  	s12 =	simm.s32 $0x16100;
	v2 =	vld [tilespmem:s13+$0x20]  }
0x388: {  	v5 =	vld [tilespmem:s8+$0xFFFFFFC0];
	[tilespmem:s12+$0x80] =	vst v4  }
0x389: {  	v4 =	vld [tilespmem:s8+$0x50];
	[tilespmem:s7+$0xFFFFFF10] =	vst v3  }
0x38a: {  	[tilespmem:s7+$0xFFFFFFA0] =	vst v1;
	v1 =	vld [tilespmem:s8+$0x0]  }
0x38b: {  	v3 =	vld [tilespmem:s8+$0xFFFFFF80];
	[tilespmem:s7+$0xA0] =	vst v0  }
0x38c: {  	[tilespmem:s7+$0x20] =	vst v2;
	v2 =	vld [tilespmem:s13+$0xFFFFFFA0]  }
0x38d: {  	[tilespmem:s12+$0xFFFFFF80] =	vst v5;
	v0 =	vld [tilespmem:s13+$0x70]  }
0x38e: {  	v5 =	vld [tilespmem:s8+$0xFFFFFFD0];
	[tilespmem:s12+$0x90] =	vst v4  }
0x38f: {  	[tilespmem:s12+$0x0] =	vst v1;
	v1 =	vld [tilespmem:s13+$0xFFFFFFF0]  }
0x390: {  	[tilespmem:s12+$0xFFFFFF00] =	vst v3;
	v6 =	vld [tilespmem:s8+$0x10]  }
0x391: {  	v7 =	vld [tilespmem:s8+$0xFFFFFF90];
	[tilespmem:s7+$0xFFFFFF20] =	vst v2  }
0x392: {  	[tilespmem:s7+$0xB0] =	vst v0;
	v0 =	vld [tilespmem:s13+$0xFFFFFFB0]  }
0x393: {  	[tilespmem:s12+$0xFFFFFF90] =	vst v5;
	v2 =	vld [tilespmem:s8+$0x60]  }
0x394: {  	v3 =	vld [tilespmem:s8+$0xFFFFFFE0];
	[tilespmem:s7+$0xFFFFFFB0] =	vst v1  }
0x395: {  	v1 =	vld [tilespmem:s13+$0x30];
	[tilespmem:s12+$0x10] =	vst v6  }
0x396: {  	s14 =	simm.s32 $0x9880;
	[tilespmem:s12+$0xFFFFFF10] =	vst v7;
	s13 =	simm.s32 $0x4;
	v4 =	vld [tilespmem:s8+$0x20]  }
.LBB2_30:
0x397: {  	v5 =	vld [tilespmem:s14+$0x40];
	s13 =	sadd.s32 $0x4, s13;
	[tilespmem:s7+$0xFFFFFF30] =	vst v0  }
0x398: {  	v0 =	vld [tilespmem:s14+$0xFFFFFFC0];
	p0 =	slt.u32 s13, $0xC4;
	[tilespmem:s12+$0xA0] =	vst v2  }
0x399: {  	[tilespmem:s12+$0xFFFFFFA0] =	vst v3;
	v2 =	vld [tilespmem:s8+$0x70]  }
0x39a: {  	v3 =	vld [tilespmem:s14+$0x0];
	[tilespmem:s7+$0x30] =	vst v1;
	s7 =	smov.u32 s12  }
0x39b: {  	s12 =	sadd.s32 $0x200, s12;
	v1 =	vld [tilespmem:s14+$0xFFFFFF80];
	[tilespmem:s7+$0x20] =	vst v4  }
0x39c: {  	[tilespmem:s12+$0x80] =	vst v5;
	v4 =	vld [tilespmem:s8+$0xFFFFFFA0]  }
0x39d: {  	[tilespmem:s12+$0xFFFFFF80] =	vst v0;
	v0 =	vld [tilespmem:s14+$0x50]  }
0x39e: {  	v5 =	vld [tilespmem:s14+$0xFFFFFFD0];
	[tilespmem:s7+$0xB0] =	vst v2  }
0x39f: {  	[tilespmem:s12+$0x0] =	vst v3;
	v6 =	vld [tilespmem:s8+$0xFFFFFFF0]  }
0x3a0: {  	[tilespmem:s12+$0xFFFFFF00] =	vst v1;
	v1 =	vld [tilespmem:s14+$0x10]  }
0x3a1: {  	v7 =	vld [tilespmem:s14+$0xFFFFFF90];
	[tilespmem:s7+$0xFFFFFF20] =	vst v4  }
.Ltmp14:
0x3a2: {  	[tilespmem:s12+$0x90] =	vst v0;
	v0 =	vld [tilespmem:s8+$0xFFFFFFB0];
	(pc) =	sbr.rel @p0 .LBB2_30-.Ltmp14, $4  }
0x3a3: {  	[tilespmem:s12+$0xFFFFFF90] =	vst v5;
	v2 =	vld [tilespmem:s14+$0x60]  }
0x3a4: {  	v3 =	vld [tilespmem:s14+$0xFFFFFFE0];
	[tilespmem:s7+$0xFFFFFFB0] =	vst v6  }
0x3a5: {  	[tilespmem:s12+$0x10] =	vst v1;
	v1 =	vld [tilespmem:s8+$0x30];
	s8 =	smov.u32 s14  }
0x3a6: {  	s14 =	sadd.s32 $0x100, s14;
	[tilespmem:s12+$0xFFFFFF10] =	vst v7;
	v4 =	vld [tilespmem:s8+$0x20]  }
0x3a7: {  	v5 =	vld [tilespmem:s8+$0xFFFFFFA0];
	_ =	sdelay $0x1  }
0x3a8: {  	[tilespmem:s12+$0xA0] =	vst v2  }
0x3a9: {  	[tilespmem:s12+$0xFFFFFFA0] =	vst v3;
	v2 =	vld [tilespmem:s8+$0x70]  }
0x3aa: {  	v3 =	vld [tilespmem:s8+$0xFFFFFFF0];
	[tilespmem:s12+$0x20] =	vst v4  }
0x3ab: {  	[tilespmem:s12+$0xFFFFFF20] =	vst v5;
	v63 =	vld [tilespmem:s8+$0x30]  }
0x3ac: {  	[tilespmem:s7+$0xFFFFFF30] =	vst v0;
	v62 =	vld [tilespmem:s8+$0xFFFFFFB0]  }
0x3ad: {  	[tilespmem:s7+$0x30] =	vst v1  }
0x3ae: {  	[tilespmem:s12+$0xB0] =	vst v2  }
0x3af: {  	[tilespmem:s12+$0xFFFFFFB0] =	vst v3  }
0x3b0: {  	[tilespmem:s12+$0x30] =	vst v63  }
0x3b1: {  	[tilespmem:s12+$0xFFFFFF30] =	vst v62  }
0x3b2: {  	s31 =	sadd.s32 $0x1, s31;
	s7 =	rddreg [dreg:$0xb]  }
0x3b3: {  	[hbm4b:s7+s3] =	stream.linear.scatter [tilespmem:s30], [sflag:$0x5], $0x6400, $0x38;
	[tilespmem:$0x1C200] =	vst v63  }
0x3b4: {  	p0 =	sne.s32 s31, s18;
	_ =	swait.ge [sflag:s0], $0x6400  }
.Ltmp15:
0x3b5: {  	[sflag:s0] =	ssyncset.done $0x0;
	(pc) =	sbr.rel @p0 .LBB2_1-.Ltmp15, $4  }
0x3b6: {  	[sflag:s0] =	ssyncadd.s32 $0xFFFF9C00  }
0x3b7: {  	_ =	swait.ge [sflag:s23], $0x6400  }
0x3b8: {  	[sflag:s23] =	ssyncset.done $0x0  }
0x3b9: {  	[sflag:s23] =	ssyncadd.s32 $0xFFFF9C00  }
0x3ba: {  	_ =	sfence.sel $0x180000  }
0x3bb: {  	[bflag:$0x0] =	sbarrier.arrive $0xFFFF  }
0x3bc: {  	_ =	strace $0x90000047  }
0x3bd: {  	s0 =	stileid.u32;
	[bflag:$0x2] =	sbarrier.arrive $0xFFFF  }
0x3be: {  	p0 =	sne.s32 s0, $0x0;
	s0 =	rddreg [dreg:$0x3]  }
0x3bf: {  	s0 =	sadd.s32 @!p0 $0x100000, s0  }
0x3c0: {  	[sflag:s0] =	ssyncadd.tile.s32 @!p0 $0x1;
	_ =	shalt  }
.Lfunc_end2:
_tile_overlayer_lowered:
.L_overlay_start_2:
0x3c1: {  	(tag) =	ssettag $0x2  }
0x3c2: {  	s0 =	rddreg [dreg:$0x0];
	s2 =	stileid.u32  }
0x3c3: {  	s1 =	rddreg [dreg:$0x1];
	p0 =	sne.s32 s2, $0x0  }
0x3c4: {  	s3 =	rddreg [dreg:$0x2];
	[bflag:$0x3] =	sbarrier.arrive $0xFFFF;
	s2 =	simm.s32 @!p0 $0x1C06  }
0x3c5: {  	[timem:s3], [sflag:s2] =	dma.local @!p0 [hbm:s0], s1  }
0x3c6: {  	s0 =	simm.s32 @!p0 $0x6  }
0x3c7: {  	_ =	swait.ge @!p0 [sflag:s0], s1  }
0x3c8: {  	s1 =	ssub.s32 @!p0 $0x0, s1;
	[sflag:s0] =	ssyncset.done @!p0 $0x0  }
0x3c9: {  	[sflag:s0] =	ssyncadd.s32 @!p0 s1  }
0x3ca: {  	[bflag:$0x3] =	sbarrier.arrive $0xFFFF  }
0x3cb: {  	_ =	shalt  }

</sc_bundles>
